<compile_context>
chip_gen: v7x
topology: tpu7x:2x2x1
jax: 0.10.2.dev20260603
libtpu: 0.0.44.dev20260713+nightly
codegen_flags: <defaults>
</compile_context>

<pallas_src>
import functools

import jax
import jax.numpy as jnp
from jax import lax
from jax.experimental import pallas as pl
from jax.experimental.pallas import tpu as pltpu
from jax.experimental.pallas import tpu_sc as plsc

_NUM_HEADS = 16
_MAX_DIST = 128
_S = 2048
_L = 16
_BT = 256
_NB = _S // _BT
_WW = 2 * _BT
_NDELTA = 3
_HW = 2 * _WW
_PW = _HW // 2


def _sc_bands_body(table_hbm, bands_hbm, idx_v, seg_v, sem):
    h = lax.axis_index("s")
    half = lax.axis_index("c")
    p0 = half * _PW

    lane = lax.iota(jnp.int32, _L)

    def build_idx(ch, _):
        t = p0 + ch * _L + lane
        d = t - (_WW - 1)
        idx = (jnp.clip(d, -_MAX_DIST, _MAX_DIST) + _MAX_DIST) * _NUM_HEADS + h
        idx_v[pl.ds(pl.multiple_of(ch * _L, _L), _L)] = idx
        return _

    lax.fori_loop(0, _PW // _L, build_idx, None)

    for q in range(_PW // 128):
        off = 128 * q
        pltpu.async_copy(
            table_hbm.at[idx_v.at[pl.ds(off, 128)]],
            seg_v.at[pl.ds(off, 128)],
            sem,
        )
    for q in range(_PW // 128):
        pltpu.make_async_copy(
            table_hbm.at[pl.ds(0, 128)], seg_v.at[pl.ds(0, 128)], sem
        ).wait()

    woff = pl.multiple_of(h * _HW + p0, _L)
    pltpu.sync_copy(seg_v, bands_hbm.at[pl.ds(woff, _PW)])


@functools.partial(
    pl.kernel,
    mesh=plsc.VectorSubcoreMesh(core_axis_name="c", subcore_axis_name="s"),
    out_type=jax.ShapeDtypeStruct((_NUM_HEADS * _HW,), jnp.float32),
    scratch_types=[
        pltpu.VMEM((_PW,), jnp.int32),
        pltpu.VMEM((_PW,), jnp.float32),
        pltpu.SemaphoreType.DMA,
    ],
)
def _sc_bands(table_hbm, bands_hbm, idx_v, seg_v, sem):
    _sc_bands_body(table_hbm, bands_hbm, idx_v, seg_v, sem)


_KOFF = (256, 512, 0)


def _shear_quarter(w_row, q, k):
    base = _KOFF[k] + 192 - 64 * q
    wq = w_row[base:base + 320]
    y = jnp.broadcast_to(wq[None, :], (64, 320))
    row = lax.broadcasted_iota(jnp.int32, (64, 320), 0)
    for b in range(6):
        amt = 1 << b
        shifted = jnp.concatenate(
            [y[:, amt:], jnp.zeros((64, amt), jnp.float32)], axis=1
        )
        apply = ((row >> b) & 1) == 0
        y = jnp.where(apply, shifted, y)
    return y[:, :_BT]


def _tc_body(bands_ref, out_ref, scr_ref):
    hh = pl.program_id(0)
    g = pl.program_id(1)
    p = lax.rem(hh, 2)

    @pl.when((hh == 0) & (g == 0))
    def _build_cold():
        for k in range(_NDELTA):
            for q in range(4):
                scr_ref[0, k, 64 * q:64 * (q + 1), :] = _shear_quarter(
                    bands_ref[0, 0], q, k
                )

    for k in range(_NDELTA):
        @pl.when((g == (1 if k < 2 else 2)) & (hh < _NUM_HEADS - 1))
        def _build_next(k=k):
            for q in range(4):
                scr_ref[1 - p, k, 64 * q:64 * (q + 1), :] = _shear_quarter(
                    bands_ref[0, 0], q, k
                )

    c0v = scr_ref[p, 2, 0:1, 0:1]
    c256v = scr_ref[p, 1, 0:1, 255:256]

    for sp in range(2):
        ib = 2 * g + sp
        r0, r1 = sp * _BT, (sp + 1) * _BT

        for jb in range(_NB):
            @pl.when(jnp.logical_or(jb < ib - 1, jb > ib + 1))
            def _fill(jb=jb, r0=r0, r1=r1, ib=ib):
                val = jnp.where(jb < ib, c0v, c256v)
                out_ref[0, r0:r1, jb * _BT:(jb + 1) * _BT] = jnp.broadcast_to(
                    val, (_BT, _BT)
                )

        @pl.when(ib >= 1)
        def _left(r0=r0, r1=r1, ib=ib):
            out_ref[0, r0:r1, pl.ds((ib - 1) * _BT, _BT)] = scr_ref[p, 2]

        out_ref[0, r0:r1, pl.ds(ib * _BT, _BT)] = scr_ref[p, 0]

        @pl.when(ib <= _NB - 2)
        def _right(r0=r0, r1=r1, ib=ib):
            out_ref[0, r0:r1, pl.ds((ib + 1) * _BT, _BT)] = scr_ref[p, 1]


@functools.partial(
    pl.pallas_call,
    grid=(_NUM_HEADS, _NB // 2),
    in_specs=[
        pl.BlockSpec(
            (1, 1, _HW),
            lambda hh, g: (
                jnp.minimum(hh + (g >= 1).astype(jnp.int32), _NUM_HEADS - 1),
                0,
                0,
            ),
        ),
    ],
    out_specs=pl.BlockSpec((1, 2 * _BT, _S), lambda hh, g: (hh, g, 0)),
    out_shape=jax.ShapeDtypeStruct((_NUM_HEADS, _S, _S), jnp.float32),
    scratch_shapes=[pltpu.VMEM((2, _NDELTA, _BT, _BT), jnp.float32)],
)
def _tc_expand(bands_ref, out_ref, scr_ref):
    _tc_body(bands_ref, out_ref, scr_ref)


def kernel(seq_len, table):
    del seq_len
    bands = _sc_bands(table.reshape(-1))
    return _tc_expand(bands.reshape(_NUM_HEADS, 1, _HW))

# --- scband reference (transcript-rebuilt; emitter-appended) ---
"""Pipeline reference for scband-relative-position-encoding-76106820485461 (READ-ONLY COPY).

The authoritative reference and input builder live on the scoring server;
editing this copy changes nothing except your own understanding.
"""

import jax, jax.numpy as jnp
import numpy as np

NUM_HEADS = 16
MAX_DISTANCE = 128
SEQ_LEN = 2048


def setup_inputs(seed: int = 0) -> dict:
    key = jax.random.key(seed)
    table = jax.random.normal(key, (2 * MAX_DISTANCE + 1, NUM_HEADS), dtype=jnp.float32)
    return {"seq_len": SEQ_LEN, "table": table}


def reference(seq_len, table):
    positions = jnp.arange(SEQ_LEN, dtype=jnp.int32) + jnp.asarray(seq_len, dtype=jnp.int32) * 0
    relative_positions = positions[None, :] - positions[:, None]
    relative_positions = jnp.clip(relative_positions, -MAX_DISTANCE, MAX_DISTANCE) + MAX_DISTANCE
    # embedding lookup: gather rows of table by relative position index
    bias = jnp.take(table, relative_positions, axis=0)  # (S, S, H)
    bias = jnp.transpose(bias, (2, 0, 1))  # (H, S, S)
    return bias

if __name__ == "__main__":
    import jax
    _d = setup_inputs()
    print(jax.jit(kernel)(*tuple(_d.values())))

</pallas_src>

<mosaic_0001>
#map = affine_map<(d0, d1) -> (0)>
module attributes {stable_mosaic.version = 14 : i64} {
  func.func @_sc_bands(%arg0: i32, %arg1: i32, %arg2: memref<4112xf32, #tpu.memory_space<hbm>>, %arg3: memref<16384xf32, #tpu.memory_space<hbm>>, %arg4: memref<512xi32, #tpu.memory_space<vmem>>, %arg5: memref<512xf32, #tpu.memory_space<vmem>>, %arg6: memref<!tpu.dma_semaphore, #tpu.memory_space<semaphore_mem>>) attributes {dimension_semantics = [#tpu.dimension_semantics<core_parallel>, #tpu.dimension_semantics<subcore_parallel>], iteration_bounds = array<i64: 2, 16>, scalar_prefetch = 0 : i64, scratch_operands = 3 : i64, tpu.core_type = #tpu.core_type<sc_vector_subcore>, window_params = [{transform_indices = #map}, {transform_indices = #map}]} {
    %mul3A = arith.constant 512 : i32
    %mul3A_0 = arith.muli %arg0, %mul3A : i32
    %iota3A = tpu.iota {dimensions = array<i32: 0>} : vector<16xi32>
    %scan3A = arith.constant 0 : i32
    %scan3A_1 = arith.constant 32 : i32
    %scan3A_2 = arith.addi %scan3A, %scan3A_1 : i32
    %scan3A_3 = arith.constant 1 : i32
    scf.for %scan3A_61 = %scan3A to %scan3A_2 step %scan3A_3  : i32 {
      %mul3A_62 = arith.constant 16 : i32
      %mul3A_63 = arith.muli %scan3A_61, %mul3A_62 : i32
      %add3A_64 = arith.addi %mul3A_0, %mul3A_63 : i32
      %add3A_65 = vector.broadcast %add3A_64 : i32 to vector<16xi32>
      %add3A_66 = arith.addi %add3A_65, %iota3A : vector<16xi32>
      %sub3A = arith.constant 511 : i32
      %sub3A_67 = vector.broadcast %sub3A : i32 to vector<16xi32>
      %sub3A_68 = arith.subi %add3A_66, %sub3A_67 : vector<16xi32>
      %jit3A = arith.constant -128 : i32
      %jit3A_69 = arith.constant 128 : i32
      %max3A = vector.broadcast %jit3A : i32 to vector<16xi32>
      %max3A_70 = arith.maxsi %max3A, %sub3A_68 : vector<16xi32>
      %min3A = vector.broadcast %jit3A_69 : i32 to vector<16xi32>
      %min3A_71 = arith.minsi %min3A, %max3A_70 : vector<16xi32>
      %add3A_72 = arith.constant 128 : i32
      %add3A_73 = vector.broadcast %add3A_72 : i32 to vector<16xi32>
      %add3A_74 = arith.addi %min3A_71, %add3A_73 : vector<16xi32>
      %mul3A_75 = arith.constant 16 : i32
      %mul3A_76 = vector.broadcast %mul3A_75 : i32 to vector<16xi32>
      %mul3A_77 = arith.muli %add3A_74, %mul3A_76 : vector<16xi32>
      %add3A_78 = vector.broadcast %arg1 : i32 to vector<16xi32>
      %add3A_79 = arith.addi %mul3A_77, %add3A_78 : vector<16xi32>
      %mul3A_80 = arith.constant 16 : i32
      %mul3A_81 = arith.muli %scan3A_61, %mul3A_80 : i32
      %multiple_of3A_82 = tpu.assume_multiple %mul3A_81, 16 : i32
      %swap3A = arith.index_cast %multiple_of3A_82 : i32 to index
      %swap3A_83 = tpu.vector_load %arg4[%swap3A] {strides = array<i32>} : memref<512xi32, #tpu.memory_space<vmem>>, vector<16xi32>,
      %swap3A_84 = vector.shape_cast %swap3A_83 : vector<16xi32> to vector<16xi32>
      %swap3A_85 = vector.shape_cast %add3A_79 : vector<16xi32> to vector<16xi32>
      tpu.vector_store %arg4[%swap3A], %swap3A_85 {strides = array<i32>} : memref<512xi32, #tpu.memory_space<vmem>>, vector<16xi32>,
    }
    %scan3A_4 = arith.constant 32 : i32
    %dma_start3A = arith.constant 0 : i32
    %dma_start3A_5 = tpu.memref_slice %arg5[%dma_start3A] : memref<512xf32, #tpu.memory_space<vmem>> -> memref<128xf32, #tpu.memory_space<vmem>>
    %dma_start3A_6 = arith.constant 0 : i32
    %dma_start3A_7 = tpu.memref_slice %arg4[%dma_start3A_6] : memref<512xi32, #tpu.memory_space<vmem>> -> memref<128xi32, #tpu.memory_space<vmem>>
    %dma_start3A_8 = arith.constant 0 : i32
    %dma_start3A_9 = tpu.memref_slice %arg2[%dma_start3A_8] : memref<4112xf32, #tpu.memory_space<hbm>> -> memref<4112xf32, #tpu.memory_space<hbm>>
    tpu.enqueue_indirect_dma source(%dma_start3A_9 : memref<4112xf32, #tpu.memory_space<hbm>>) target(%dma_start3A_5 : memref<128xf32, #tpu.memory_space<vmem>>) offsets(%dma_start3A_7 : memref<128xi32, #tpu.memory_space<vmem>>) semaphore(%arg6 : memref<!tpu.dma_semaphore, #tpu.memory_space<semaphore_mem>>)
    %dma_start3A_10 = arith.constant 128 : i32
    %dma_start3A_11 = tpu.memref_slice %arg5[%dma_start3A_10] : memref<512xf32, #tpu.memory_space<vmem>> -> memref<128xf32, #tpu.memory_space<vmem>>
    %dma_start3A_12 = arith.constant 128 : i32
    %dma_start3A_13 = tpu.memref_slice %arg4[%dma_start3A_12] : memref<512xi32, #tpu.memory_space<vmem>> -> memref<128xi32, #tpu.memory_space<vmem>>
    %dma_start3A_14 = arith.constant 0 : i32
    %dma_start3A_15 = tpu.memref_slice %arg2[%dma_start3A_14] : memref<4112xf32, #tpu.memory_space<hbm>> -> memref<4112xf32, #tpu.memory_space<hbm>>
    tpu.enqueue_indirect_dma source(%dma_start3A_15 : memref<4112xf32, #tpu.memory_space<hbm>>) target(%dma_start3A_11 : memref<128xf32, #tpu.memory_space<vmem>>) offsets(%dma_start3A_13 : memref<128xi32, #tpu.memory_space<vmem>>) semaphore(%arg6 : memref<!tpu.dma_semaphore, #tpu.memory_space<semaphore_mem>>)
    %dma_start3A_16 = arith.constant 256 : i32
    %dma_start3A_17 = tpu.memref_slice %arg5[%dma_start3A_16] : memref<512xf32, #tpu.memory_space<vmem>> -> memref<128xf32, #tpu.memory_space<vmem>>
    %dma_start3A_18 = arith.constant 256 : i32
    %dma_start3A_19 = tpu.memref_slice %arg4[%dma_start3A_18] : memref<512xi32, #tpu.memory_space<vmem>> -> memref<128xi32, #tpu.memory_space<vmem>>
    %dma_start3A_20 = arith.constant 0 : i32
    %dma_start3A_21 = tpu.memref_slice %arg2[%dma_start3A_20] : memref<4112xf32, #tpu.memory_space<hbm>> -> memref<4112xf32, #tpu.memory_space<hbm>>
    tpu.enqueue_indirect_dma source(%dma_start3A_21 : memref<4112xf32, #tpu.memory_space<hbm>>) target(%dma_start3A_17 : memref<128xf32, #tpu.memory_space<vmem>>) offsets(%dma_start3A_19 : memref<128xi32, #tpu.memory_space<vmem>>) semaphore(%arg6 : memref<!tpu.dma_semaphore, #tpu.memory_space<semaphore_mem>>)
    %dma_start3A_22 = arith.constant 384 : i32
    %dma_start3A_23 = tpu.memref_slice %arg5[%dma_start3A_22] : memref<512xf32, #tpu.memory_space<vmem>> -> memref<128xf32, #tpu.memory_space<vmem>>
    %dma_start3A_24 = arith.constant 384 : i32
    %dma_start3A_25 = tpu.memref_slice %arg4[%dma_start3A_24] : memref<512xi32, #tpu.memory_space<vmem>> -> memref<128xi32, #tpu.memory_space<vmem>>
    %dma_start3A_26 = arith.constant 0 : i32
    %dma_start3A_27 = tpu.memref_slice %arg2[%dma_start3A_26] : memref<4112xf32, #tpu.memory_space<hbm>> -> memref<4112xf32, #tpu.memory_space<hbm>>
    tpu.enqueue_indirect_dma source(%dma_start3A_27 : memref<4112xf32, #tpu.memory_space<hbm>>) target(%dma_start3A_23 : memref<128xf32, #tpu.memory_space<vmem>>) offsets(%dma_start3A_25 : memref<128xi32, #tpu.memory_space<vmem>>) semaphore(%arg6 : memref<!tpu.dma_semaphore, #tpu.memory_space<semaphore_mem>>)
    %dma_wait3A = arith.constant 0 : i32
    %dma_wait3A_28 = tpu.memref_slice %arg5[%dma_wait3A] : memref<512xf32, #tpu.memory_space<vmem>> -> memref<128xf32, #tpu.memory_space<vmem>>
    %dma_wait3A_29 = arith.constant 0 : i32
    %dma_wait3A_30 = tpu.memref_slice %arg2[%dma_wait3A_29] : memref<4112xf32, #tpu.memory_space<hbm>> -> memref<128xf32, #tpu.memory_space<hbm>>
    %dma_wait3A_31 = arith.constant 0 : i32
    %dma_wait3A_32 = tpu.memref_slice %arg5[%dma_wait3A_31] : memref<512xf32, #tpu.memory_space<vmem>> -> memref<128xf32, #tpu.memory_space<vmem>>
    %dma_wait3A_33 = arith.constant 0 : i32
    %dma_wait3A_34 = tpu.memref_slice %arg2[%dma_wait3A_33] : memref<4112xf32, #tpu.memory_space<hbm>> -> memref<128xf32, #tpu.memory_space<hbm>>
    tpu.wait_dma2 semaphore(%arg6 : memref<!tpu.dma_semaphore, #tpu.memory_space<semaphore_mem>>) src(%dma_wait3A_34 : memref<128xf32, #tpu.memory_space<hbm>>) dst(%dma_wait3A_32 : memref<128xf32, #tpu.memory_space<vmem>>)
    %dma_wait3A_35 = arith.constant 0 : i32
    %dma_wait3A_36 = tpu.memref_slice %arg5[%dma_wait3A_35] : memref<512xf32, #tpu.memory_space<vmem>> -> memref<128xf32, #tpu.memory_space<vmem>>
    %dma_wait3A_37 = arith.constant 0 : i32
    %dma_wait3A_38 = tpu.memref_slice %arg2[%dma_wait3A_37] : memref<4112xf32, #tpu.memory_space<hbm>> -> memref<128xf32, #tpu.memory_space<hbm>>
    %dma_wait3A_39 = arith.constant 0 : i32
    %dma_wait3A_40 = tpu.memref_slice %arg5[%dma_wait3A_39] : memref<512xf32, #tpu.memory_space<vmem>> -> memref<128xf32, #tpu.memory_space<vmem>>
    %dma_wait3A_41 = arith.constant 0 : i32
    %dma_wait3A_42 = tpu.memref_slice %arg2[%dma_wait3A_41] : memref<4112xf32, #tpu.memory_space<hbm>> -> memref<128xf32, #tpu.memory_space<hbm>>
    tpu.wait_dma2 semaphore(%arg6 : memref<!tpu.dma_semaphore, #tpu.memory_space<semaphore_mem>>) src(%dma_wait3A_42 : memref<128xf32, #tpu.memory_space<hbm>>) dst(%dma_wait3A_40 : memref<128xf32, #tpu.memory_space<vmem>>)
    %dma_wait3A_43 = arith.constant 0 : i32
    %dma_wait3A_44 = tpu.memref_slice %arg5[%dma_wait3A_43] : memref<512xf32, #tpu.memory_space<vmem>> -> memref<128xf32, #tpu.memory_space<vmem>>
    %dma_wait3A_45 = arith.constant 0 : i32
    %dma_wait3A_46 = tpu.memref_slice %arg2[%dma_wait3A_45] : memref<4112xf32, #tpu.memory_space<hbm>> -> memref<128xf32, #tpu.memory_space<hbm>>
    %dma_wait3A_47 = arith.constant 0 : i32
    %dma_wait3A_48 = tpu.memref_slice %arg5[%dma_wait3A_47] : memref<512xf32, #tpu.memory_space<vmem>> -> memref<128xf32, #tpu.memory_space<vmem>>
    %dma_wait3A_49 = arith.constant 0 : i32
    %dma_wait3A_50 = tpu.memref_slice %arg2[%dma_wait3A_49] : memref<4112xf32, #tpu.memory_space<hbm>> -> memref<128xf32, #tpu.memory_space<hbm>>
    tpu.wait_dma2 semaphore(%arg6 : memref<!tpu.dma_semaphore, #tpu.memory_space<semaphore_mem>>) src(%dma_wait3A_50 : memref<128xf32, #tpu.memory_space<hbm>>) dst(%dma_wait3A_48 : memref<128xf32, #tpu.memory_space<vmem>>)
    %dma_wait3A_51 = arith.constant 0 : i32
    %dma_wait3A_52 = tpu.memref_slice %arg5[%dma_wait3A_51] : memref<512xf32, #tpu.memory_space<vmem>> -> memref<128xf32, #tpu.memory_space<vmem>>
    %dma_wait3A_53 = arith.constant 0 : i32
    %dma_wait3A_54 = tpu.memref_slice %arg2[%dma_wait3A_53] : memref<4112xf32, #tpu.memory_space<hbm>> -> memref<128xf32, #tpu.memory_space<hbm>>
    %dma_wait3A_55 = arith.constant 0 : i32
    %dma_wait3A_56 = tpu.memref_slice %arg5[%dma_wait3A_55] : memref<512xf32, #tpu.memory_space<vmem>> -> memref<128xf32, #tpu.memory_space<vmem>>
    %dma_wait3A_57 = arith.constant 0 : i32
    %dma_wait3A_58 = tpu.memref_slice %arg2[%dma_wait3A_57] : memref<4112xf32, #tpu.memory_space<hbm>> -> memref<128xf32, #tpu.memory_space<hbm>>
    tpu.wait_dma2 semaphore(%arg6 : memref<!tpu.dma_semaphore, #tpu.memory_space<semaphore_mem>>) src(%dma_wait3A_58 : memref<128xf32, #tpu.memory_space<hbm>>) dst(%dma_wait3A_56 : memref<128xf32, #tpu.memory_space<vmem>>)
    %mul3A_59 = arith.constant 1024 : i32
    %mul3A_60 = arith.muli %arg1, %mul3A_59 : i32
    %add3A = arith.addi %mul3A_60, %mul3A_0 : i32
    %multiple_of3A = tpu.assume_multiple %add3A, 16 : i32
    "tpu.region"() ({
      %run_scoped3A = tpu.sem_alloc : memref<!tpu.dma_semaphore, #tpu.memory_space<semaphore_mem>>
      %dma_start3A_61 = tpu.memref_slice %arg3[%multiple_of3A] : memref<16384xf32, #tpu.memory_space<hbm>> -> memref<512xf32, #tpu.memory_space<hbm>>
      %dma_start3A_62 = tpu.memref_slice %arg3[%multiple_of3A] : memref<16384xf32, #tpu.memory_space<hbm>> -> memref<512xf32, #tpu.memory_space<hbm>>
      tpu.enqueue_dma source(%arg5 : memref<512xf32, #tpu.memory_space<vmem>>) target(%dma_start3A_62 : memref<512xf32, #tpu.memory_space<hbm>>) target_semaphore(%run_scoped3A : memref<!tpu.dma_semaphore, #tpu.memory_space<semaphore_mem>>)
      %dma_wait3A_63 = tpu.memref_slice %arg3[%multiple_of3A] : memref<16384xf32, #tpu.memory_space<hbm>> -> memref<512xf32, #tpu.memory_space<hbm>>
      %dma_wait3A_64 = tpu.memref_slice %arg3[%multiple_of3A] : memref<16384xf32, #tpu.memory_space<hbm>> -> memref<512xf32, #tpu.memory_space<hbm>>
      tpu.wait_dma2 semaphore(%run_scoped3A : memref<!tpu.dma_semaphore, #tpu.memory_space<semaphore_mem>>) src(%arg5 : memref<512xf32, #tpu.memory_space<vmem>>) dst(%dma_wait3A_64 : memref<512xf32, #tpu.memory_space<hbm>>)
      tpu.yield
    }) : () -> ()
    return
  }
}

module attributes {stable_mosaic.version = 14 : i64} {
  func.func @_tc_expand(%arg0: i32, %arg1: i32, %arg2: memref<1x1x1024xf32, #tpu.memory_space<vmem>>, %arg3: memref<1x512x2048xf32, #tpu.memory_space<vmem>>, %arg4: memref<2x3x256x256xf32, #tpu.memory_space<vmem>>) attributes {dimension_semantics = [#tpu.dimension_semantics<arbitrary>, #tpu.dimension_semantics<arbitrary>], iteration_bounds = array<i64: 16, 4>, scalar_prefetch = 0 : i64, scratch_operands = 1 : i64, tpu.core_type = #tpu.core_type<tc>, window_params = [{transform_indices = @transform_0, window_bounds = array<i64: 1, 1, 1024>}, {transform_indices = @transform_1, window_bounds = array<i64: 1, 512, 2048>}]} {
    %rem3A = arith.constant 2 : i32
    %rem3A_0 = arith.remsi %arg0, %rem3A : i32
    %eq3A = arith.constant 0 : i32
    %eq3A_1 = arith.cmpi eq, %arg0, %eq3A : i32
    %eq3A_2 = arith.constant 0 : i32
    %eq3A_3 = arith.cmpi eq, %arg1, %eq3A_2 : i32
    %and3A = arith.andi %eq3A_1, %eq3A_3 : i1
    %convert_element_type3A = arith.extui %and3A : i1 to i32
    %cond3A = arith.constant 0 : i32
    %cond3A_4 = arith.cmpi ne, %convert_element_type3A, %cond3A : i32
    scf.if %cond3A_4 {
      %get3A_279 = arith.constant 0 : index
      %get3A_280 = arith.constant 0 : index
      %get3A_281 = arith.constant 0 : index
      %get3A_282 = vector.load %arg2[%get3A_279, %get3A_280, %get3A_281] : memref<1x1x1024xf32, #tpu.memory_space<vmem>>, vector<1x1x1024xf32>
      %get3A_283 = vector.shape_cast %get3A_282 : vector<1x1x1024xf32> to vector<1024xf32>
      %slice3A = vector.extract_strided_slice %get3A_283 {offsets = [448], sizes = [320], strides = [1]} : vector<1024xf32> to vector<320xf32>
      %broadcast_in_dim3A = vector.shape_cast %slice3A : vector<320xf32> to vector<1x320xf32>
      %broadcast_in_dim3A_284 = vector.shape_cast %broadcast_in_dim3A : vector<1x320xf32> to vector<1x320xf32>
      %broadcast_in_dim3A_285 = vector.broadcast %broadcast_in_dim3A_284 : vector<1x320xf32> to vector<64x320xf32>
      %iota3A = tpu.iota {dimensions = array<i32: 0>} : vector<64x320xi32>
      %slice3A_286 = vector.extract_strided_slice %broadcast_in_dim3A_285 {offsets = [0, 1], sizes = [64, 319], strides = [1, 1]} : vector<64x320xf32> to vector<64x319xf32>
      %broadcast_in_dim3A_287 = arith.constant 0.000000e+00 : f32
      %broadcast_in_dim3A_288 = vector.broadcast %broadcast_in_dim3A_287 : f32 to vector<64x1xf32>
      %concatenate3A = tpu.concatenate %slice3A_286, %broadcast_in_dim3A_288 in 1 : vector<64x319xf32>, vector<64x1xf32> -> vector<64x320xf32>
      %shift_right_arithmetic3A = arith.constant 0 : i32
      %shift_right_arithmetic3A_289 = vector.broadcast %shift_right_arithmetic3A : i32 to vector<64x320xi32>
      %shift_right_arithmetic3A_290 = arith.shrsi %iota3A, %shift_right_arithmetic3A_289 : vector<64x320xi32>
      %and3A_291 = arith.constant 1 : i32
      %and3A_292 = vector.broadcast %and3A_291 : i32 to vector<64x320xi32>
      %and3A_293 = arith.andi %shift_right_arithmetic3A_290, %and3A_292 : vector<64x320xi32>
      %eq3A_294 = arith.constant 0 : i32
      %eq3A_295 = vector.broadcast %eq3A_294 : i32 to vector<64x320xi32>
      %eq3A_296 = arith.cmpi eq, %and3A_293, %eq3A_295 : vector<64x320xi32>
      %select_n3A = arith.select %eq3A_296, %concatenate3A, %broadcast_in_dim3A_285 : vector<64x320xi1>, vector<64x320xf32>
      %slice3A_297 = vector.extract_strided_slice %select_n3A {offsets = [0, 2], sizes = [64, 318], strides = [1, 1]} : vector<64x320xf32> to vector<64x318xf32>
      %broadcast_in_dim3A_298 = arith.constant 0.000000e+00 : f32
      %broadcast_in_dim3A_299 = vector.broadcast %broadcast_in_dim3A_298 : f32 to vector<64x2xf32>
      %concatenate3A_300 = tpu.concatenate %slice3A_297, %broadcast_in_dim3A_299 in 1 : vector<64x318xf32>, vector<64x2xf32> -> vector<64x320xf32>
      %shift_right_arithmetic3A_301 = arith.constant 1 : i32
      %shift_right_arithmetic3A_302 = vector.broadcast %shift_right_arithmetic3A_301 : i32 to vector<64x320xi32>
      %shift_right_arithmetic3A_303 = arith.shrsi %iota3A, %shift_right_arithmetic3A_302 : vector<64x320xi32>
      %and3A_304 = arith.constant 1 : i32
      %and3A_305 = vector.broadcast %and3A_304 : i32 to vector<64x320xi32>
      %and3A_306 = arith.andi %shift_right_arithmetic3A_303, %and3A_305 : vector<64x320xi32>
      %eq3A_307 = arith.constant 0 : i32
      %eq3A_308 = vector.broadcast %eq3A_307 : i32 to vector<64x320xi32>
      %eq3A_309 = arith.cmpi eq, %and3A_306, %eq3A_308 : vector<64x320xi32>
      %select_n3A_310 = arith.select %eq3A_309, %concatenate3A_300, %select_n3A : vector<64x320xi1>, vector<64x320xf32>
      %slice3A_311 = vector.extract_strided_slice %select_n3A_310 {offsets = [0, 4], sizes = [64, 316], strides = [1, 1]} : vector<64x320xf32> to vector<64x316xf32>
      %broadcast_in_dim3A_312 = arith.constant 0.000000e+00 : f32
      %broadcast_in_dim3A_313 = vector.broadcast %broadcast_in_dim3A_312 : f32 to vector<64x4xf32>
      %concatenate3A_314 = tpu.concatenate %slice3A_311, %broadcast_in_dim3A_313 in 1 : vector<64x316xf32>, vector<64x4xf32> -> vector<64x320xf32>
      %shift_right_arithmetic3A_315 = arith.constant 2 : i32
      %shift_right_arithmetic3A_316 = vector.broadcast %shift_right_arithmetic3A_315 : i32 to vector<64x320xi32>
      %shift_right_arithmetic3A_317 = arith.shrsi %iota3A, %shift_right_arithmetic3A_316 : vector<64x320xi32>
      %and3A_318 = arith.constant 1 : i32
      %and3A_319 = vector.broadcast %and3A_318 : i32 to vector<64x320xi32>
      %and3A_320 = arith.andi %shift_right_arithmetic3A_317, %and3A_319 : vector<64x320xi32>
      %eq3A_321 = arith.constant 0 : i32
      %eq3A_322 = vector.broadcast %eq3A_321 : i32 to vector<64x320xi32>
      %eq3A_323 = arith.cmpi eq, %and3A_320, %eq3A_322 : vector<64x320xi32>
      %select_n3A_324 = arith.select %eq3A_323, %concatenate3A_314, %select_n3A_310 : vector<64x320xi1>, vector<64x320xf32>
      %slice3A_325 = vector.extract_strided_slice %select_n3A_324 {offsets = [0, 8], sizes = [64, 312], strides = [1, 1]} : vector<64x320xf32> to vector<64x312xf32>
      %broadcast_in_dim3A_326 = arith.constant 0.000000e+00 : f32
      %broadcast_in_dim3A_327 = vector.broadcast %broadcast_in_dim3A_326 : f32 to vector<64x8xf32>
      %concatenate3A_328 = tpu.concatenate %slice3A_325, %broadcast_in_dim3A_327 in 1 : vector<64x312xf32>, vector<64x8xf32> -> vector<64x320xf32>
      %shift_right_arithmetic3A_329 = arith.constant 3 : i32
      %shift_right_arithmetic3A_330 = vector.broadcast %shift_right_arithmetic3A_329 : i32 to vector<64x320xi32>
      %shift_right_arithmetic3A_331 = arith.shrsi %iota3A, %shift_right_arithmetic3A_330 : vector<64x320xi32>
      %and3A_332 = arith.constant 1 : i32
      %and3A_333 = vector.broadcast %and3A_332 : i32 to vector<64x320xi32>
      %and3A_334 = arith.andi %shift_right_arithmetic3A_331, %and3A_333 : vector<64x320xi32>
      %eq3A_335 = arith.constant 0 : i32
      %eq3A_336 = vector.broadcast %eq3A_335 : i32 to vector<64x320xi32>
      %eq3A_337 = arith.cmpi eq, %and3A_334, %eq3A_336 : vector<64x320xi32>
      %select_n3A_338 = arith.select %eq3A_337, %concatenate3A_328, %select_n3A_324 : vector<64x320xi1>, vector<64x320xf32>
      %slice3A_339 = vector.extract_strided_slice %select_n3A_338 {offsets = [0, 16], sizes = [64, 304], strides = [1, 1]} : vector<64x320xf32> to vector<64x304xf32>
      %broadcast_in_dim3A_340 = arith.constant 0.000000e+00 : f32
      %broadcast_in_dim3A_341 = vector.broadcast %broadcast_in_dim3A_340 : f32 to vector<64x16xf32>
      %concatenate3A_342 = tpu.concatenate %slice3A_339, %broadcast_in_dim3A_341 in 1 : vector<64x304xf32>, vector<64x16xf32> -> vector<64x320xf32>
      %shift_right_arithmetic3A_343 = arith.constant 4 : i32
      %shift_right_arithmetic3A_344 = vector.broadcast %shift_right_arithmetic3A_343 : i32 to vector<64x320xi32>
      %shift_right_arithmetic3A_345 = arith.shrsi %iota3A, %shift_right_arithmetic3A_344 : vector<64x320xi32>
      %and3A_346 = arith.constant 1 : i32
      %and3A_347 = vector.broadcast %and3A_346 : i32 to vector<64x320xi32>
      %and3A_348 = arith.andi %shift_right_arithmetic3A_345, %and3A_347 : vector<64x320xi32>
      %eq3A_349 = arith.constant 0 : i32
      %eq3A_350 = vector.broadcast %eq3A_349 : i32 to vector<64x320xi32>
      %eq3A_351 = arith.cmpi eq, %and3A_348, %eq3A_350 : vector<64x320xi32>
      %select_n3A_352 = arith.select %eq3A_351, %concatenate3A_342, %select_n3A_338 : vector<64x320xi1>, vector<64x320xf32>
      %slice3A_353 = vector.extract_strided_slice %select_n3A_352 {offsets = [0, 32], sizes = [64, 288], strides = [1, 1]} : vector<64x320xf32> to vector<64x288xf32>
      %broadcast_in_dim3A_354 = arith.constant 0.000000e+00 : f32
      %broadcast_in_dim3A_355 = vector.broadcast %broadcast_in_dim3A_354 : f32 to vector<64x32xf32>
      %concatenate3A_356 = tpu.concatenate %slice3A_353, %broadcast_in_dim3A_355 in 1 : vector<64x288xf32>, vector<64x32xf32> -> vector<64x320xf32>
      %shift_right_arithmetic3A_357 = arith.constant 5 : i32
      %shift_right_arithmetic3A_358 = vector.broadcast %shift_right_arithmetic3A_357 : i32 to vector<64x320xi32>
      %shift_right_arithmetic3A_359 = arith.shrsi %iota3A, %shift_right_arithmetic3A_358 : vector<64x320xi32>
      %and3A_360 = arith.constant 1 : i32
      %and3A_361 = vector.broadcast %and3A_360 : i32 to vector<64x320xi32>
      %and3A_362 = arith.andi %shift_right_arithmetic3A_359, %and3A_361 : vector<64x320xi32>
      %eq3A_363 = arith.constant 0 : i32
      %eq3A_364 = vector.broadcast %eq3A_363 : i32 to vector<64x320xi32>
      %eq3A_365 = arith.cmpi eq, %and3A_362, %eq3A_364 : vector<64x320xi32>
      %select_n3A_366 = arith.select %eq3A_365, %concatenate3A_356, %select_n3A_352 : vector<64x320xi1>, vector<64x320xf32>
      %slice3A_367 = vector.extract_strided_slice %select_n3A_366 {offsets = [0, 0], sizes = [64, 256], strides = [1, 1]} : vector<64x320xf32> to vector<64x256xf32>
      %swap3A_368 = arith.constant 0 : index
      %swap3A_369 = arith.constant 0 : index
      %swap3A_370 = arith.constant 0 : index
      %swap3A_371 = arith.constant 0 : index
      %swap3A_372 = vector.load %arg4[%swap3A_368, %swap3A_369, %swap3A_370, %swap3A_371] : memref<2x3x256x256xf32, #tpu.memory_space<vmem>>, vector<1x1x64x256xf32>
      %swap3A_373 = vector.shape_cast %swap3A_372 : vector<1x1x64x256xf32> to vector<64x256xf32>
      %swap3A_374 = vector.shape_cast %slice3A_367 : vector<64x256xf32> to vector<1x1x64x256xf32>
      tpu.vector_store %arg4[%swap3A_368, %swap3A_369, %swap3A_370, %swap3A_371], %swap3A_374 {strides = array<i32>} : memref<2x3x256x256xf32, #tpu.memory_space<vmem>>, vector<1x1x64x256xf32>,
      %get3A_375 = arith.constant 0 : index
      %get3A_376 = arith.constant 0 : index
      %get3A_377 = arith.constant 0 : index
      %get3A_378 = vector.load %arg2[%get3A_375, %get3A_376, %get3A_377] : memref<1x1x1024xf32, #tpu.memory_space<vmem>>, vector<1x1x1024xf32>
      %get3A_379 = vector.shape_cast %get3A_378 : vector<1x1x1024xf32> to vector<1024xf32>
      %slice3A_380 = vector.extract_strided_slice %get3A_379 {offsets = [384], sizes = [320], strides = [1]} : vector<1024xf32> to vector<320xf32>
      %broadcast_in_dim3A_381 = vector.shape_cast %slice3A_380 : vector<320xf32> to vector<1x320xf32>
      %broadcast_in_dim3A_382 = vector.shape_cast %broadcast_in_dim3A_381 : vector<1x320xf32> to vector<1x320xf32>
      %broadcast_in_dim3A_383 = vector.broadcast %broadcast_in_dim3A_382 : vector<1x320xf32> to vector<64x320xf32>
      %iota3A_384 = tpu.iota {dimensions = array<i32: 0>} : vector<64x320xi32>
      %slice3A_385 = vector.extract_strided_slice %broadcast_in_dim3A_383 {offsets = [0, 1], sizes = [64, 319], strides = [1, 1]} : vector<64x320xf32> to vector<64x319xf32>
      %broadcast_in_dim3A_386 = arith.constant 0.000000e+00 : f32
      %broadcast_in_dim3A_387 = vector.broadcast %broadcast_in_dim3A_386 : f32 to vector<64x1xf32>
      %concatenate3A_388 = tpu.concatenate %slice3A_385, %broadcast_in_dim3A_387 in 1 : vector<64x319xf32>, vector<64x1xf32> -> vector<64x320xf32>
      %shift_right_arithmetic3A_389 = arith.constant 0 : i32
      %shift_right_arithmetic3A_390 = vector.broadcast %shift_right_arithmetic3A_389 : i32 to vector<64x320xi32>
      %shift_right_arithmetic3A_391 = arith.shrsi %iota3A_384, %shift_right_arithmetic3A_390 : vector<64x320xi32>
      %and3A_392 = arith.constant 1 : i32
      %and3A_393 = vector.broadcast %and3A_392 : i32 to vector<64x320xi32>
      %and3A_394 = arith.andi %shift_right_arithmetic3A_391, %and3A_393 : vector<64x320xi32>
      %eq3A_395 = arith.constant 0 : i32
      %eq3A_396 = vector.broadcast %eq3A_395 : i32 to vector<64x320xi32>
      %eq3A_397 = arith.cmpi eq, %and3A_394, %eq3A_396 : vector<64x320xi32>
      %select_n3A_398 = arith.select %eq3A_397, %concatenate3A_388, %broadcast_in_dim3A_383 : vector<64x320xi1>, vector<64x320xf32>
      %slice3A_399 = vector.extract_strided_slice %select_n3A_398 {offsets = [0, 2], sizes = [64, 318], strides = [1, 1]} : vector<64x320xf32> to vector<64x318xf32>
      %broadcast_in_dim3A_400 = arith.constant 0.000000e+00 : f32
      %broadcast_in_dim3A_401 = vector.broadcast %broadcast_in_dim3A_400 : f32 to vector<64x2xf32>
      %concatenate3A_402 = tpu.concatenate %slice3A_399, %broadcast_in_dim3A_401 in 1 : vector<64x318xf32>, vector<64x2xf32> -> vector<64x320xf32>
      %shift_right_arithmetic3A_403 = arith.constant 1 : i32
      %shift_right_arithmetic3A_404 = vector.broadcast %shift_right_arithmetic3A_403 : i32 to vector<64x320xi32>
      %shift_right_arithmetic3A_405 = arith.shrsi %iota3A_384, %shift_right_arithmetic3A_404 : vector<64x320xi32>
      %and3A_406 = arith.constant 1 : i32
      %and3A_407 = vector.broadcast %and3A_406 : i32 to vector<64x320xi32>
      %and3A_408 = arith.andi %shift_right_arithmetic3A_405, %and3A_407 : vector<64x320xi32>
      %eq3A_409 = arith.constant 0 : i32
      %eq3A_410 = vector.broadcast %eq3A_409 : i32 to vector<64x320xi32>
      %eq3A_411 = arith.cmpi eq, %and3A_408, %eq3A_410 : vector<64x320xi32>
      %select_n3A_412 = arith.select %eq3A_411, %concatenate3A_402, %select_n3A_398 : vector<64x320xi1>, vector<64x320xf32>
      %slice3A_413 = vector.extract_strided_slice %select_n3A_412 {offsets = [0, 4], sizes = [64, 316], strides = [1, 1]} : vector<64x320xf32> to vector<64x316xf32>
      %broadcast_in_dim3A_414 = arith.constant 0.000000e+00 : f32
      %broadcast_in_dim3A_415 = vector.broadcast %broadcast_in_dim3A_414 : f32 to vector<64x4xf32>
      %concatenate3A_416 = tpu.concatenate %slice3A_413, %broadcast_in_dim3A_415 in 1 : vector<64x316xf32>, vector<64x4xf32> -> vector<64x320xf32>
      %shift_right_arithmetic3A_417 = arith.constant 2 : i32
      %shift_right_arithmetic3A_418 = vector.broadcast %shift_right_arithmetic3A_417 : i32 to vector<64x320xi32>
      %shift_right_arithmetic3A_419 = arith.shrsi %iota3A_384, %shift_right_arithmetic3A_418 : vector<64x320xi32>
      %and3A_420 = arith.constant 1 : i32
      %and3A_421 = vector.broadcast %and3A_420 : i32 to vector<64x320xi32>
      %and3A_422 = arith.andi %shift_right_arithmetic3A_419, %and3A_421 : vector<64x320xi32>
      %eq3A_423 = arith.constant 0 : i32
      %eq3A_424 = vector.broadcast %eq3A_423 : i32 to vector<64x320xi32>
      %eq3A_425 = arith.cmpi eq, %and3A_422, %eq3A_424 : vector<64x320xi32>
      %select_n3A_426 = arith.select %eq3A_425, %concatenate3A_416, %select_n3A_412 : vector<64x320xi1>, vector<64x320xf32>
      %slice3A_427 = vector.extract_strided_slice %select_n3A_426 {offsets = [0, 8], sizes = [64, 312], strides = [1, 1]} : vector<64x320xf32> to vector<64x312xf32>
      %broadcast_in_dim3A_428 = arith.constant 0.000000e+00 : f32
      %broadcast_in_dim3A_429 = vector.broadcast %broadcast_in_dim3A_428 : f32 to vector<64x8xf32>
      %concatenate3A_430 = tpu.concatenate %slice3A_427, %broadcast_in_dim3A_429 in 1 : vector<64x312xf32>, vector<64x8xf32> -> vector<64x320xf32>
      %shift_right_arithmetic3A_431 = arith.constant 3 : i32
      %shift_right_arithmetic3A_432 = vector.broadcast %shift_right_arithmetic3A_431 : i32 to vector<64x320xi32>
      %shift_right_arithmetic3A_433 = arith.shrsi %iota3A_384, %shift_right_arithmetic3A_432 : vector<64x320xi32>
      %and3A_434 = arith.constant 1 : i32
      %and3A_435 = vector.broadcast %and3A_434 : i32 to vector<64x320xi32>
      %and3A_436 = arith.andi %shift_right_arithmetic3A_433, %and3A_435 : vector<64x320xi32>
      %eq3A_437 = arith.constant 0 : i32
      %eq3A_438 = vector.broadcast %eq3A_437 : i32 to vector<64x320xi32>
      %eq3A_439 = arith.cmpi eq, %and3A_436, %eq3A_438 : vector<64x320xi32>
      %select_n3A_440 = arith.select %eq3A_439, %concatenate3A_430, %select_n3A_426 : vector<64x320xi1>, vector<64x320xf32>
      %slice3A_441 = vector.extract_strided_slice %select_n3A_440 {offsets = [0, 16], sizes = [64, 304], strides = [1, 1]} : vector<64x320xf32> to vector<64x304xf32>
      %broadcast_in_dim3A_442 = arith.constant 0.000000e+00 : f32
      %broadcast_in_dim3A_443 = vector.broadcast %broadcast_in_dim3A_442 : f32 to vector<64x16xf32>
      %concatenate3A_444 = tpu.concatenate %slice3A_441, %broadcast_in_dim3A_443 in 1 : vector<64x304xf32>, vector<64x16xf32> -> vector<64x320xf32>
      %shift_right_arithmetic3A_445 = arith.constant 4 : i32
      %shift_right_arithmetic3A_446 = vector.broadcast %shift_right_arithmetic3A_445 : i32 to vector<64x320xi32>
      %shift_right_arithmetic3A_447 = arith.shrsi %iota3A_384, %shift_right_arithmetic3A_446 : vector<64x320xi32>
      %and3A_448 = arith.constant 1 : i32
      %and3A_449 = vector.broadcast %and3A_448 : i32 to vector<64x320xi32>
      %and3A_450 = arith.andi %shift_right_arithmetic3A_447, %and3A_449 : vector<64x320xi32>
      %eq3A_451 = arith.constant 0 : i32
      %eq3A_452 = vector.broadcast %eq3A_451 : i32 to vector<64x320xi32>
      %eq3A_453 = arith.cmpi eq, %and3A_450, %eq3A_452 : vector<64x320xi32>
      %select_n3A_454 = arith.select %eq3A_453, %concatenate3A_444, %select_n3A_440 : vector<64x320xi1>, vector<64x320xf32>
      %slice3A_455 = vector.extract_strided_slice %select_n3A_454 {offsets = [0, 32], sizes = [64, 288], strides = [1, 1]} : vector<64x320xf32> to vector<64x288xf32>
      %broadcast_in_dim3A_456 = arith.constant 0.000000e+00 : f32
      %broadcast_in_dim3A_457 = vector.broadcast %broadcast_in_dim3A_456 : f32 to vector<64x32xf32>
      %concatenate3A_458 = tpu.concatenate %slice3A_455, %broadcast_in_dim3A_457 in 1 : vector<64x288xf32>, vector<64x32xf32> -> vector<64x320xf32>
      %shift_right_arithmetic3A_459 = arith.constant 5 : i32
      %shift_right_arithmetic3A_460 = vector.broadcast %shift_right_arithmetic3A_459 : i32 to vector<64x320xi32>
      %shift_right_arithmetic3A_461 = arith.shrsi %iota3A_384, %shift_right_arithmetic3A_460 : vector<64x320xi32>
      %and3A_462 = arith.constant 1 : i32
      %and3A_463 = vector.broadcast %and3A_462 : i32 to vector<64x320xi32>
      %and3A_464 = arith.andi %shift_right_arithmetic3A_461, %and3A_463 : vector<64x320xi32>
      %eq3A_465 = arith.constant 0 : i32
      %eq3A_466 = vector.broadcast %eq3A_465 : i32 to vector<64x320xi32>
      %eq3A_467 = arith.cmpi eq, %and3A_464, %eq3A_466 : vector<64x320xi32>
      %select_n3A_468 = arith.select %eq3A_467, %concatenate3A_458, %select_n3A_454 : vector<64x320xi1>, vector<64x320xf32>
      %slice3A_469 = vector.extract_strided_slice %select_n3A_468 {offsets = [0, 0], sizes = [64, 256], strides = [1, 1]} : vector<64x320xf32> to vector<64x256xf32>
      %swap3A_470 = arith.constant 0 : index
      %swap3A_471 = arith.constant 0 : index
      %swap3A_472 = arith.constant 64 : index
      %swap3A_473 = arith.constant 0 : index
      %swap3A_474 = vector.load %arg4[%swap3A_470, %swap3A_471, %swap3A_472, %swap3A_473] : memref<2x3x256x256xf32, #tpu.memory_space<vmem>>, vector<1x1x64x256xf32>
      %swap3A_475 = vector.shape_cast %swap3A_474 : vector<1x1x64x256xf32> to vector<64x256xf32>
      %swap3A_476 = vector.shape_cast %slice3A_469 : vector<64x256xf32> to vector<1x1x64x256xf32>
      tpu.vector_store %arg4[%swap3A_470, %swap3A_471, %swap3A_472, %swap3A_473], %swap3A_476 {strides = array<i32>} : memref<2x3x256x256xf32, #tpu.memory_space<vmem>>, vector<1x1x64x256xf32>,
      %get3A_477 = arith.constant 0 : index
      %get3A_478 = arith.constant 0 : index
      %get3A_479 = arith.constant 0 : index
      %get3A_480 = vector.load %arg2[%get3A_477, %get3A_478, %get3A_479] : memref<1x1x1024xf32, #tpu.memory_space<vmem>>, vector<1x1x1024xf32>
      %get3A_481 = vector.shape_cast %get3A_480 : vector<1x1x1024xf32> to vector<1024xf32>
      %slice3A_482 = vector.extract_strided_slice %get3A_481 {offsets = [320], sizes = [320], strides = [1]} : vector<1024xf32> to vector<320xf32>
      %broadcast_in_dim3A_483 = vector.shape_cast %slice3A_482 : vector<320xf32> to vector<1x320xf32>
      %broadcast_in_dim3A_484 = vector.shape_cast %broadcast_in_dim3A_483 : vector<1x320xf32> to vector<1x320xf32>
      %broadcast_in_dim3A_485 = vector.broadcast %broadcast_in_dim3A_484 : vector<1x320xf32> to vector<64x320xf32>
      %iota3A_486 = tpu.iota {dimensions = array<i32: 0>} : vector<64x320xi32>
      %slice3A_487 = vector.extract_strided_slice %broadcast_in_dim3A_485 {offsets = [0, 1], sizes = [64, 319], strides = [1, 1]} : vector<64x320xf32> to vector<64x319xf32>
      %broadcast_in_dim3A_488 = arith.constant 0.000000e+00 : f32
      %broadcast_in_dim3A_489 = vector.broadcast %broadcast_in_dim3A_488 : f32 to vector<64x1xf32>
      %concatenate3A_490 = tpu.concatenate %slice3A_487, %broadcast_in_dim3A_489 in 1 : vector<64x319xf32>, vector<64x1xf32> -> vector<64x320xf32>
      %shift_right_arithmetic3A_491 = arith.constant 0 : i32
      %shift_right_arithmetic3A_492 = vector.broadcast %shift_right_arithmetic3A_491 : i32 to vector<64x320xi32>
      %shift_right_arithmetic3A_493 = arith.shrsi %iota3A_486, %shift_right_arithmetic3A_492 : vector<64x320xi32>
      %and3A_494 = arith.constant 1 : i32
      %and3A_495 = vector.broadcast %and3A_494 : i32 to vector<64x320xi32>
      %and3A_496 = arith.andi %shift_right_arithmetic3A_493, %and3A_495 : vector<64x320xi32>
      %eq3A_497 = arith.constant 0 : i32
      %eq3A_498 = vector.broadcast %eq3A_497 : i32 to vector<64x320xi32>
      %eq3A_499 = arith.cmpi eq, %and3A_496, %eq3A_498 : vector<64x320xi32>
      %select_n3A_500 = arith.select %eq3A_499, %concatenate3A_490, %broadcast_in_dim3A_485 : vector<64x320xi1>, vector<64x320xf32>
      %slice3A_501 = vector.extract_strided_slice %select_n3A_500 {offsets = [0, 2], sizes = [64, 318], strides = [1, 1]} : vector<64x320xf32> to vector<64x318xf32>
      %broadcast_in_dim3A_502 = arith.constant 0.000000e+00 : f32
      %broadcast_in_dim3A_503 = vector.broadcast %broadcast_in_dim3A_502 : f32 to vector<64x2xf32>
      %concatenate3A_504 = tpu.concatenate %slice3A_501, %broadcast_in_dim3A_503 in 1 : vector<64x318xf32>, vector<64x2xf32> -> vector<64x320xf32>
      %shift_right_arithmetic3A_505 = arith.constant 1 : i32
      %shift_right_arithmetic3A_506 = vector.broadcast %shift_right_arithmetic3A_505 : i32 to vector<64x320xi32>
      %shift_right_arithmetic3A_507 = arith.shrsi %iota3A_486, %shift_right_arithmetic3A_506 : vector<64x320xi32>
      %and3A_508 = arith.constant 1 : i32
      %and3A_509 = vector.broadcast %and3A_508 : i32 to vector<64x320xi32>
      %and3A_510 = arith.andi %shift_right_arithmetic3A_507, %and3A_509 : vector<64x320xi32>
      %eq3A_511 = arith.constant 0 : i32
      %eq3A_512 = vector.broadcast %eq3A_511 : i32 to vector<64x320xi32>
      %eq3A_513 = arith.cmpi eq, %and3A_510, %eq3A_512 : vector<64x320xi32>
      %select_n3A_514 = arith.select %eq3A_513, %concatenate3A_504, %select_n3A_500 : vector<64x320xi1>, vector<64x320xf32>
      %slice3A_515 = vector.extract_strided_slice %select_n3A_514 {offsets = [0, 4], sizes = [64, 316], strides = [1, 1]} : vector<64x320xf32> to vector<64x316xf32>
      %broadcast_in_dim3A_516 = arith.constant 0.000000e+00 : f32
      %broadcast_in_dim3A_517 = vector.broadcast %broadcast_in_dim3A_516 : f32 to vector<64x4xf32>
      %concatenate3A_518 = tpu.concatenate %slice3A_515, %broadcast_in_dim3A_517 in 1 : vector<64x316xf32>, vector<64x4xf32> -> vector<64x320xf32>
      %shift_right_arithmetic3A_519 = arith.constant 2 : i32
      %shift_right_arithmetic3A_520 = vector.broadcast %shift_right_arithmetic3A_519 : i32 to vector<64x320xi32>
      %shift_right_arithmetic3A_521 = arith.shrsi %iota3A_486, %shift_right_arithmetic3A_520 : vector<64x320xi32>
      %and3A_522 = arith.constant 1 : i32
      %and3A_523 = vector.broadcast %and3A_522 : i32 to vector<64x320xi32>
      %and3A_524 = arith.andi %shift_right_arithmetic3A_521, %and3A_523 : vector<64x320xi32>
      %eq3A_525 = arith.constant 0 : i32
      %eq3A_526 = vector.broadcast %eq3A_525 : i32 to vector<64x320xi32>
      %eq3A_527 = arith.cmpi eq, %and3A_524, %eq3A_526 : vector<64x320xi32>
      %select_n3A_528 = arith.select %eq3A_527, %concatenate3A_518, %select_n3A_514 : vector<64x320xi1>, vector<64x320xf32>
      %slice3A_529 = vector.extract_strided_slice %select_n3A_528 {offsets = [0, 8], sizes = [64, 312], strides = [1, 1]} : vector<64x320xf32> to vector<64x312xf32>
      %broadcast_in_dim3A_530 = arith.constant 0.000000e+00 : f32
      %broadcast_in_dim3A_531 = vector.broadcast %broadcast_in_dim3A_530 : f32 to vector<64x8xf32>
      %concatenate3A_532 = tpu.concatenate %slice3A_529, %broadcast_in_dim3A_531 in 1 : vector<64x312xf32>, vector<64x8xf32> -> vector<64x320xf32>
      %shift_right_arithmetic3A_533 = arith.constant 3 : i32
      %shift_right_arithmetic3A_534 = vector.broadcast %shift_right_arithmetic3A_533 : i32 to vector<64x320xi32>
      %shift_right_arithmetic3A_535 = arith.shrsi %iota3A_486, %shift_right_arithmetic3A_534 : vector<64x320xi32>
      %and3A_536 = arith.constant 1 : i32
      %and3A_537 = vector.broadcast %and3A_536 : i32 to vector<64x320xi32>
      %and3A_538 = arith.andi %shift_right_arithmetic3A_535, %and3A_537 : vector<64x320xi32>
      %eq3A_539 = arith.constant 0 : i32
      %eq3A_540 = vector.broadcast %eq3A_539 : i32 to vector<64x320xi32>
      %eq3A_541 = arith.cmpi eq, %and3A_538, %eq3A_540 : vector<64x320xi32>
      %select_n3A_542 = arith.select %eq3A_541, %concatenate3A_532, %select_n3A_528 : vector<64x320xi1>, vector<64x320xf32>
      %slice3A_543 = vector.extract_strided_slice %select_n3A_542 {offsets = [0, 16], sizes = [64, 304], strides = [1, 1]} : vector<64x320xf32> to vector<64x304xf32>
      %broadcast_in_dim3A_544 = arith.constant 0.000000e+00 : f32
      %broadcast_in_dim3A_545 = vector.broadcast %broadcast_in_dim3A_544 : f32 to vector<64x16xf32>
      %concatenate3A_546 = tpu.concatenate %slice3A_543, %broadcast_in_dim3A_545 in 1 : vector<64x304xf32>, vector<64x16xf32> -> vector<64x320xf32>
      %shift_right_arithmetic3A_547 = arith.constant 4 : i32
      %shift_right_arithmetic3A_548 = vector.broadcast %shift_right_arithmetic3A_547 : i32 to vector<64x320xi32>
      %shift_right_arithmetic3A_549 = arith.shrsi %iota3A_486, %shift_right_arithmetic3A_548 : vector<64x320xi32>
      %and3A_550 = arith.constant 1 : i32
      %and3A_551 = vector.broadcast %and3A_550 : i32 to vector<64x320xi32>
      %and3A_552 = arith.andi %shift_right_arithmetic3A_549, %and3A_551 : vector<64x320xi32>
      %eq3A_553 = arith.constant 0 : i32
      %eq3A_554 = vector.broadcast %eq3A_553 : i32 to vector<64x320xi32>
      %eq3A_555 = arith.cmpi eq, %and3A_552, %eq3A_554 : vector<64x320xi32>
      %select_n3A_556 = arith.select %eq3A_555, %concatenate3A_546, %select_n3A_542 : vector<64x320xi1>, vector<64x320xf32>
      %slice3A_557 = vector.extract_strided_slice %select_n3A_556 {offsets = [0, 32], sizes = [64, 288], strides = [1, 1]} : vector<64x320xf32> to vector<64x288xf32>
      %broadcast_in_dim3A_558 = arith.constant 0.000000e+00 : f32
      %broadcast_in_dim3A_559 = vector.broadcast %broadcast_in_dim3A_558 : f32 to vector<64x32xf32>
      %concatenate3A_560 = tpu.concatenate %slice3A_557, %broadcast_in_dim3A_559 in 1 : vector<64x288xf32>, vector<64x32xf32> -> vector<64x320xf32>
      %shift_right_arithmetic3A_561 = arith.constant 5 : i32
      %shift_right_arithmetic3A_562 = vector.broadcast %shift_right_arithmetic3A_561 : i32 to vector<64x320xi32>
      %shift_right_arithmetic3A_563 = arith.shrsi %iota3A_486, %shift_right_arithmetic3A_562 : vector<64x320xi32>
      %and3A_564 = arith.constant 1 : i32
      %and3A_565 = vector.broadcast %and3A_564 : i32 to vector<64x320xi32>
      %and3A_566 = arith.andi %shift_right_arithmetic3A_563, %and3A_565 : vector<64x320xi32>
      %eq3A_567 = arith.constant 0 : i32
      %eq3A_568 = vector.broadcast %eq3A_567 : i32 to vector<64x320xi32>
      %eq3A_569 = arith.cmpi eq, %and3A_566, %eq3A_568 : vector<64x320xi32>
      %select_n3A_570 = arith.select %eq3A_569, %concatenate3A_560, %select_n3A_556 : vector<64x320xi1>, vector<64x320xf32>
      %slice3A_571 = vector.extract_strided_slice %select_n3A_570 {offsets = [0, 0], sizes = [64, 256], strides = [1, 1]} : vector<64x320xf32> to vector<64x256xf32>
      %swap3A_572 = arith.constant 0 : index
      %swap3A_573 = arith.constant 0 : index
      %swap3A_574 = arith.constant 128 : index
      %swap3A_575 = arith.constant 0 : index
      %swap3A_576 = vector.load %arg4[%swap3A_572, %swap3A_573, %swap3A_574, %swap3A_575] : memref<2x3x256x256xf32, #tpu.memory_space<vmem>>, vector<1x1x64x256xf32>
      %swap3A_577 = vector.shape_cast %swap3A_576 : vector<1x1x64x256xf32> to vector<64x256xf32>
      %swap3A_578 = vector.shape_cast %slice3A_571 : vector<64x256xf32> to vector<1x1x64x256xf32>
      tpu.vector_store %arg4[%swap3A_572, %swap3A_573, %swap3A_574, %swap3A_575], %swap3A_578 {strides = array<i32>} : memref<2x3x256x256xf32, #tpu.memory_space<vmem>>, vector<1x1x64x256xf32>,
      %get3A_579 = arith.constant 0 : index
      %get3A_580 = arith.constant 0 : index
      %get3A_581 = arith.constant 0 : index
      %get3A_582 = vector.load %arg2[%get3A_579, %get3A_580, %get3A_581] : memref<1x1x1024xf32, #tpu.memory_space<vmem>>, vector<1x1x1024xf32>
      %get3A_583 = vector.shape_cast %get3A_582 : vector<1x1x1024xf32> to vector<1024xf32>
      %slice3A_584 = vector.extract_strided_slice %get3A_583 {offsets = [256], sizes = [320], strides = [1]} : vector<1024xf32> to vector<320xf32>
      %broadcast_in_dim3A_585 = vector.shape_cast %slice3A_584 : vector<320xf32> to vector<1x320xf32>
      %broadcast_in_dim3A_586 = vector.shape_cast %broadcast_in_dim3A_585 : vector<1x320xf32> to vector<1x320xf32>
      %broadcast_in_dim3A_587 = vector.broadcast %broadcast_in_dim3A_586 : vector<1x320xf32> to vector<64x320xf32>
      %iota3A_588 = tpu.iota {dimensions = array<i32: 0>} : vector<64x320xi32>
      %slice3A_589 = vector.extract_strided_slice %broadcast_in_dim3A_587 {offsets = [0, 1], sizes = [64, 319], strides = [1, 1]} : vector<64x320xf32> to vector<64x319xf32>
      %broadcast_in_dim3A_590 = arith.constant 0.000000e+00 : f32
      %broadcast_in_dim3A_591 = vector.broadcast %broadcast_in_dim3A_590 : f32 to vector<64x1xf32>
      %concatenate3A_592 = tpu.concatenate %slice3A_589, %broadcast_in_dim3A_591 in 1 : vector<64x319xf32>, vector<64x1xf32> -> vector<64x320xf32>
      %shift_right_arithmetic3A_593 = arith.constant 0 : i32
      %shift_right_arithmetic3A_594 = vector.broadcast %shift_right_arithmetic3A_593 : i32 to vector<64x320xi32>
      %shift_right_arithmetic3A_595 = arith.shrsi %iota3A_588, %shift_right_arithmetic3A_594 : vector<64x320xi32>
      %and3A_596 = arith.constant 1 : i32
      %and3A_597 = vector.broadcast %and3A_596 : i32 to vector<64x320xi32>
      %and3A_598 = arith.andi %shift_right_arithmetic3A_595, %and3A_597 : vector<64x320xi32>
      %eq3A_599 = arith.constant 0 : i32
      %eq3A_600 = vector.broadcast %eq3A_599 : i32 to vector<64x320xi32>
      %eq3A_601 = arith.cmpi eq, %and3A_598, %eq3A_600 : vector<64x320xi32>
      %select_n3A_602 = arith.select %eq3A_601, %concatenate3A_592, %broadcast_in_dim3A_587 : vector<64x320xi1>, vector<64x320xf32>
      %slice3A_603 = vector.extract_strided_slice %select_n3A_602 {offsets = [0, 2], sizes = [64, 318], strides = [1, 1]} : vector<64x320xf32> to vector<64x318xf32>
      %broadcast_in_dim3A_604 = arith.constant 0.000000e+00 : f32
      %broadcast_in_dim3A_605 = vector.broadcast %broadcast_in_dim3A_604 : f32 to vector<64x2xf32>
      %concatenate3A_606 = tpu.concatenate %slice3A_603, %broadcast_in_dim3A_605 in 1 : vector<64x318xf32>, vector<64x2xf32> -> vector<64x320xf32>
      %shift_right_arithmetic3A_607 = arith.constant 1 : i32
      %shift_right_arithmetic3A_608 = vector.broadcast %shift_right_arithmetic3A_607 : i32 to vector<64x320xi32>
      %shift_right_arithmetic3A_609 = arith.shrsi %iota3A_588, %shift_right_arithmetic3A_608 : vector<64x320xi32>
      %and3A_610 = arith.constant 1 : i32
      %and3A_611 = vector.broadcast %and3A_610 : i32 to vector<64x320xi32>
      %and3A_612 = arith.andi %shift_right_arithmetic3A_609, %and3A_611 : vector<64x320xi32>
      %eq3A_613 = arith.constant 0 : i32
      %eq3A_614 = vector.broadcast %eq3A_613 : i32 to vector<64x320xi32>
      %eq3A_615 = arith.cmpi eq, %and3A_612, %eq3A_614 : vector<64x320xi32>
      %select_n3A_616 = arith.select %eq3A_615, %concatenate3A_606, %select_n3A_602 : vector<64x320xi1>, vector<64x320xf32>
      %slice3A_617 = vector.extract_strided_slice %select_n3A_616 {offsets = [0, 4], sizes = [64, 316], strides = [1, 1]} : vector<64x320xf32> to vector<64x316xf32>
      %broadcast_in_dim3A_618 = arith.constant 0.000000e+00 : f32
      %broadcast_in_dim3A_619 = vector.broadcast %broadcast_in_dim3A_618 : f32 to vector<64x4xf32>
      %concatenate3A_620 = tpu.concatenate %slice3A_617, %broadcast_in_dim3A_619 in 1 : vector<64x316xf32>, vector<64x4xf32> -> vector<64x320xf32>
      %shift_right_arithmetic3A_621 = arith.constant 2 : i32
      %shift_right_arithmetic3A_622 = vector.broadcast %shift_right_arithmetic3A_621 : i32 to vector<64x320xi32>
      %shift_right_arithmetic3A_623 = arith.shrsi %iota3A_588, %shift_right_arithmetic3A_622 : vector<64x320xi32>
      %and3A_624 = arith.constant 1 : i32
      %and3A_625 = vector.broadcast %and3A_624 : i32 to vector<64x320xi32>
      %and3A_626 = arith.andi %shift_right_arithmetic3A_623, %and3A_625 : vector<64x320xi32>
      %eq3A_627 = arith.constant 0 : i32
      %eq3A_628 = vector.broadcast %eq3A_627 : i32 to vector<64x320xi32>
      %eq3A_629 = arith.cmpi eq, %and3A_626, %eq3A_628 : vector<64x320xi32>
      %select_n3A_630 = arith.select %eq3A_629, %concatenate3A_620, %select_n3A_616 : vector<64x320xi1>, vector<64x320xf32>
      %slice3A_631 = vector.extract_strided_slice %select_n3A_630 {offsets = [0, 8], sizes = [64, 312], strides = [1, 1]} : vector<64x320xf32> to vector<64x312xf32>
      %broadcast_in_dim3A_632 = arith.constant 0.000000e+00 : f32
      %broadcast_in_dim3A_633 = vector.broadcast %broadcast_in_dim3A_632 : f32 to vector<64x8xf32>
      %concatenate3A_634 = tpu.concatenate %slice3A_631, %broadcast_in_dim3A_633 in 1 : vector<64x312xf32>, vector<64x8xf32> -> vector<64x320xf32>
      %shift_right_arithmetic3A_635 = arith.constant 3 : i32
      %shift_right_arithmetic3A_636 = vector.broadcast %shift_right_arithmetic3A_635 : i32 to vector<64x320xi32>
      %shift_right_arithmetic3A_637 = arith.shrsi %iota3A_588, %shift_right_arithmetic3A_636 : vector<64x320xi32>
      %and3A_638 = arith.constant 1 : i32
      %and3A_639 = vector.broadcast %and3A_638 : i32 to vector<64x320xi32>
      %and3A_640 = arith.andi %shift_right_arithmetic3A_637, %and3A_639 : vector<64x320xi32>
      %eq3A_641 = arith.constant 0 : i32
      %eq3A_642 = vector.broadcast %eq3A_641 : i32 to vector<64x320xi32>
      %eq3A_643 = arith.cmpi eq, %and3A_640, %eq3A_642 : vector<64x320xi32>
      %select_n3A_644 = arith.select %eq3A_643, %concatenate3A_634, %select_n3A_630 : vector<64x320xi1>, vector<64x320xf32>
      %slice3A_645 = vector.extract_strided_slice %select_n3A_644 {offsets = [0, 16], sizes = [64, 304], strides = [1, 1]} : vector<64x320xf32> to vector<64x304xf32>
      %broadcast_in_dim3A_646 = arith.constant 0.000000e+00 : f32
      %broadcast_in_dim3A_647 = vector.broadcast %broadcast_in_dim3A_646 : f32 to vector<64x16xf32>
      %concatenate3A_648 = tpu.concatenate %slice3A_645, %broadcast_in_dim3A_647 in 1 : vector<64x304xf32>, vector<64x16xf32> -> vector<64x320xf32>
      %shift_right_arithmetic3A_649 = arith.constant 4 : i32
      %shift_right_arithmetic3A_650 = vector.broadcast %shift_right_arithmetic3A_649 : i32 to vector<64x320xi32>
      %shift_right_arithmetic3A_651 = arith.shrsi %iota3A_588, %shift_right_arithmetic3A_650 : vector<64x320xi32>
      %and3A_652 = arith.constant 1 : i32
      %and3A_653 = vector.broadcast %and3A_652 : i32 to vector<64x320xi32>
      %and3A_654 = arith.andi %shift_right_arithmetic3A_651, %and3A_653 : vector<64x320xi32>
      %eq3A_655 = arith.constant 0 : i32
      %eq3A_656 = vector.broadcast %eq3A_655 : i32 to vector<64x320xi32>
      %eq3A_657 = arith.cmpi eq, %and3A_654, %eq3A_656 : vector<64x320xi32>
      %select_n3A_658 = arith.select %eq3A_657, %concatenate3A_648, %select_n3A_644 : vector<64x320xi1>, vector<64x320xf32>
      %slice3A_659 = vector.extract_strided_slice %select_n3A_658 {offsets = [0, 32], sizes = [64, 288], strides = [1, 1]} : vector<64x320xf32> to vector<64x288xf32>
      %broadcast_in_dim3A_660 = arith.constant 0.000000e+00 : f32
      %broadcast_in_dim3A_661 = vector.broadcast %broadcast_in_dim3A_660 : f32 to vector<64x32xf32>
      %concatenate3A_662 = tpu.concatenate %slice3A_659, %broadcast_in_dim3A_661 in 1 : vector<64x288xf32>, vector<64x32xf32> -> vector<64x320xf32>
      %shift_right_arithmetic3A_663 = arith.constant 5 : i32
      %shift_right_arithmetic3A_664 = vector.broadcast %shift_right_arithmetic3A_663 : i32 to vector<64x320xi32>
      %shift_right_arithmetic3A_665 = arith.shrsi %iota3A_588, %shift_right_arithmetic3A_664 : vector<64x320xi32>
      %and3A_666 = arith.constant 1 : i32
      %and3A_667 = vector.broadcast %and3A_666 : i32 to vector<64x320xi32>
      %and3A_668 = arith.andi %shift_right_arithmetic3A_665, %and3A_667 : vector<64x320xi32>
      %eq3A_669 = arith.constant 0 : i32
      %eq3A_670 = vector.broadcast %eq3A_669 : i32 to vector<64x320xi32>
      %eq3A_671 = arith.cmpi eq, %and3A_668, %eq3A_670 : vector<64x320xi32>
      %select_n3A_672 = arith.select %eq3A_671, %concatenate3A_662, %select_n3A_658 : vector<64x320xi1>, vector<64x320xf32>
      %slice3A_673 = vector.extract_strided_slice %select_n3A_672 {offsets = [0, 0], sizes = [64, 256], strides = [1, 1]} : vector<64x320xf32> to vector<64x256xf32>
      %swap3A_674 = arith.constant 0 : index
      %swap3A_675 = arith.constant 0 : index
      %swap3A_676 = arith.constant 192 : index
      %swap3A_677 = arith.constant 0 : index
      %swap3A_678 = vector.load %arg4[%swap3A_674, %swap3A_675, %swap3A_676, %swap3A_677] : memref<2x3x256x256xf32, #tpu.memory_space<vmem>>, vector<1x1x64x256xf32>
      %swap3A_679 = vector.shape_cast %swap3A_678 : vector<1x1x64x256xf32> to vector<64x256xf32>
      %swap3A_680 = vector.shape_cast %slice3A_673 : vector<64x256xf32> to vector<1x1x64x256xf32>
      tpu.vector_store %arg4[%swap3A_674, %swap3A_675, %swap3A_676, %swap3A_677], %swap3A_680 {strides = array<i32>} : memref<2x3x256x256xf32, #tpu.memory_space<vmem>>, vector<1x1x64x256xf32>,
      %get3A_681 = arith.constant 0 : index
      %get3A_682 = arith.constant 0 : index
      %get3A_683 = arith.constant 0 : index
      %get3A_684 = vector.load %arg2[%get3A_681, %get3A_682, %get3A_683] : memref<1x1x1024xf32, #tpu.memory_space<vmem>>, vector<1x1x1024xf32>
      %get3A_685 = vector.shape_cast %get3A_684 : vector<1x1x1024xf32> to vector<1024xf32>
      %slice3A_686 = vector.extract_strided_slice %get3A_685 {offsets = [704], sizes = [320], strides = [1]} : vector<1024xf32> to vector<320xf32>
      %broadcast_in_dim3A_687 = vector.shape_cast %slice3A_686 : vector<320xf32> to vector<1x320xf32>
      %broadcast_in_dim3A_688 = vector.shape_cast %broadcast_in_dim3A_687 : vector<1x320xf32> to vector<1x320xf32>
      %broadcast_in_dim3A_689 = vector.broadcast %broadcast_in_dim3A_688 : vector<1x320xf32> to vector<64x320xf32>
      %iota3A_690 = tpu.iota {dimensions = array<i32: 0>} : vector<64x320xi32>
      %slice3A_691 = vector.extract_strided_slice %broadcast_in_dim3A_689 {offsets = [0, 1], sizes = [64, 319], strides = [1, 1]} : vector<64x320xf32> to vector<64x319xf32>
      %broadcast_in_dim3A_692 = arith.constant 0.000000e+00 : f32
      %broadcast_in_dim3A_693 = vector.broadcast %broadcast_in_dim3A_692 : f32 to vector<64x1xf32>
      %concatenate3A_694 = tpu.concatenate %slice3A_691, %broadcast_in_dim3A_693 in 1 : vector<64x319xf32>, vector<64x1xf32> -> vector<64x320xf32>
      %shift_right_arithmetic3A_695 = arith.constant 0 : i32
      %shift_right_arithmetic3A_696 = vector.broadcast %shift_right_arithmetic3A_695 : i32 to vector<64x320xi32>
      %shift_right_arithmetic3A_697 = arith.shrsi %iota3A_690, %shift_right_arithmetic3A_696 : vector<64x320xi32>
      %and3A_698 = arith.constant 1 : i32
      %and3A_699 = vector.broadcast %and3A_698 : i32 to vector<64x320xi32>
      %and3A_700 = arith.andi %shift_right_arithmetic3A_697, %and3A_699 : vector<64x320xi32>
      %eq3A_701 = arith.constant 0 : i32
      %eq3A_702 = vector.broadcast %eq3A_701 : i32 to vector<64x320xi32>
      %eq3A_703 = arith.cmpi eq, %and3A_700, %eq3A_702 : vector<64x320xi32>
      %select_n3A_704 = arith.select %eq3A_703, %concatenate3A_694, %broadcast_in_dim3A_689 : vector<64x320xi1>, vector<64x320xf32>
      %slice3A_705 = vector.extract_strided_slice %select_n3A_704 {offsets = [0, 2], sizes = [64, 318], strides = [1, 1]} : vector<64x320xf32> to vector<64x318xf32>
      %broadcast_in_dim3A_706 = arith.constant 0.000000e+00 : f32
      %broadcast_in_dim3A_707 = vector.broadcast %broadcast_in_dim3A_706 : f32 to vector<64x2xf32>
      %concatenate3A_708 = tpu.concatenate %slice3A_705, %broadcast_in_dim3A_707 in 1 : vector<64x318xf32>, vector<64x2xf32> -> vector<64x320xf32>
      %shift_right_arithmetic3A_709 = arith.constant 1 : i32
      %shift_right_arithmetic3A_710 = vector.broadcast %shift_right_arithmetic3A_709 : i32 to vector<64x320xi32>
      %shift_right_arithmetic3A_711 = arith.shrsi %iota3A_690, %shift_right_arithmetic3A_710 : vector<64x320xi32>
      %and3A_712 = arith.constant 1 : i32
      %and3A_713 = vector.broadcast %and3A_712 : i32 to vector<64x320xi32>
      %and3A_714 = arith.andi %shift_right_arithmetic3A_711, %and3A_713 : vector<64x320xi32>
      %eq3A_715 = arith.constant 0 : i32
      %eq3A_716 = vector.broadcast %eq3A_715 : i32 to vector<64x320xi32>
      %eq3A_717 = arith.cmpi eq, %and3A_714, %eq3A_716 : vector<64x320xi32>
      %select_n3A_718 = arith.select %eq3A_717, %concatenate3A_708, %select_n3A_704 : vector<64x320xi1>, vector<64x320xf32>
      %slice3A_719 = vector.extract_strided_slice %select_n3A_718 {offsets = [0, 4], sizes = [64, 316], strides = [1, 1]} : vector<64x320xf32> to vector<64x316xf32>
      %broadcast_in_dim3A_720 = arith.constant 0.000000e+00 : f32
      %broadcast_in_dim3A_721 = vector.broadcast %broadcast_in_dim3A_720 : f32 to vector<64x4xf32>
      %concatenate3A_722 = tpu.concatenate %slice3A_719, %broadcast_in_dim3A_721 in 1 : vector<64x316xf32>, vector<64x4xf32> -> vector<64x320xf32>
      %shift_right_arithmetic3A_723 = arith.constant 2 : i32
      %shift_right_arithmetic3A_724 = vector.broadcast %shift_right_arithmetic3A_723 : i32 to vector<64x320xi32>
      %shift_right_arithmetic3A_725 = arith.shrsi %iota3A_690, %shift_right_arithmetic3A_724 : vector<64x320xi32>
      %and3A_726 = arith.constant 1 : i32
      %and3A_727 = vector.broadcast %and3A_726 : i32 to vector<64x320xi32>
      %and3A_728 = arith.andi %shift_right_arithmetic3A_725, %and3A_727 : vector<64x320xi32>
      %eq3A_729 = arith.constant 0 : i32
      %eq3A_730 = vector.broadcast %eq3A_729 : i32 to vector<64x320xi32>
      %eq3A_731 = arith.cmpi eq, %and3A_728, %eq3A_730 : vector<64x320xi32>
      %select_n3A_732 = arith.select %eq3A_731, %concatenate3A_722, %select_n3A_718 : vector<64x320xi1>, vector<64x320xf32>
      %slice3A_733 = vector.extract_strided_slice %select_n3A_732 {offsets = [0, 8], sizes = [64, 312], strides = [1, 1]} : vector<64x320xf32> to vector<64x312xf32>
      %broadcast_in_dim3A_734 = arith.constant 0.000000e+00 : f32
      %broadcast_in_dim3A_735 = vector.broadcast %broadcast_in_dim3A_734 : f32 to vector<64x8xf32>
      %concatenate3A_736 = tpu.concatenate %slice3A_733, %broadcast_in_dim3A_735 in 1 : vector<64x312xf32>, vector<64x8xf32> -> vector<64x320xf32>
      %shift_right_arithmetic3A_737 = arith.constant 3 : i32
      %shift_right_arithmetic3A_738 = vector.broadcast %shift_right_arithmetic3A_737 : i32 to vector<64x320xi32>
      %shift_right_arithmetic3A_739 = arith.shrsi %iota3A_690, %shift_right_arithmetic3A_738 : vector<64x320xi32>
      %and3A_740 = arith.constant 1 : i32
      %and3A_741 = vector.broadcast %and3A_740 : i32 to vector<64x320xi32>
      %and3A_742 = arith.andi %shift_right_arithmetic3A_739, %and3A_741 : vector<64x320xi32>
      %eq3A_743 = arith.constant 0 : i32
      %eq3A_744 = vector.broadcast %eq3A_743 : i32 to vector<64x320xi32>
      %eq3A_745 = arith.cmpi eq, %and3A_742, %eq3A_744 : vector<64x320xi32>
      %select_n3A_746 = arith.select %eq3A_745, %concatenate3A_736, %select_n3A_732 : vector<64x320xi1>, vector<64x320xf32>
      %slice3A_747 = vector.extract_strided_slice %select_n3A_746 {offsets = [0, 16], sizes = [64, 304], strides = [1, 1]} : vector<64x320xf32> to vector<64x304xf32>
      %broadcast_in_dim3A_748 = arith.constant 0.000000e+00 : f32
      %broadcast_in_dim3A_749 = vector.broadcast %broadcast_in_dim3A_748 : f32 to vector<64x16xf32>
      %concatenate3A_750 = tpu.concatenate %slice3A_747, %broadcast_in_dim3A_749 in 1 : vector<64x304xf32>, vector<64x16xf32> -> vector<64x320xf32>
      %shift_right_arithmetic3A_751 = arith.constant 4 : i32
      %shift_right_arithmetic3A_752 = vector.broadcast %shift_right_arithmetic3A_751 : i32 to vector<64x320xi32>
      %shift_right_arithmetic3A_753 = arith.shrsi %iota3A_690, %shift_right_arithmetic3A_752 : vector<64x320xi32>
      %and3A_754 = arith.constant 1 : i32
      %and3A_755 = vector.broadcast %and3A_754 : i32 to vector<64x320xi32>
      %and3A_756 = arith.andi %shift_right_arithmetic3A_753, %and3A_755 : vector<64x320xi32>
      %eq3A_757 = arith.constant 0 : i32
      %eq3A_758 = vector.broadcast %eq3A_757 : i32 to vector<64x320xi32>
      %eq3A_759 = arith.cmpi eq, %and3A_756, %eq3A_758 : vector<64x320xi32>
      %select_n3A_760 = arith.select %eq3A_759, %concatenate3A_750, %select_n3A_746 : vector<64x320xi1>, vector<64x320xf32>
      %slice3A_761 = vector.extract_strided_slice %select_n3A_760 {offsets = [0, 32], sizes = [64, 288], strides = [1, 1]} : vector<64x320xf32> to vector<64x288xf32>
      %broadcast_in_dim3A_762 = arith.constant 0.000000e+00 : f32
      %broadcast_in_dim3A_763 = vector.broadcast %broadcast_in_dim3A_762 : f32 to vector<64x32xf32>
      %concatenate3A_764 = tpu.concatenate %slice3A_761, %broadcast_in_dim3A_763 in 1 : vector<64x288xf32>, vector<64x32xf32> -> vector<64x320xf32>
      %shift_right_arithmetic3A_765 = arith.constant 5 : i32
      %shift_right_arithmetic3A_766 = vector.broadcast %shift_right_arithmetic3A_765 : i32 to vector<64x320xi32>
      %shift_right_arithmetic3A_767 = arith.shrsi %iota3A_690, %shift_right_arithmetic3A_766 : vector<64x320xi32>
      %and3A_768 = arith.constant 1 : i32
      %and3A_769 = vector.broadcast %and3A_768 : i32 to vector<64x320xi32>
      %and3A_770 = arith.andi %shift_right_arithmetic3A_767, %and3A_769 : vector<64x320xi32>
      %eq3A_771 = arith.constant 0 : i32
      %eq3A_772 = vector.broadcast %eq3A_771 : i32 to vector<64x320xi32>
      %eq3A_773 = arith.cmpi eq, %and3A_770, %eq3A_772 : vector<64x320xi32>
      %select_n3A_774 = arith.select %eq3A_773, %concatenate3A_764, %select_n3A_760 : vector<64x320xi1>, vector<64x320xf32>
      %slice3A_775 = vector.extract_strided_slice %select_n3A_774 {offsets = [0, 0], sizes = [64, 256], strides = [1, 1]} : vector<64x320xf32> to vector<64x256xf32>
      %swap3A_776 = arith.constant 0 : index
      %swap3A_777 = arith.constant 1 : index
      %swap3A_778 = arith.constant 0 : index
      %swap3A_779 = arith.constant 0 : index
      %swap3A_780 = vector.load %arg4[%swap3A_776, %swap3A_777, %swap3A_778, %swap3A_779] : memref<2x3x256x256xf32, #tpu.memory_space<vmem>>, vector<1x1x64x256xf32>
      %swap3A_781 = vector.shape_cast %swap3A_780 : vector<1x1x64x256xf32> to vector<64x256xf32>
      %swap3A_782 = vector.shape_cast %slice3A_775 : vector<64x256xf32> to vector<1x1x64x256xf32>
      tpu.vector_store %arg4[%swap3A_776, %swap3A_777, %swap3A_778, %swap3A_779], %swap3A_782 {strides = array<i32>} : memref<2x3x256x256xf32, #tpu.memory_space<vmem>>, vector<1x1x64x256xf32>,
      %get3A_783 = arith.constant 0 : index
      %get3A_784 = arith.constant 0 : index
      %get3A_785 = arith.constant 0 : index
      %get3A_786 = vector.load %arg2[%get3A_783, %get3A_784, %get3A_785] : memref<1x1x1024xf32, #tpu.memory_space<vmem>>, vector<1x1x1024xf32>
      %get3A_787 = vector.shape_cast %get3A_786 : vector<1x1x1024xf32> to vector<1024xf32>
      %slice3A_788 = vector.extract_strided_slice %get3A_787 {offsets = [640], sizes = [320], strides = [1]} : vector<1024xf32> to vector<320xf32>
      %broadcast_in_dim3A_789 = vector.shape_cast %slice3A_788 : vector<320xf32> to vector<1x320xf32>
      %broadcast_in_dim3A_790 = vector.shape_cast %broadcast_in_dim3A_789 : vector<1x320xf32> to vector<1x320xf32>
      %broadcast_in_dim3A_791 = vector.broadcast %broadcast_in_dim3A_790 : vector<1x320xf32> to vector<64x320xf32>
      %iota3A_792 = tpu.iota {dimensions = array<i32: 0>} : vector<64x320xi32>
      %slice3A_793 = vector.extract_strided_slice %broadcast_in_dim3A_791 {offsets = [0, 1], sizes = [64, 319], strides = [1, 1]} : vector<64x320xf32> to vector<64x319xf32>
      %broadcast_in_dim3A_794 = arith.constant 0.000000e+00 : f32
      %broadcast_in_dim3A_795 = vector.broadcast %broadcast_in_dim3A_794 : f32 to vector<64x1xf32>
      %concatenate3A_796 = tpu.concatenate %slice3A_793, %broadcast_in_dim3A_795 in 1 : vector<64x319xf32>, vector<64x1xf32> -> vector<64x320xf32>
      %shift_right_arithmetic3A_797 = arith.constant 0 : i32
      %shift_right_arithmetic3A_798 = vector.broadcast %shift_right_arithmetic3A_797 : i32 to vector<64x320xi32>
      %shift_right_arithmetic3A_799 = arith.shrsi %iota3A_792, %shift_right_arithmetic3A_798 : vector<64x320xi32>
      %and3A_800 = arith.constant 1 : i32
      %and3A_801 = vector.broadcast %and3A_800 : i32 to vector<64x320xi32>
      %and3A_802 = arith.andi %shift_right_arithmetic3A_799, %and3A_801 : vector<64x320xi32>
      %eq3A_803 = arith.constant 0 : i32
      %eq3A_804 = vector.broadcast %eq3A_803 : i32 to vector<64x320xi32>
      %eq3A_805 = arith.cmpi eq, %and3A_802, %eq3A_804 : vector<64x320xi32>
      %select_n3A_806 = arith.select %eq3A_805, %concatenate3A_796, %broadcast_in_dim3A_791 : vector<64x320xi1>, vector<64x320xf32>
      %slice3A_807 = vector.extract_strided_slice %select_n3A_806 {offsets = [0, 2], sizes = [64, 318], strides = [1, 1]} : vector<64x320xf32> to vector<64x318xf32>
      %broadcast_in_dim3A_808 = arith.constant 0.000000e+00 : f32
      %broadcast_in_dim3A_809 = vector.broadcast %broadcast_in_dim3A_808 : f32 to vector<64x2xf32>
      %concatenate3A_810 = tpu.concatenate %slice3A_807, %broadcast_in_dim3A_809 in 1 : vector<64x318xf32>, vector<64x2xf32> -> vector<64x320xf32>
      %shift_right_arithmetic3A_811 = arith.constant 1 : i32
      %shift_right_arithmetic3A_812 = vector.broadcast %shift_right_arithmetic3A_811 : i32 to vector<64x320xi32>
      %shift_right_arithmetic3A_813 = arith.shrsi %iota3A_792, %shift_right_arithmetic3A_812 : vector<64x320xi32>
      %and3A_814 = arith.constant 1 : i32
      %and3A_815 = vector.broadcast %and3A_814 : i32 to vector<64x320xi32>
      %and3A_816 = arith.andi %shift_right_arithmetic3A_813, %and3A_815 : vector<64x320xi32>
      %eq3A_817 = arith.constant 0 : i32
      %eq3A_818 = vector.broadcast %eq3A_817 : i32 to vector<64x320xi32>
      %eq3A_819 = arith.cmpi eq, %and3A_816, %eq3A_818 : vector<64x320xi32>
      %select_n3A_820 = arith.select %eq3A_819, %concatenate3A_810, %select_n3A_806 : vector<64x320xi1>, vector<64x320xf32>
      %slice3A_821 = vector.extract_strided_slice %select_n3A_820 {offsets = [0, 4], sizes = [64, 316], strides = [1, 1]} : vector<64x320xf32> to vector<64x316xf32>
      %broadcast_in_dim3A_822 = arith.constant 0.000000e+00 : f32
      %broadcast_in_dim3A_823 = vector.broadcast %broadcast_in_dim3A_822 : f32 to vector<64x4xf32>
      %concatenate3A_824 = tpu.concatenate %slice3A_821, %broadcast_in_dim3A_823 in 1 : vector<64x316xf32>, vector<64x4xf32> -> vector<64x320xf32>
      %shift_right_arithmetic3A_825 = arith.constant 2 : i32
      %shift_right_arithmetic3A_826 = vector.broadcast %shift_right_arithmetic3A_825 : i32 to vector<64x320xi32>
      %shift_right_arithmetic3A_827 = arith.shrsi %iota3A_792, %shift_right_arithmetic3A_826 : vector<64x320xi32>
      %and3A_828 = arith.constant 1 : i32
      %and3A_829 = vector.broadcast %and3A_828 : i32 to vector<64x320xi32>
      %and3A_830 = arith.andi %shift_right_arithmetic3A_827, %and3A_829 : vector<64x320xi32>
      %eq3A_831 = arith.constant 0 : i32
      %eq3A_832 = vector.broadcast %eq3A_831 : i32 to vector<64x320xi32>
      %eq3A_833 = arith.cmpi eq, %and3A_830, %eq3A_832 : vector<64x320xi32>
      %select_n3A_834 = arith.select %eq3A_833, %concatenate3A_824, %select_n3A_820 : vector<64x320xi1>, vector<64x320xf32>
      %slice3A_835 = vector.extract_strided_slice %select_n3A_834 {offsets = [0, 8], sizes = [64, 312], strides = [1, 1]} : vector<64x320xf32> to vector<64x312xf32>
      %broadcast_in_dim3A_836 = arith.constant 0.000000e+00 : f32
      %broadcast_in_dim3A_837 = vector.broadcast %broadcast_in_dim3A_836 : f32 to vector<64x8xf32>
      %concatenate3A_838 = tpu.concatenate %slice3A_835, %broadcast_in_dim3A_837 in 1 : vector<64x312xf32>, vector<64x8xf32> -> vector<64x320xf32>
      %shift_right_arithmetic3A_839 = arith.constant 3 : i32
      %shift_right_arithmetic3A_840 = vector.broadcast %shift_right_arithmetic3A_839 : i32 to vector<64x320xi32>
      %shift_right_arithmetic3A_841 = arith.shrsi %iota3A_792, %shift_right_arithmetic3A_840 : vector<64x320xi32>
      %and3A_842 = arith.constant 1 : i32
      %and3A_843 = vector.broadcast %and3A_842 : i32 to vector<64x320xi32>
      %and3A_844 = arith.andi %shift_right_arithmetic3A_841, %and3A_843 : vector<64x320xi32>
      %eq3A_845 = arith.constant 0 : i32
      %eq3A_846 = vector.broadcast %eq3A_845 : i32 to vector<64x320xi32>
      %eq3A_847 = arith.cmpi eq, %and3A_844, %eq3A_846 : vector<64x320xi32>
      %select_n3A_848 = arith.select %eq3A_847, %concatenate3A_838, %select_n3A_834 : vector<64x320xi1>, vector<64x320xf32>
      %slice3A_849 = vector.extract_strided_slice %select_n3A_848 {offsets = [0, 16], sizes = [64, 304], strides = [1, 1]} : vector<64x320xf32> to vector<64x304xf32>
      %broadcast_in_dim3A_850 = arith.constant 0.000000e+00 : f32
      %broadcast_in_dim3A_851 = vector.broadcast %broadcast_in_dim3A_850 : f32 to vector<64x16xf32>
      %concatenate3A_852 = tpu.concatenate %slice3A_849, %broadcast_in_dim3A_851 in 1 : vector<64x304xf32>, vector<64x16xf32> -> vector<64x320xf32>
      %shift_right_arithmetic3A_853 = arith.constant 4 : i32
      %shift_right_arithmetic3A_854 = vector.broadcast %shift_right_arithmetic3A_853 : i32 to vector<64x320xi32>
      %shift_right_arithmetic3A_855 = arith.shrsi %iota3A_792, %shift_right_arithmetic3A_854 : vector<64x320xi32>
      %and3A_856 = arith.constant 1 : i32
      %and3A_857 = vector.broadcast %and3A_856 : i32 to vector<64x320xi32>
      %and3A_858 = arith.andi %shift_right_arithmetic3A_855, %and3A_857 : vector<64x320xi32>
      %eq3A_859 = arith.constant 0 : i32
      %eq3A_860 = vector.broadcast %eq3A_859 : i32 to vector<64x320xi32>
      %eq3A_861 = arith.cmpi eq, %and3A_858, %eq3A_860 : vector<64x320xi32>
      %select_n3A_862 = arith.select %eq3A_861, %concatenate3A_852, %select_n3A_848 : vector<64x320xi1>, vector<64x320xf32>
      %slice3A_863 = vector.extract_strided_slice %select_n3A_862 {offsets = [0, 32], sizes = [64, 288], strides = [1, 1]} : vector<64x320xf32> to vector<64x288xf32>
      %broadcast_in_dim3A_864 = arith.constant 0.000000e+00 : f32
      %broadcast_in_dim3A_865 = vector.broadcast %broadcast_in_dim3A_864 : f32 to vector<64x32xf32>
      %concatenate3A_866 = tpu.concatenate %slice3A_863, %broadcast_in_dim3A_865 in 1 : vector<64x288xf32>, vector<64x32xf32> -> vector<64x320xf32>
      %shift_right_arithmetic3A_867 = arith.constant 5 : i32
      %shift_right_arithmetic3A_868 = vector.broadcast %shift_right_arithmetic3A_867 : i32 to vector<64x320xi32>
      %shift_right_arithmetic3A_869 = arith.shrsi %iota3A_792, %shift_right_arithmetic3A_868 : vector<64x320xi32>
      %and3A_870 = arith.constant 1 : i32
      %and3A_871 = vector.broadcast %and3A_870 : i32 to vector<64x320xi32>
      %and3A_872 = arith.andi %shift_right_arithmetic3A_869, %and3A_871 : vector<64x320xi32>
      %eq3A_873 = arith.constant 0 : i32
      %eq3A_874 = vector.broadcast %eq3A_873 : i32 to vector<64x320xi32>
      %eq3A_875 = arith.cmpi eq, %and3A_872, %eq3A_874 : vector<64x320xi32>
      %select_n3A_876 = arith.select %eq3A_875, %concatenate3A_866, %select_n3A_862 : vector<64x320xi1>, vector<64x320xf32>
      %slice3A_877 = vector.extract_strided_slice %select_n3A_876 {offsets = [0, 0], sizes = [64, 256], strides = [1, 1]} : vector<64x320xf32> to vector<64x256xf32>
      %swap3A_878 = arith.constant 0 : index
      %swap3A_879 = arith.constant 1 : index
      %swap3A_880 = arith.constant 64 : index
      %swap3A_881 = arith.constant 0 : index
      %swap3A_882 = vector.load %arg4[%swap3A_878, %swap3A_879, %swap3A_880, %swap3A_881] : memref<2x3x256x256xf32, #tpu.memory_space<vmem>>, vector<1x1x64x256xf32>
      %swap3A_883 = vector.shape_cast %swap3A_882 : vector<1x1x64x256xf32> to vector<64x256xf32>
      %swap3A_884 = vector.shape_cast %slice3A_877 : vector<64x256xf32> to vector<1x1x64x256xf32>
      tpu.vector_store %arg4[%swap3A_878, %swap3A_879, %swap3A_880, %swap3A_881], %swap3A_884 {strides = array<i32>} : memref<2x3x256x256xf32, #tpu.memory_space<vmem>>, vector<1x1x64x256xf32>,
      %get3A_885 = arith.constant 0 : index
      %get3A_886 = arith.constant 0 : index
      %get3A_887 = arith.constant 0 : index
      %get3A_888 = vector.load %arg2[%get3A_885, %get3A_886, %get3A_887] : memref<1x1x1024xf32, #tpu.memory_space<vmem>>, vector<1x1x1024xf32>
      %get3A_889 = vector.shape_cast %get3A_888 : vector<1x1x1024xf32> to vector<1024xf32>
      %slice3A_890 = vector.extract_strided_slice %get3A_889 {offsets = [576], sizes = [320], strides = [1]} : vector<1024xf32> to vector<320xf32>
      %broadcast_in_dim3A_891 = vector.shape_cast %slice3A_890 : vector<320xf32> to vector<1x320xf32>
      %broadcast_in_dim3A_892 = vector.shape_cast %broadcast_in_dim3A_891 : vector<1x320xf32> to vector<1x320xf32>
      %broadcast_in_dim3A_893 = vector.broadcast %broadcast_in_dim3A_892 : vector<1x320xf32> to vector<64x320xf32>
      %iota3A_894 = tpu.iota {dimensions = array<i32: 0>} : vector<64x320xi32>
      %slice3A_895 = vector.extract_strided_slice %broadcast_in_dim3A_893 {offsets = [0, 1], sizes = [64, 319], strides = [1, 1]} : vector<64x320xf32> to vector<64x319xf32>
      %broadcast_in_dim3A_896 = arith.constant 0.000000e+00 : f32
      %broadcast_in_dim3A_897 = vector.broadcast %broadcast_in_dim3A_896 : f32 to vector<64x1xf32>
      %concatenate3A_898 = tpu.concatenate %slice3A_895, %broadcast_in_dim3A_897 in 1 : vector<64x319xf32>, vector<64x1xf32> -> vector<64x320xf32>
      %shift_right_arithmetic3A_899 = arith.constant 0 : i32
      %shift_right_arithmetic3A_900 = vector.broadcast %shift_right_arithmetic3A_899 : i32 to vector<64x320xi32>
      %shift_right_arithmetic3A_901 = arith.shrsi %iota3A_894, %shift_right_arithmetic3A_900 : vector<64x320xi32>
      %and3A_902 = arith.constant 1 : i32
      %and3A_903 = vector.broadcast %and3A_902 : i32 to vector<64x320xi32>
      %and3A_904 = arith.andi %shift_right_arithmetic3A_901, %and3A_903 : vector<64x320xi32>
      %eq3A_905 = arith.constant 0 : i32
      %eq3A_906 = vector.broadcast %eq3A_905 : i32 to vector<64x320xi32>
      %eq3A_907 = arith.cmpi eq, %and3A_904, %eq3A_906 : vector<64x320xi32>
      %select_n3A_908 = arith.select %eq3A_907, %concatenate3A_898, %broadcast_in_dim3A_893 : vector<64x320xi1>, vector<64x320xf32>
      %slice3A_909 = vector.extract_strided_slice %select_n3A_908 {offsets = [0, 2], sizes = [64, 318], strides = [1, 1]} : vector<64x320xf32> to vector<64x318xf32>
      %broadcast_in_dim3A_910 = arith.constant 0.000000e+00 : f32
      %broadcast_in_dim3A_911 = vector.broadcast %broadcast_in_dim3A_910 : f32 to vector<64x2xf32>
      %concatenate3A_912 = tpu.concatenate %slice3A_909, %broadcast_in_dim3A_911 in 1 : vector<64x318xf32>, vector<64x2xf32> -> vector<64x320xf32>
      %shift_right_arithmetic3A_913 = arith.constant 1 : i32
      %shift_right_arithmetic3A_914 = vector.broadcast %shift_right_arithmetic3A_913 : i32 to vector<64x320xi32>
      %shift_right_arithmetic3A_915 = arith.shrsi %iota3A_894, %shift_right_arithmetic3A_914 : vector<64x320xi32>
      %and3A_916 = arith.constant 1 : i32
      %and3A_917 = vector.broadcast %and3A_916 : i32 to vector<64x320xi32>
      %and3A_918 = arith.andi %shift_right_arithmetic3A_915, %and3A_917 : vector<64x320xi32>
      %eq3A_919 = arith.constant 0 : i32
      %eq3A_920 = vector.broadcast %eq3A_919 : i32 to vector<64x320xi32>
      %eq3A_921 = arith.cmpi eq, %and3A_918, %eq3A_920 : vector<64x320xi32>
      %select_n3A_922 = arith.select %eq3A_921, %concatenate3A_912, %select_n3A_908 : vector<64x320xi1>, vector<64x320xf32>
      %slice3A_923 = vector.extract_strided_slice %select_n3A_922 {offsets = [0, 4], sizes = [64, 316], strides = [1, 1]} : vector<64x320xf32> to vector<64x316xf32>
      %broadcast_in_dim3A_924 = arith.constant 0.000000e+00 : f32
      %broadcast_in_dim3A_925 = vector.broadcast %broadcast_in_dim3A_924 : f32 to vector<64x4xf32>
      %concatenate3A_926 = tpu.concatenate %slice3A_923, %broadcast_in_dim3A_925 in 1 : vector<64x316xf32>, vector<64x4xf32> -> vector<64x320xf32>
      %shift_right_arithmetic3A_927 = arith.constant 2 : i32
      %shift_right_arithmetic3A_928 = vector.broadcast %shift_right_arithmetic3A_927 : i32 to vector<64x320xi32>
      %shift_right_arithmetic3A_929 = arith.shrsi %iota3A_894, %shift_right_arithmetic3A_928 : vector<64x320xi32>
      %and3A_930 = arith.constant 1 : i32
      %and3A_931 = vector.broadcast %and3A_930 : i32 to vector<64x320xi32>
      %and3A_932 = arith.andi %shift_right_arithmetic3A_929, %and3A_931 : vector<64x320xi32>
      %eq3A_933 = arith.constant 0 : i32
      %eq3A_934 = vector.broadcast %eq3A_933 : i32 to vector<64x320xi32>
      %eq3A_935 = arith.cmpi eq, %and3A_932, %eq3A_934 : vector<64x320xi32>
      %select_n3A_936 = arith.select %eq3A_935, %concatenate3A_926, %select_n3A_922 : vector<64x320xi1>, vector<64x320xf32>
      %slice3A_937 = vector.extract_strided_slice %select_n3A_936 {offsets = [0, 8], sizes = [64, 312], strides = [1, 1]} : vector<64x320xf32> to vector<64x312xf32>
      %broadcast_in_dim3A_938 = arith.constant 0.000000e+00 : f32
      %broadcast_in_dim3A_939 = vector.broadcast %broadcast_in_dim3A_938 : f32 to vector<64x8xf32>
      %concatenate3A_940 = tpu.concatenate %slice3A_937, %broadcast_in_dim3A_939 in 1 : vector<64x312xf32>, vector<64x8xf32> -> vector<64x320xf32>
      %shift_right_arithmetic3A_941 = arith.constant 3 : i32
      %shift_right_arithmetic3A_942 = vector.broadcast %shift_right_arithmetic3A_941 : i32 to vector<64x320xi32>
      %shift_right_arithmetic3A_943 = arith.shrsi %iota3A_894, %shift_right_arithmetic3A_942 : vector<64x320xi32>
      %and3A_944 = arith.constant 1 : i32
      %and3A_945 = vector.broadcast %and3A_944 : i32 to vector<64x320xi32>
      %and3A_946 = arith.andi %shift_right_arithmetic3A_943, %and3A_945 : vector<64x320xi32>
      %eq3A_947 = arith.constant 0 : i32
      %eq3A_948 = vector.broadcast %eq3A_947 : i32 to vector<64x320xi32>
      %eq3A_949 = arith.cmpi eq, %and3A_946, %eq3A_948 : vector<64x320xi32>
      %select_n3A_950 = arith.select %eq3A_949, %concatenate3A_940, %select_n3A_936 : vector<64x320xi1>, vector<64x320xf32>
      %slice3A_951 = vector.extract_strided_slice %select_n3A_950 {offsets = [0, 16], sizes = [64, 304], strides = [1, 1]} : vector<64x320xf32> to vector<64x304xf32>
      %broadcast_in_dim3A_952 = arith.constant 0.000000e+00 : f32
      %broadcast_in_dim3A_953 = vector.broadcast %broadcast_in_dim3A_952 : f32 to vector<64x16xf32>
      %concatenate3A_954 = tpu.concatenate %slice3A_951, %broadcast_in_dim3A_953 in 1 : vector<64x304xf32>, vector<64x16xf32> -> vector<64x320xf32>
      %shift_right_arithmetic3A_955 = arith.constant 4 : i32
      %shift_right_arithmetic3A_956 = vector.broadcast %shift_right_arithmetic3A_955 : i32 to vector<64x320xi32>
      %shift_right_arithmetic3A_957 = arith.shrsi %iota3A_894, %shift_right_arithmetic3A_956 : vector<64x320xi32>
      %and3A_958 = arith.constant 1 : i32
      %and3A_959 = vector.broadcast %and3A_958 : i32 to vector<64x320xi32>
      %and3A_960 = arith.andi %shift_right_arithmetic3A_957, %and3A_959 : vector<64x320xi32>
      %eq3A_961 = arith.constant 0 : i32
      %eq3A_962 = vector.broadcast %eq3A_961 : i32 to vector<64x320xi32>
      %eq3A_963 = arith.cmpi eq, %and3A_960, %eq3A_962 : vector<64x320xi32>
      %select_n3A_964 = arith.select %eq3A_963, %concatenate3A_954, %select_n3A_950 : vector<64x320xi1>, vector<64x320xf32>
      %slice3A_965 = vector.extract_strided_slice %select_n3A_964 {offsets = [0, 32], sizes = [64, 288], strides = [1, 1]} : vector<64x320xf32> to vector<64x288xf32>
      %broadcast_in_dim3A_966 = arith.constant 0.000000e+00 : f32
      %broadcast_in_dim3A_967 = vector.broadcast %broadcast_in_dim3A_966 : f32 to vector<64x32xf32>
      %concatenate3A_968 = tpu.concatenate %slice3A_965, %broadcast_in_dim3A_967 in 1 : vector<64x288xf32>, vector<64x32xf32> -> vector<64x320xf32>
      %shift_right_arithmetic3A_969 = arith.constant 5 : i32
      %shift_right_arithmetic3A_970 = vector.broadcast %shift_right_arithmetic3A_969 : i32 to vector<64x320xi32>
      %shift_right_arithmetic3A_971 = arith.shrsi %iota3A_894, %shift_right_arithmetic3A_970 : vector<64x320xi32>
      %and3A_972 = arith.constant 1 : i32
      %and3A_973 = vector.broadcast %and3A_972 : i32 to vector<64x320xi32>
      %and3A_974 = arith.andi %shift_right_arithmetic3A_971, %and3A_973 : vector<64x320xi32>
      %eq3A_975 = arith.constant 0 : i32
      %eq3A_976 = vector.broadcast %eq3A_975 : i32 to vector<64x320xi32>
      %eq3A_977 = arith.cmpi eq, %and3A_974, %eq3A_976 : vector<64x320xi32>
      %select_n3A_978 = arith.select %eq3A_977, %concatenate3A_968, %select_n3A_964 : vector<64x320xi1>, vector<64x320xf32>
      %slice3A_979 = vector.extract_strided_slice %select_n3A_978 {offsets = [0, 0], sizes = [64, 256], strides = [1, 1]} : vector<64x320xf32> to vector<64x256xf32>
      %swap3A_980 = arith.constant 0 : index
      %swap3A_981 = arith.constant 1 : index
      %swap3A_982 = arith.constant 128 : index
      %swap3A_983 = arith.constant 0 : index
      %swap3A_984 = vector.load %arg4[%swap3A_980, %swap3A_981, %swap3A_982, %swap3A_983] : memref<2x3x256x256xf32, #tpu.memory_space<vmem>>, vector<1x1x64x256xf32>
      %swap3A_985 = vector.shape_cast %swap3A_984 : vector<1x1x64x256xf32> to vector<64x256xf32>
      %swap3A_986 = vector.shape_cast %slice3A_979 : vector<64x256xf32> to vector<1x1x64x256xf32>
      tpu.vector_store %arg4[%swap3A_980, %swap3A_981, %swap3A_982, %swap3A_983], %swap3A_986 {strides = array<i32>} : memref<2x3x256x256xf32, #tpu.memory_space<vmem>>, vector<1x1x64x256xf32>,
      %get3A_987 = arith.constant 0 : index
      %get3A_988 = arith.constant 0 : index
      %get3A_989 = arith.constant 0 : index
      %get3A_990 = vector.load %arg2[%get3A_987, %get3A_988, %get3A_989] : memref<1x1x1024xf32, #tpu.memory_space<vmem>>, vector<1x1x1024xf32>
      %get3A_991 = vector.shape_cast %get3A_990 : vector<1x1x1024xf32> to vector<1024xf32>
      %slice3A_992 = vector.extract_strided_slice %get3A_991 {offsets = [512], sizes = [320], strides = [1]} : vector<1024xf32> to vector<320xf32>
      %broadcast_in_dim3A_993 = vector.shape_cast %slice3A_992 : vector<320xf32> to vector<1x320xf32>
      %broadcast_in_dim3A_994 = vector.shape_cast %broadcast_in_dim3A_993 : vector<1x320xf32> to vector<1x320xf32>
      %broadcast_in_dim3A_995 = vector.broadcast %broadcast_in_dim3A_994 : vector<1x320xf32> to vector<64x320xf32>
      %iota3A_996 = tpu.iota {dimensions = array<i32: 0>} : vector<64x320xi32>
      %slice3A_997 = vector.extract_strided_slice %broadcast_in_dim3A_995 {offsets = [0, 1], sizes = [64, 319], strides = [1, 1]} : vector<64x320xf32> to vector<64x319xf32>
      %broadcast_in_dim3A_998 = arith.constant 0.000000e+00 : f32
      %broadcast_in_dim3A_999 = vector.broadcast %broadcast_in_dim3A_998 : f32 to vector<64x1xf32>
      %concatenate3A_1000 = tpu.concatenate %slice3A_997, %broadcast_in_dim3A_999 in 1 : vector<64x319xf32>, vector<64x1xf32> -> vector<64x320xf32>
      %shift_right_arithmetic3A_1001 = arith.constant 0 : i32
      %shift_right_arithmetic3A_1002 = vector.broadcast %shift_right_arithmetic3A_1001 : i32 to vector<64x320xi32>
      %shift_right_arithmetic3A_1003 = arith.shrsi %iota3A_996, %shift_right_arithmetic3A_1002 : vector<64x320xi32>
      %and3A_1004 = arith.constant 1 : i32
      %and3A_1005 = vector.broadcast %and3A_1004 : i32 to vector<64x320xi32>
      %and3A_1006 = arith.andi %shift_right_arithmetic3A_1003, %and3A_1005 : vector<64x320xi32>
      %eq3A_1007 = arith.constant 0 : i32
      %eq3A_1008 = vector.broadcast %eq3A_1007 : i32 to vector<64x320xi32>
      %eq3A_1009 = arith.cmpi eq, %and3A_1006, %eq3A_1008 : vector<64x320xi32>
      %select_n3A_1010 = arith.select %eq3A_1009, %concatenate3A_1000, %broadcast_in_dim3A_995 : vector<64x320xi1>, vector<64x320xf32>
      %slice3A_1011 = vector.extract_strided_slice %select_n3A_1010 {offsets = [0, 2], sizes = [64, 318], strides = [1, 1]} : vector<64x320xf32> to vector<64x318xf32>
      %broadcast_in_dim3A_1012 = arith.constant 0.000000e+00 : f32
      %broadcast_in_dim3A_1013 = vector.broadcast %broadcast_in_dim3A_1012 : f32 to vector<64x2xf32>
      %concatenate3A_1014 = tpu.concatenate %slice3A_1011, %broadcast_in_dim3A_1013 in 1 : vector<64x318xf32>, vector<64x2xf32> -> vector<64x320xf32>
      %shift_right_arithmetic3A_1015 = arith.constant 1 : i32
      %shift_right_arithmetic3A_1016 = vector.broadcast %shift_right_arithmetic3A_1015 : i32 to vector<64x320xi32>
      %shift_right_arithmetic3A_1017 = arith.shrsi %iota3A_996, %shift_right_arithmetic3A_1016 : vector<64x320xi32>
      %and3A_1018 = arith.constant 1 : i32
      %and3A_1019 = vector.broadcast %and3A_1018 : i32 to vector<64x320xi32>
      %and3A_1020 = arith.andi %shift_right_arithmetic3A_1017, %and3A_1019 : vector<64x320xi32>
      %eq3A_1021 = arith.constant 0 : i32
      %eq3A_1022 = vector.broadcast %eq3A_1021 : i32 to vector<64x320xi32>
      %eq3A_1023 = arith.cmpi eq, %and3A_1020, %eq3A_1022 : vector<64x320xi32>
      %select_n3A_1024 = arith.select %eq3A_1023, %concatenate3A_1014, %select_n3A_1010 : vector<64x320xi1>, vector<64x320xf32>
      %slice3A_1025 = vector.extract_strided_slice %select_n3A_1024 {offsets = [0, 4], sizes = [64, 316], strides = [1, 1]} : vector<64x320xf32> to vector<64x316xf32>
      %broadcast_in_dim3A_1026 = arith.constant 0.000000e+00 : f32
      %broadcast_in_dim3A_1027 = vector.broadcast %broadcast_in_dim3A_1026 : f32 to vector<64x4xf32>
      %concatenate3A_1028 = tpu.concatenate %slice3A_1025, %broadcast_in_dim3A_1027 in 1 : vector<64x316xf32>, vector<64x4xf32> -> vector<64x320xf32>
      %shift_right_arithmetic3A_1029 = arith.constant 2 : i32
      %shift_right_arithmetic3A_1030 = vector.broadcast %shift_right_arithmetic3A_1029 : i32 to vector<64x320xi32>
      %shift_right_arithmetic3A_1031 = arith.shrsi %iota3A_996, %shift_right_arithmetic3A_1030 : vector<64x320xi32>
      %and3A_1032 = arith.constant 1 : i32
      %and3A_1033 = vector.broadcast %and3A_1032 : i32 to vector<64x320xi32>
      %and3A_1034 = arith.andi %shift_right_arithmetic3A_1031, %and3A_1033 : vector<64x320xi32>
      %eq3A_1035 = arith.constant 0 : i32
      %eq3A_1036 = vector.broadcast %eq3A_1035 : i32 to vector<64x320xi32>
      %eq3A_1037 = arith.cmpi eq, %and3A_1034, %eq3A_1036 : vector<64x320xi32>
      %select_n3A_1038 = arith.select %eq3A_1037, %concatenate3A_1028, %select_n3A_1024 : vector<64x320xi1>, vector<64x320xf32>
      %slice3A_1039 = vector.extract_strided_slice %select_n3A_1038 {offsets = [0, 8], sizes = [64, 312], strides = [1, 1]} : vector<64x320xf32> to vector<64x312xf32>
      %broadcast_in_dim3A_1040 = arith.constant 0.000000e+00 : f32
      %broadcast_in_dim3A_1041 = vector.broadcast %broadcast_in_dim3A_1040 : f32 to vector<64x8xf32>
      %concatenate3A_1042 = tpu.concatenate %slice3A_1039, %broadcast_in_dim3A_1041 in 1 : vector<64x312xf32>, vector<64x8xf32> -> vector<64x320xf32>
      %shift_right_arithmetic3A_1043 = arith.constant 3 : i32
      %shift_right_arithmetic3A_1044 = vector.broadcast %shift_right_arithmetic3A_1043 : i32 to vector<64x320xi32>
      %shift_right_arithmetic3A_1045 = arith.shrsi %iota3A_996, %shift_right_arithmetic3A_1044 : vector<64x320xi32>
      %and3A_1046 = arith.constant 1 : i32
      %and3A_1047 = vector.broadcast %and3A_1046 : i32 to vector<64x320xi32>
      %and3A_1048 = arith.andi %shift_right_arithmetic3A_1045, %and3A_1047 : vector<64x320xi32>
      %eq3A_1049 = arith.constant 0 : i32
      %eq3A_1050 = vector.broadcast %eq3A_1049 : i32 to vector<64x320xi32>
      %eq3A_1051 = arith.cmpi eq, %and3A_1048, %eq3A_1050 : vector<64x320xi32>
      %select_n3A_1052 = arith.select %eq3A_1051, %concatenate3A_1042, %select_n3A_1038 : vector<64x320xi1>, vector<64x320xf32>
      %slice3A_1053 = vector.extract_strided_slice %select_n3A_1052 {offsets = [0, 16], sizes = [64, 304], strides = [1, 1]} : vector<64x320xf32> to vector<64x304xf32>
      %broadcast_in_dim3A_1054 = arith.constant 0.000000e+00 : f32
      %broadcast_in_dim3A_1055 = vector.broadcast %broadcast_in_dim3A_1054 : f32 to vector<64x16xf32>
      %concatenate3A_1056 = tpu.concatenate %slice3A_1053, %broadcast_in_dim3A_1055 in 1 : vector<64x304xf32>, vector<64x16xf32> -> vector<64x320xf32>
      %shift_right_arithmetic3A_1057 = arith.constant 4 : i32
      %shift_right_arithmetic3A_1058 = vector.broadcast %shift_right_arithmetic3A_1057 : i32 to vector<64x320xi32>
      %shift_right_arithmetic3A_1059 = arith.shrsi %iota3A_996, %shift_right_arithmetic3A_1058 : vector<64x320xi32>
      %and3A_1060 = arith.constant 1 : i32
      %and3A_1061 = vector.broadcast %and3A_1060 : i32 to vector<64x320xi32>
      %and3A_1062 = arith.andi %shift_right_arithmetic3A_1059, %and3A_1061 : vector<64x320xi32>
      %eq3A_1063 = arith.constant 0 : i32
      %eq3A_1064 = vector.broadcast %eq3A_1063 : i32 to vector<64x320xi32>
      %eq3A_1065 = arith.cmpi eq, %and3A_1062, %eq3A_1064 : vector<64x320xi32>
      %select_n3A_1066 = arith.select %eq3A_1065, %concatenate3A_1056, %select_n3A_1052 : vector<64x320xi1>, vector<64x320xf32>
      %slice3A_1067 = vector.extract_strided_slice %select_n3A_1066 {offsets = [0, 32], sizes = [64, 288], strides = [1, 1]} : vector<64x320xf32> to vector<64x288xf32>
      %broadcast_in_dim3A_1068 = arith.constant 0.000000e+00 : f32
      %broadcast_in_dim3A_1069 = vector.broadcast %broadcast_in_dim3A_1068 : f32 to vector<64x32xf32>
      %concatenate3A_1070 = tpu.concatenate %slice3A_1067, %broadcast_in_dim3A_1069 in 1 : vector<64x288xf32>, vector<64x32xf32> -> vector<64x320xf32>
      %shift_right_arithmetic3A_1071 = arith.constant 5 : i32
      %shift_right_arithmetic3A_1072 = vector.broadcast %shift_right_arithmetic3A_1071 : i32 to vector<64x320xi32>
      %shift_right_arithmetic3A_1073 = arith.shrsi %iota3A_996, %shift_right_arithmetic3A_1072 : vector<64x320xi32>
      %and3A_1074 = arith.constant 1 : i32
      %and3A_1075 = vector.broadcast %and3A_1074 : i32 to vector<64x320xi32>
      %and3A_1076 = arith.andi %shift_right_arithmetic3A_1073, %and3A_1075 : vector<64x320xi32>
      %eq3A_1077 = arith.constant 0 : i32
      %eq3A_1078 = vector.broadcast %eq3A_1077 : i32 to vector<64x320xi32>
      %eq3A_1079 = arith.cmpi eq, %and3A_1076, %eq3A_1078 : vector<64x320xi32>
      %select_n3A_1080 = arith.select %eq3A_1079, %concatenate3A_1070, %select_n3A_1066 : vector<64x320xi1>, vector<64x320xf32>
      %slice3A_1081 = vector.extract_strided_slice %select_n3A_1080 {offsets = [0, 0], sizes = [64, 256], strides = [1, 1]} : vector<64x320xf32> to vector<64x256xf32>
      %swap3A_1082 = arith.constant 0 : index
      %swap3A_1083 = arith.constant 1 : index
      %swap3A_1084 = arith.constant 192 : index
      %swap3A_1085 = arith.constant 0 : index
      %swap3A_1086 = vector.load %arg4[%swap3A_1082, %swap3A_1083, %swap3A_1084, %swap3A_1085] : memref<2x3x256x256xf32, #tpu.memory_space<vmem>>, vector<1x1x64x256xf32>
      %swap3A_1087 = vector.shape_cast %swap3A_1086 : vector<1x1x64x256xf32> to vector<64x256xf32>
      %swap3A_1088 = vector.shape_cast %slice3A_1081 : vector<64x256xf32> to vector<1x1x64x256xf32>
      tpu.vector_store %arg4[%swap3A_1082, %swap3A_1083, %swap3A_1084, %swap3A_1085], %swap3A_1088 {strides = array<i32>} : memref<2x3x256x256xf32, #tpu.memory_space<vmem>>, vector<1x1x64x256xf32>,
      %get3A_1089 = arith.constant 0 : index
      %get3A_1090 = arith.constant 0 : index
      %get3A_1091 = arith.constant 0 : index
      %get3A_1092 = vector.load %arg2[%get3A_1089, %get3A_1090, %get3A_1091] : memref<1x1x1024xf32, #tpu.memory_space<vmem>>, vector<1x1x1024xf32>
      %get3A_1093 = vector.shape_cast %get3A_1092 : vector<1x1x1024xf32> to vector<1024xf32>
      %slice3A_1094 = vector.extract_strided_slice %get3A_1093 {offsets = [192], sizes = [320], strides = [1]} : vector<1024xf32> to vector<320xf32>
      %broadcast_in_dim3A_1095 = vector.shape_cast %slice3A_1094 : vector<320xf32> to vector<1x320xf32>
      %broadcast_in_dim3A_1096 = vector.shape_cast %broadcast_in_dim3A_1095 : vector<1x320xf32> to vector<1x320xf32>
      %broadcast_in_dim3A_1097 = vector.broadcast %broadcast_in_dim3A_1096 : vector<1x320xf32> to vector<64x320xf32>
      %iota3A_1098 = tpu.iota {dimensions = array<i32: 0>} : vector<64x320xi32>
      %slice3A_1099 = vector.extract_strided_slice %broadcast_in_dim3A_1097 {offsets = [0, 1], sizes = [64, 319], strides = [1, 1]} : vector<64x320xf32> to vector<64x319xf32>
      %broadcast_in_dim3A_1100 = arith.constant 0.000000e+00 : f32
      %broadcast_in_dim3A_1101 = vector.broadcast %broadcast_in_dim3A_1100 : f32 to vector<64x1xf32>
      %concatenate3A_1102 = tpu.concatenate %slice3A_1099, %broadcast_in_dim3A_1101 in 1 : vector<64x319xf32>, vector<64x1xf32> -> vector<64x320xf32>
      %shift_right_arithmetic3A_1103 = arith.constant 0 : i32
      %shift_right_arithmetic3A_1104 = vector.broadcast %shift_right_arithmetic3A_1103 : i32 to vector<64x320xi32>
      %shift_right_arithmetic3A_1105 = arith.shrsi %iota3A_1098, %shift_right_arithmetic3A_1104 : vector<64x320xi32>
      %and3A_1106 = arith.constant 1 : i32
      %and3A_1107 = vector.broadcast %and3A_1106 : i32 to vector<64x320xi32>
      %and3A_1108 = arith.andi %shift_right_arithmetic3A_1105, %and3A_1107 : vector<64x320xi32>
      %eq3A_1109 = arith.constant 0 : i32
      %eq3A_1110 = vector.broadcast %eq3A_1109 : i32 to vector<64x320xi32>
      %eq3A_1111 = arith.cmpi eq, %and3A_1108, %eq3A_1110 : vector<64x320xi32>
      %select_n3A_1112 = arith.select %eq3A_1111, %concatenate3A_1102, %broadcast_in_dim3A_1097 : vector<64x320xi1>, vector<64x320xf32>
      %slice3A_1113 = vector.extract_strided_slice %select_n3A_1112 {offsets = [0, 2], sizes = [64, 318], strides = [1, 1]} : vector<64x320xf32> to vector<64x318xf32>
      %broadcast_in_dim3A_1114 = arith.constant 0.000000e+00 : f32
      %broadcast_in_dim3A_1115 = vector.broadcast %broadcast_in_dim3A_1114 : f32 to vector<64x2xf32>
      %concatenate3A_1116 = tpu.concatenate %slice3A_1113, %broadcast_in_dim3A_1115 in 1 : vector<64x318xf32>, vector<64x2xf32> -> vector<64x320xf32>
      %shift_right_arithmetic3A_1117 = arith.constant 1 : i32
      %shift_right_arithmetic3A_1118 = vector.broadcast %shift_right_arithmetic3A_1117 : i32 to vector<64x320xi32>
      %shift_right_arithmetic3A_1119 = arith.shrsi %iota3A_1098, %shift_right_arithmetic3A_1118 : vector<64x320xi32>
      %and3A_1120 = arith.constant 1 : i32
      %and3A_1121 = vector.broadcast %and3A_1120 : i32 to vector<64x320xi32>
      %and3A_1122 = arith.andi %shift_right_arithmetic3A_1119, %and3A_1121 : vector<64x320xi32>
      %eq3A_1123 = arith.constant 0 : i32
      %eq3A_1124 = vector.broadcast %eq3A_1123 : i32 to vector<64x320xi32>
      %eq3A_1125 = arith.cmpi eq, %and3A_1122, %eq3A_1124 : vector<64x320xi32>
      %select_n3A_1126 = arith.select %eq3A_1125, %concatenate3A_1116, %select_n3A_1112 : vector<64x320xi1>, vector<64x320xf32>
      %slice3A_1127 = vector.extract_strided_slice %select_n3A_1126 {offsets = [0, 4], sizes = [64, 316], strides = [1, 1]} : vector<64x320xf32> to vector<64x316xf32>
      %broadcast_in_dim3A_1128 = arith.constant 0.000000e+00 : f32
      %broadcast_in_dim3A_1129 = vector.broadcast %broadcast_in_dim3A_1128 : f32 to vector<64x4xf32>
      %concatenate3A_1130 = tpu.concatenate %slice3A_1127, %broadcast_in_dim3A_1129 in 1 : vector<64x316xf32>, vector<64x4xf32> -> vector<64x320xf32>
      %shift_right_arithmetic3A_1131 = arith.constant 2 : i32
      %shift_right_arithmetic3A_1132 = vector.broadcast %shift_right_arithmetic3A_1131 : i32 to vector<64x320xi32>
      %shift_right_arithmetic3A_1133 = arith.shrsi %iota3A_1098, %shift_right_arithmetic3A_1132 : vector<64x320xi32>
      %and3A_1134 = arith.constant 1 : i32
      %and3A_1135 = vector.broadcast %and3A_1134 : i32 to vector<64x320xi32>
      %and3A_1136 = arith.andi %shift_right_arithmetic3A_1133, %and3A_1135 : vector<64x320xi32>
      %eq3A_1137 = arith.constant 0 : i32
      %eq3A_1138 = vector.broadcast %eq3A_1137 : i32 to vector<64x320xi32>
      %eq3A_1139 = arith.cmpi eq, %and3A_1136, %eq3A_1138 : vector<64x320xi32>
      %select_n3A_1140 = arith.select %eq3A_1139, %concatenate3A_1130, %select_n3A_1126 : vector<64x320xi1>, vector<64x320xf32>
      %slice3A_1141 = vector.extract_strided_slice %select_n3A_1140 {offsets = [0, 8], sizes = [64, 312], strides = [1, 1]} : vector<64x320xf32> to vector<64x312xf32>
      %broadcast_in_dim3A_1142 = arith.constant 0.000000e+00 : f32
      %broadcast_in_dim3A_1143 = vector.broadcast %broadcast_in_dim3A_1142 : f32 to vector<64x8xf32>
      %concatenate3A_1144 = tpu.concatenate %slice3A_1141, %broadcast_in_dim3A_1143 in 1 : vector<64x312xf32>, vector<64x8xf32> -> vector<64x320xf32>
      %shift_right_arithmetic3A_1145 = arith.constant 3 : i32
      %shift_right_arithmetic3A_1146 = vector.broadcast %shift_right_arithmetic3A_1145 : i32 to vector<64x320xi32>
      %shift_right_arithmetic3A_1147 = arith.shrsi %iota3A_1098, %shift_right_arithmetic3A_1146 : vector<64x320xi32>
      %and3A_1148 = arith.constant 1 : i32
      %and3A_1149 = vector.broadcast %and3A_1148 : i32 to vector<64x320xi32>
      %and3A_1150 = arith.andi %shift_right_arithmetic3A_1147, %and3A_1149 : vector<64x320xi32>
      %eq3A_1151 = arith.constant 0 : i32
      %eq3A_1152 = vector.broadcast %eq3A_1151 : i32 to vector<64x320xi32>
      %eq3A_1153 = arith.cmpi eq, %and3A_1150, %eq3A_1152 : vector<64x320xi32>
      %select_n3A_1154 = arith.select %eq3A_1153, %concatenate3A_1144, %select_n3A_1140 : vector<64x320xi1>, vector<64x320xf32>
      %slice3A_1155 = vector.extract_strided_slice %select_n3A_1154 {offsets = [0, 16], sizes = [64, 304], strides = [1, 1]} : vector<64x320xf32> to vector<64x304xf32>
      %broadcast_in_dim3A_1156 = arith.constant 0.000000e+00 : f32
      %broadcast_in_dim3A_1157 = vector.broadcast %broadcast_in_dim3A_1156 : f32 to vector<64x16xf32>
      %concatenate3A_1158 = tpu.concatenate %slice3A_1155, %broadcast_in_dim3A_1157 in 1 : vector<64x304xf32>, vector<64x16xf32> -> vector<64x320xf32>
      %shift_right_arithmetic3A_1159 = arith.constant 4 : i32
      %shift_right_arithmetic3A_1160 = vector.broadcast %shift_right_arithmetic3A_1159 : i32 to vector<64x320xi32>
      %shift_right_arithmetic3A_1161 = arith.shrsi %iota3A_1098, %shift_right_arithmetic3A_1160 : vector<64x320xi32>
      %and3A_1162 = arith.constant 1 : i32
      %and3A_1163 = vector.broadcast %and3A_1162 : i32 to vector<64x320xi32>
      %and3A_1164 = arith.andi %shift_right_arithmetic3A_1161, %and3A_1163 : vector<64x320xi32>
      %eq3A_1165 = arith.constant 0 : i32
      %eq3A_1166 = vector.broadcast %eq3A_1165 : i32 to vector<64x320xi32>
      %eq3A_1167 = arith.cmpi eq, %and3A_1164, %eq3A_1166 : vector<64x320xi32>
      %select_n3A_1168 = arith.select %eq3A_1167, %concatenate3A_1158, %select_n3A_1154 : vector<64x320xi1>, vector<64x320xf32>
      %slice3A_1169 = vector.extract_strided_slice %select_n3A_1168 {offsets = [0, 32], sizes = [64, 288], strides = [1, 1]} : vector<64x320xf32> to vector<64x288xf32>
      %broadcast_in_dim3A_1170 = arith.constant 0.000000e+00 : f32
      %broadcast_in_dim3A_1171 = vector.broadcast %broadcast_in_dim3A_1170 : f32 to vector<64x32xf32>
      %concatenate3A_1172 = tpu.concatenate %slice3A_1169, %broadcast_in_dim3A_1171 in 1 : vector<64x288xf32>, vector<64x32xf32> -> vector<64x320xf32>
      %shift_right_arithmetic3A_1173 = arith.constant 5 : i32
      %shift_right_arithmetic3A_1174 = vector.broadcast %shift_right_arithmetic3A_1173 : i32 to vector<64x320xi32>
      %shift_right_arithmetic3A_1175 = arith.shrsi %iota3A_1098, %shift_right_arithmetic3A_1174 : vector<64x320xi32>
      %and3A_1176 = arith.constant 1 : i32
      %and3A_1177 = vector.broadcast %and3A_1176 : i32 to vector<64x320xi32>
      %and3A_1178 = arith.andi %shift_right_arithmetic3A_1175, %and3A_1177 : vector<64x320xi32>
      %eq3A_1179 = arith.constant 0 : i32
      %eq3A_1180 = vector.broadcast %eq3A_1179 : i32 to vector<64x320xi32>
      %eq3A_1181 = arith.cmpi eq, %and3A_1178, %eq3A_1180 : vector<64x320xi32>
      %select_n3A_1182 = arith.select %eq3A_1181, %concatenate3A_1172, %select_n3A_1168 : vector<64x320xi1>, vector<64x320xf32>
      %slice3A_1183 = vector.extract_strided_slice %select_n3A_1182 {offsets = [0, 0], sizes = [64, 256], strides = [1, 1]} : vector<64x320xf32> to vector<64x256xf32>
      %swap3A_1184 = arith.constant 0 : index
      %swap3A_1185 = arith.constant 2 : index
      %swap3A_1186 = arith.constant 0 : index
      %swap3A_1187 = arith.constant 0 : index
      %swap3A_1188 = vector.load %arg4[%swap3A_1184, %swap3A_1185, %swap3A_1186, %swap3A_1187] : memref<2x3x256x256xf32, #tpu.memory_space<vmem>>, vector<1x1x64x256xf32>
      %swap3A_1189 = vector.shape_cast %swap3A_1188 : vector<1x1x64x256xf32> to vector<64x256xf32>
      %swap3A_1190 = vector.shape_cast %slice3A_1183 : vector<64x256xf32> to vector<1x1x64x256xf32>
      tpu.vector_store %arg4[%swap3A_1184, %swap3A_1185, %swap3A_1186, %swap3A_1187], %swap3A_1190 {strides = array<i32>} : memref<2x3x256x256xf32, #tpu.memory_space<vmem>>, vector<1x1x64x256xf32>,
      %get3A_1191 = arith.constant 0 : index
      %get3A_1192 = arith.constant 0 : index
      %get3A_1193 = arith.constant 0 : index
      %get3A_1194 = vector.load %arg2[%get3A_1191, %get3A_1192, %get3A_1193] : memref<1x1x1024xf32, #tpu.memory_space<vmem>>, vector<1x1x1024xf32>
      %get3A_1195 = vector.shape_cast %get3A_1194 : vector<1x1x1024xf32> to vector<1024xf32>
      %slice3A_1196 = vector.extract_strided_slice %get3A_1195 {offsets = [128], sizes = [320], strides = [1]} : vector<1024xf32> to vector<320xf32>
      %broadcast_in_dim3A_1197 = vector.shape_cast %slice3A_1196 : vector<320xf32> to vector<1x320xf32>
      %broadcast_in_dim3A_1198 = vector.shape_cast %broadcast_in_dim3A_1197 : vector<1x320xf32> to vector<1x320xf32>
      %broadcast_in_dim3A_1199 = vector.broadcast %broadcast_in_dim3A_1198 : vector<1x320xf32> to vector<64x320xf32>
      %iota3A_1200 = tpu.iota {dimensions = array<i32: 0>} : vector<64x320xi32>
      %slice3A_1201 = vector.extract_strided_slice %broadcast_in_dim3A_1199 {offsets = [0, 1], sizes = [64, 319], strides = [1, 1]} : vector<64x320xf32> to vector<64x319xf32>
      %broadcast_in_dim3A_1202 = arith.constant 0.000000e+00 : f32
      %broadcast_in_dim3A_1203 = vector.broadcast %broadcast_in_dim3A_1202 : f32 to vector<64x1xf32>
      %concatenate3A_1204 = tpu.concatenate %slice3A_1201, %broadcast_in_dim3A_1203 in 1 : vector<64x319xf32>, vector<64x1xf32> -> vector<64x320xf32>
      %shift_right_arithmetic3A_1205 = arith.constant 0 : i32
      %shift_right_arithmetic3A_1206 = vector.broadcast %shift_right_arithmetic3A_1205 : i32 to vector<64x320xi32>
      %shift_right_arithmetic3A_1207 = arith.shrsi %iota3A_1200, %shift_right_arithmetic3A_1206 : vector<64x320xi32>
      %and3A_1208 = arith.constant 1 : i32
      %and3A_1209 = vector.broadcast %and3A_1208 : i32 to vector<64x320xi32>
      %and3A_1210 = arith.andi %shift_right_arithmetic3A_1207, %and3A_1209 : vector<64x320xi32>
      %eq3A_1211 = arith.constant 0 : i32
      %eq3A_1212 = vector.broadcast %eq3A_1211 : i32 to vector<64x320xi32>
      %eq3A_1213 = arith.cmpi eq, %and3A_1210, %eq3A_1212 : vector<64x320xi32>
      %select_n3A_1214 = arith.select %eq3A_1213, %concatenate3A_1204, %broadcast_in_dim3A_1199 : vector<64x320xi1>, vector<64x320xf32>
      %slice3A_1215 = vector.extract_strided_slice %select_n3A_1214 {offsets = [0, 2], sizes = [64, 318], strides = [1, 1]} : vector<64x320xf32> to vector<64x318xf32>
      %broadcast_in_dim3A_1216 = arith.constant 0.000000e+00 : f32
      %broadcast_in_dim3A_1217 = vector.broadcast %broadcast_in_dim3A_1216 : f32 to vector<64x2xf32>
      %concatenate3A_1218 = tpu.concatenate %slice3A_1215, %broadcast_in_dim3A_1217 in 1 : vector<64x318xf32>, vector<64x2xf32> -> vector<64x320xf32>
      %shift_right_arithmetic3A_1219 = arith.constant 1 : i32
      %shift_right_arithmetic3A_1220 = vector.broadcast %shift_right_arithmetic3A_1219 : i32 to vector<64x320xi32>
      %shift_right_arithmetic3A_1221 = arith.shrsi %iota3A_1200, %shift_right_arithmetic3A_1220 : vector<64x320xi32>
      %and3A_1222 = arith.constant 1 : i32
      %and3A_1223 = vector.broadcast %and3A_1222 : i32 to vector<64x320xi32>
      %and3A_1224 = arith.andi %shift_right_arithmetic3A_1221, %and3A_1223 : vector<64x320xi32>
      %eq3A_1225 = arith.constant 0 : i32
      %eq3A_1226 = vector.broadcast %eq3A_1225 : i32 to vector<64x320xi32>
      %eq3A_1227 = arith.cmpi eq, %and3A_1224, %eq3A_1226 : vector<64x320xi32>
      %select_n3A_1228 = arith.select %eq3A_1227, %concatenate3A_1218, %select_n3A_1214 : vector<64x320xi1>, vector<64x320xf32>
      %slice3A_1229 = vector.extract_strided_slice %select_n3A_1228 {offsets = [0, 4], sizes = [64, 316], strides = [1, 1]} : vector<64x320xf32> to vector<64x316xf32>
      %broadcast_in_dim3A_1230 = arith.constant 0.000000e+00 : f32
      %broadcast_in_dim3A_1231 = vector.broadcast %broadcast_in_dim3A_1230 : f32 to vector<64x4xf32>
      %concatenate3A_1232 = tpu.concatenate %slice3A_1229, %broadcast_in_dim3A_1231 in 1 : vector<64x316xf32>, vector<64x4xf32> -> vector<64x320xf32>
      %shift_right_arithmetic3A_1233 = arith.constant 2 : i32
      %shift_right_arithmetic3A_1234 = vector.broadcast %shift_right_arithmetic3A_1233 : i32 to vector<64x320xi32>
      %shift_right_arithmetic3A_1235 = arith.shrsi %iota3A_1200, %shift_right_arithmetic3A_1234 : vector<64x320xi32>
      %and3A_1236 = arith.constant 1 : i32
      %and3A_1237 = vector.broadcast %and3A_1236 : i32 to vector<64x320xi32>
      %and3A_1238 = arith.andi %shift_right_arithmetic3A_1235, %and3A_1237 : vector<64x320xi32>
      %eq3A_1239 = arith.constant 0 : i32
      %eq3A_1240 = vector.broadcast %eq3A_1239 : i32 to vector<64x320xi32>
      %eq3A_1241 = arith.cmpi eq, %and3A_1238, %eq3A_1240 : vector<64x320xi32>
      %select_n3A_1242 = arith.select %eq3A_1241, %concatenate3A_1232, %select_n3A_1228 : vector<64x320xi1>, vector<64x320xf32>
      %slice3A_1243 = vector.extract_strided_slice %select_n3A_1242 {offsets = [0, 8], sizes = [64, 312], strides = [1, 1]} : vector<64x320xf32> to vector<64x312xf32>
      %broadcast_in_dim3A_1244 = arith.constant 0.000000e+00 : f32
      %broadcast_in_dim3A_1245 = vector.broadcast %broadcast_in_dim3A_1244 : f32 to vector<64x8xf32>
      %concatenate3A_1246 = tpu.concatenate %slice3A_1243, %broadcast_in_dim3A_1245 in 1 : vector<64x312xf32>, vector<64x8xf32> -> vector<64x320xf32>
      %shift_right_arithmetic3A_1247 = arith.constant 3 : i32
      %shift_right_arithmetic3A_1248 = vector.broadcast %shift_right_arithmetic3A_1247 : i32 to vector<64x320xi32>
      %shift_right_arithmetic3A_1249 = arith.shrsi %iota3A_1200, %shift_right_arithmetic3A_1248 : vector<64x320xi32>
      %and3A_1250 = arith.constant 1 : i32
      %and3A_1251 = vector.broadcast %and3A_1250 : i32 to vector<64x320xi32>
      %and3A_1252 = arith.andi %shift_right_arithmetic3A_1249, %and3A_1251 : vector<64x320xi32>
      %eq3A_1253 = arith.constant 0 : i32
      %eq3A_1254 = vector.broadcast %eq3A_1253 : i32 to vector<64x320xi32>
      %eq3A_1255 = arith.cmpi eq, %and3A_1252, %eq3A_1254 : vector<64x320xi32>
      %select_n3A_1256 = arith.select %eq3A_1255, %concatenate3A_1246, %select_n3A_1242 : vector<64x320xi1>, vector<64x320xf32>
      %slice3A_1257 = vector.extract_strided_slice %select_n3A_1256 {offsets = [0, 16], sizes = [64, 304], strides = [1, 1]} : vector<64x320xf32> to vector<64x304xf32>
      %broadcast_in_dim3A_1258 = arith.constant 0.000000e+00 : f32
      %broadcast_in_dim3A_1259 = vector.broadcast %broadcast_in_dim3A_1258 : f32 to vector<64x16xf32>
      %concatenate3A_1260 = tpu.concatenate %slice3A_1257, %broadcast_in_dim3A_1259 in 1 : vector<64x304xf32>, vector<64x16xf32> -> vector<64x320xf32>
      %shift_right_arithmetic3A_1261 = arith.constant 4 : i32
      %shift_right_arithmetic3A_1262 = vector.broadcast %shift_right_arithmetic3A_1261 : i32 to vector<64x320xi32>
      %shift_right_arithmetic3A_1263 = arith.shrsi %iota3A_1200, %shift_right_arithmetic3A_1262 : vector<64x320xi32>
      %and3A_1264 = arith.constant 1 : i32
      %and3A_1265 = vector.broadcast %and3A_1264 : i32 to vector<64x320xi32>
      %and3A_1266 = arith.andi %shift_right_arithmetic3A_1263, %and3A_1265 : vector<64x320xi32>
      %eq3A_1267 = arith.constant 0 : i32
      %eq3A_1268 = vector.broadcast %eq3A_1267 : i32 to vector<64x320xi32>
      %eq3A_1269 = arith.cmpi eq, %and3A_1266, %eq3A_1268 : vector<64x320xi32>
      %select_n3A_1270 = arith.select %eq3A_1269, %concatenate3A_1260, %select_n3A_1256 : vector<64x320xi1>, vector<64x320xf32>
      %slice3A_1271 = vector.extract_strided_slice %select_n3A_1270 {offsets = [0, 32], sizes = [64, 288], strides = [1, 1]} : vector<64x320xf32> to vector<64x288xf32>
      %broadcast_in_dim3A_1272 = arith.constant 0.000000e+00 : f32
      %broadcast_in_dim3A_1273 = vector.broadcast %broadcast_in_dim3A_1272 : f32 to vector<64x32xf32>
      %concatenate3A_1274 = tpu.concatenate %slice3A_1271, %broadcast_in_dim3A_1273 in 1 : vector<64x288xf32>, vector<64x32xf32> -> vector<64x320xf32>
      %shift_right_arithmetic3A_1275 = arith.constant 5 : i32
      %shift_right_arithmetic3A_1276 = vector.broadcast %shift_right_arithmetic3A_1275 : i32 to vector<64x320xi32>
      %shift_right_arithmetic3A_1277 = arith.shrsi %iota3A_1200, %shift_right_arithmetic3A_1276 : vector<64x320xi32>
      %and3A_1278 = arith.constant 1 : i32
      %and3A_1279 = vector.broadcast %and3A_1278 : i32 to vector<64x320xi32>
      %and3A_1280 = arith.andi %shift_right_arithmetic3A_1277, %and3A_1279 : vector<64x320xi32>
      %eq3A_1281 = arith.constant 0 : i32
      %eq3A_1282 = vector.broadcast %eq3A_1281 : i32 to vector<64x320xi32>
      %eq3A_1283 = arith.cmpi eq, %and3A_1280, %eq3A_1282 : vector<64x320xi32>
      %select_n3A_1284 = arith.select %eq3A_1283, %concatenate3A_1274, %select_n3A_1270 : vector<64x320xi1>, vector<64x320xf32>
      %slice3A_1285 = vector.extract_strided_slice %select_n3A_1284 {offsets = [0, 0], sizes = [64, 256], strides = [1, 1]} : vector<64x320xf32> to vector<64x256xf32>
      %swap3A_1286 = arith.constant 0 : index
      %swap3A_1287 = arith.constant 2 : index
      %swap3A_1288 = arith.constant 64 : index
      %swap3A_1289 = arith.constant 0 : index
      %swap3A_1290 = vector.load %arg4[%swap3A_1286, %swap3A_1287, %swap3A_1288, %swap3A_1289] : memref<2x3x256x256xf32, #tpu.memory_space<vmem>>, vector<1x1x64x256xf32>
      %swap3A_1291 = vector.shape_cast %swap3A_1290 : vector<1x1x64x256xf32> to vector<64x256xf32>
      %swap3A_1292 = vector.shape_cast %slice3A_1285 : vector<64x256xf32> to vector<1x1x64x256xf32>
      tpu.vector_store %arg4[%swap3A_1286, %swap3A_1287, %swap3A_1288, %swap3A_1289], %swap3A_1292 {strides = array<i32>} : memref<2x3x256x256xf32, #tpu.memory_space<vmem>>, vector<1x1x64x256xf32>,
      %get3A_1293 = arith.constant 0 : index
      %get3A_1294 = arith.constant 0 : index
      %get3A_1295 = arith.constant 0 : index
      %get3A_1296 = vector.load %arg2[%get3A_1293, %get3A_1294, %get3A_1295] : memref<1x1x1024xf32, #tpu.memory_space<vmem>>, vector<1x1x1024xf32>
      %get3A_1297 = vector.shape_cast %get3A_1296 : vector<1x1x1024xf32> to vector<1024xf32>
      %slice3A_1298 = vector.extract_strided_slice %get3A_1297 {offsets = [64], sizes = [320], strides = [1]} : vector<1024xf32> to vector<320xf32>
      %broadcast_in_dim3A_1299 = vector.shape_cast %slice3A_1298 : vector<320xf32> to vector<1x320xf32>
      %broadcast_in_dim3A_1300 = vector.shape_cast %broadcast_in_dim3A_1299 : vector<1x320xf32> to vector<1x320xf32>
      %broadcast_in_dim3A_1301 = vector.broadcast %broadcast_in_dim3A_1300 : vector<1x320xf32> to vector<64x320xf32>
      %iota3A_1302 = tpu.iota {dimensions = array<i32: 0>} : vector<64x320xi32>
      %slice3A_1303 = vector.extract_strided_slice %broadcast_in_dim3A_1301 {offsets = [0, 1], sizes = [64, 319], strides = [1, 1]} : vector<64x320xf32> to vector<64x319xf32>
      %broadcast_in_dim3A_1304 = arith.constant 0.000000e+00 : f32
      %broadcast_in_dim3A_1305 = vector.broadcast %broadcast_in_dim3A_1304 : f32 to vector<64x1xf32>
      %concatenate3A_1306 = tpu.concatenate %slice3A_1303, %broadcast_in_dim3A_1305 in 1 : vector<64x319xf32>, vector<64x1xf32> -> vector<64x320xf32>
      %shift_right_arithmetic3A_1307 = arith.constant 0 : i32
      %shift_right_arithmetic3A_1308 = vector.broadcast %shift_right_arithmetic3A_1307 : i32 to vector<64x320xi32>
      %shift_right_arithmetic3A_1309 = arith.shrsi %iota3A_1302, %shift_right_arithmetic3A_1308 : vector<64x320xi32>
      %and3A_1310 = arith.constant 1 : i32
      %and3A_1311 = vector.broadcast %and3A_1310 : i32 to vector<64x320xi32>
      %and3A_1312 = arith.andi %shift_right_arithmetic3A_1309, %and3A_1311 : vector<64x320xi32>
      %eq3A_1313 = arith.constant 0 : i32
      %eq3A_1314 = vector.broadcast %eq3A_1313 : i32 to vector<64x320xi32>
      %eq3A_1315 = arith.cmpi eq, %and3A_1312, %eq3A_1314 : vector<64x320xi32>
      %select_n3A_1316 = arith.select %eq3A_1315, %concatenate3A_1306, %broadcast_in_dim3A_1301 : vector<64x320xi1>, vector<64x320xf32>
      %slice3A_1317 = vector.extract_strided_slice %select_n3A_1316 {offsets = [0, 2], sizes = [64, 318], strides = [1, 1]} : vector<64x320xf32> to vector<64x318xf32>
      %broadcast_in_dim3A_1318 = arith.constant 0.000000e+00 : f32
      %broadcast_in_dim3A_1319 = vector.broadcast %broadcast_in_dim3A_1318 : f32 to vector<64x2xf32>
      %concatenate3A_1320 = tpu.concatenate %slice3A_1317, %broadcast_in_dim3A_1319 in 1 : vector<64x318xf32>, vector<64x2xf32> -> vector<64x320xf32>
      %shift_right_arithmetic3A_1321 = arith.constant 1 : i32
      %shift_right_arithmetic3A_1322 = vector.broadcast %shift_right_arithmetic3A_1321 : i32 to vector<64x320xi32>
      %shift_right_arithmetic3A_1323 = arith.shrsi %iota3A_1302, %shift_right_arithmetic3A_1322 : vector<64x320xi32>
      %and3A_1324 = arith.constant 1 : i32
      %and3A_1325 = vector.broadcast %and3A_1324 : i32 to vector<64x320xi32>
      %and3A_1326 = arith.andi %shift_right_arithmetic3A_1323, %and3A_1325 : vector<64x320xi32>
      %eq3A_1327 = arith.constant 0 : i32
      %eq3A_1328 = vector.broadcast %eq3A_1327 : i32 to vector<64x320xi32>
      %eq3A_1329 = arith.cmpi eq, %and3A_1326, %eq3A_1328 : vector<64x320xi32>
      %select_n3A_1330 = arith.select %eq3A_1329, %concatenate3A_1320, %select_n3A_1316 : vector<64x320xi1>, vector<64x320xf32>
      %slice3A_1331 = vector.extract_strided_slice %select_n3A_1330 {offsets = [0, 4], sizes = [64, 316], strides = [1, 1]} : vector<64x320xf32> to vector<64x316xf32>
      %broadcast_in_dim3A_1332 = arith.constant 0.000000e+00 : f32
      %broadcast_in_dim3A_1333 = vector.broadcast %broadcast_in_dim3A_1332 : f32 to vector<64x4xf32>
      %concatenate3A_1334 = tpu.concatenate %slice3A_1331, %broadcast_in_dim3A_1333 in 1 : vector<64x316xf32>, vector<64x4xf32> -> vector<64x320xf32>
      %shift_right_arithmetic3A_1335 = arith.constant 2 : i32
      %shift_right_arithmetic3A_1336 = vector.broadcast %shift_right_arithmetic3A_1335 : i32 to vector<64x320xi32>
      %shift_right_arithmetic3A_1337 = arith.shrsi %iota3A_1302, %shift_right_arithmetic3A_1336 : vector<64x320xi32>
      %and3A_1338 = arith.constant 1 : i32
      %and3A_1339 = vector.broadcast %and3A_1338 : i32 to vector<64x320xi32>
      %and3A_1340 = arith.andi %shift_right_arithmetic3A_1337, %and3A_1339 : vector<64x320xi32>
      %eq3A_1341 = arith.constant 0 : i32
      %eq3A_1342 = vector.broadcast %eq3A_1341 : i32 to vector<64x320xi32>
      %eq3A_1343 = arith.cmpi eq, %and3A_1340, %eq3A_1342 : vector<64x320xi32>
      %select_n3A_1344 = arith.select %eq3A_1343, %concatenate3A_1334, %select_n3A_1330 : vector<64x320xi1>, vector<64x320xf32>
      %slice3A_1345 = vector.extract_strided_slice %select_n3A_1344 {offsets = [0, 8], sizes = [64, 312], strides = [1, 1]} : vector<64x320xf32> to vector<64x312xf32>
      %broadcast_in_dim3A_1346 = arith.constant 0.000000e+00 : f32
      %broadcast_in_dim3A_1347 = vector.broadcast %broadcast_in_dim3A_1346 : f32 to vector<64x8xf32>
      %concatenate3A_1348 = tpu.concatenate %slice3A_1345, %broadcast_in_dim3A_1347 in 1 : vector<64x312xf32>, vector<64x8xf32> -> vector<64x320xf32>
      %shift_right_arithmetic3A_1349 = arith.constant 3 : i32
      %shift_right_arithmetic3A_1350 = vector.broadcast %shift_right_arithmetic3A_1349 : i32 to vector<64x320xi32>
      %shift_right_arithmetic3A_1351 = arith.shrsi %iota3A_1302, %shift_right_arithmetic3A_1350 : vector<64x320xi32>
      %and3A_1352 = arith.constant 1 : i32
      %and3A_1353 = vector.broadcast %and3A_1352 : i32 to vector<64x320xi32>
      %and3A_1354 = arith.andi %shift_right_arithmetic3A_1351, %and3A_1353 : vector<64x320xi32>
      %eq3A_1355 = arith.constant 0 : i32
      %eq3A_1356 = vector.broadcast %eq3A_1355 : i32 to vector<64x320xi32>
      %eq3A_1357 = arith.cmpi eq, %and3A_1354, %eq3A_1356 : vector<64x320xi32>
      %select_n3A_1358 = arith.select %eq3A_1357, %concatenate3A_1348, %select_n3A_1344 : vector<64x320xi1>, vector<64x320xf32>
      %slice3A_1359 = vector.extract_strided_slice %select_n3A_1358 {offsets = [0, 16], sizes = [64, 304], strides = [1, 1]} : vector<64x320xf32> to vector<64x304xf32>
      %broadcast_in_dim3A_1360 = arith.constant 0.000000e+00 : f32
      %broadcast_in_dim3A_1361 = vector.broadcast %broadcast_in_dim3A_1360 : f32 to vector<64x16xf32>
      %concatenate3A_1362 = tpu.concatenate %slice3A_1359, %broadcast_in_dim3A_1361 in 1 : vector<64x304xf32>, vector<64x16xf32> -> vector<64x320xf32>
      %shift_right_arithmetic3A_1363 = arith.constant 4 : i32
      %shift_right_arithmetic3A_1364 = vector.broadcast %shift_right_arithmetic3A_1363 : i32 to vector<64x320xi32>
      %shift_right_arithmetic3A_1365 = arith.shrsi %iota3A_1302, %shift_right_arithmetic3A_1364 : vector<64x320xi32>
      %and3A_1366 = arith.constant 1 : i32
      %and3A_1367 = vector.broadcast %and3A_1366 : i32 to vector<64x320xi32>
      %and3A_1368 = arith.andi %shift_right_arithmetic3A_1365, %and3A_1367 : vector<64x320xi32>
      %eq3A_1369 = arith.constant 0 : i32
      %eq3A_1370 = vector.broadcast %eq3A_1369 : i32 to vector<64x320xi32>
      %eq3A_1371 = arith.cmpi eq, %and3A_1368, %eq3A_1370 : vector<64x320xi32>
      %select_n3A_1372 = arith.select %eq3A_1371, %concatenate3A_1362, %select_n3A_1358 : vector<64x320xi1>, vector<64x320xf32>
      %slice3A_1373 = vector.extract_strided_slice %select_n3A_1372 {offsets = [0, 32], sizes = [64, 288], strides = [1, 1]} : vector<64x320xf32> to vector<64x288xf32>
      %broadcast_in_dim3A_1374 = arith.constant 0.000000e+00 : f32
      %broadcast_in_dim3A_1375 = vector.broadcast %broadcast_in_dim3A_1374 : f32 to vector<64x32xf32>
      %concatenate3A_1376 = tpu.concatenate %slice3A_1373, %broadcast_in_dim3A_1375 in 1 : vector<64x288xf32>, vector<64x32xf32> -> vector<64x320xf32>
      %shift_right_arithmetic3A_1377 = arith.constant 5 : i32
      %shift_right_arithmetic3A_1378 = vector.broadcast %shift_right_arithmetic3A_1377 : i32 to vector<64x320xi32>
      %shift_right_arithmetic3A_1379 = arith.shrsi %iota3A_1302, %shift_right_arithmetic3A_1378 : vector<64x320xi32>
      %and3A_1380 = arith.constant 1 : i32
      %and3A_1381 = vector.broadcast %and3A_1380 : i32 to vector<64x320xi32>
      %and3A_1382 = arith.andi %shift_right_arithmetic3A_1379, %and3A_1381 : vector<64x320xi32>
      %eq3A_1383 = arith.constant 0 : i32
      %eq3A_1384 = vector.broadcast %eq3A_1383 : i32 to vector<64x320xi32>
      %eq3A_1385 = arith.cmpi eq, %and3A_1382, %eq3A_1384 : vector<64x320xi32>
      %select_n3A_1386 = arith.select %eq3A_1385, %concatenate3A_1376, %select_n3A_1372 : vector<64x320xi1>, vector<64x320xf32>
      %slice3A_1387 = vector.extract_strided_slice %select_n3A_1386 {offsets = [0, 0], sizes = [64, 256], strides = [1, 1]} : vector<64x320xf32> to vector<64x256xf32>
      %swap3A_1388 = arith.constant 0 : index
      %swap3A_1389 = arith.constant 2 : index
      %swap3A_1390 = arith.constant 128 : index
      %swap3A_1391 = arith.constant 0 : index
      %swap3A_1392 = vector.load %arg4[%swap3A_1388, %swap3A_1389, %swap3A_1390, %swap3A_1391] : memref<2x3x256x256xf32, #tpu.memory_space<vmem>>, vector<1x1x64x256xf32>
      %swap3A_1393 = vector.shape_cast %swap3A_1392 : vector<1x1x64x256xf32> to vector<64x256xf32>
      %swap3A_1394 = vector.shape_cast %slice3A_1387 : vector<64x256xf32> to vector<1x1x64x256xf32>
      tpu.vector_store %arg4[%swap3A_1388, %swap3A_1389, %swap3A_1390, %swap3A_1391], %swap3A_1394 {strides = array<i32>} : memref<2x3x256x256xf32, #tpu.memory_space<vmem>>, vector<1x1x64x256xf32>,
      %get3A_1395 = arith.constant 0 : index
      %get3A_1396 = arith.constant 0 : index
      %get3A_1397 = arith.constant 0 : index
      %get3A_1398 = vector.load %arg2[%get3A_1395, %get3A_1396, %get3A_1397] : memref<1x1x1024xf32, #tpu.memory_space<vmem>>, vector<1x1x1024xf32>
      %get3A_1399 = vector.shape_cast %get3A_1398 : vector<1x1x1024xf32> to vector<1024xf32>
      %slice3A_1400 = vector.extract_strided_slice %get3A_1399 {offsets = [0], sizes = [320], strides = [1]} : vector<1024xf32> to vector<320xf32>
      %broadcast_in_dim3A_1401 = vector.shape_cast %slice3A_1400 : vector<320xf32> to vector<1x320xf32>
      %broadcast_in_dim3A_1402 = vector.shape_cast %broadcast_in_dim3A_1401 : vector<1x320xf32> to vector<1x320xf32>
      %broadcast_in_dim3A_1403 = vector.broadcast %broadcast_in_dim3A_1402 : vector<1x320xf32> to vector<64x320xf32>
      %iota3A_1404 = tpu.iota {dimensions = array<i32: 0>} : vector<64x320xi32>
      %slice3A_1405 = vector.extract_strided_slice %broadcast_in_dim3A_1403 {offsets = [0, 1], sizes = [64, 319], strides = [1, 1]} : vector<64x320xf32> to vector<64x319xf32>
      %broadcast_in_dim3A_1406 = arith.constant 0.000000e+00 : f32
      %broadcast_in_dim3A_1407 = vector.broadcast %broadcast_in_dim3A_1406 : f32 to vector<64x1xf32>
      %concatenate3A_1408 = tpu.concatenate %slice3A_1405, %broadcast_in_dim3A_1407 in 1 : vector<64x319xf32>, vector<64x1xf32> -> vector<64x320xf32>
      %shift_right_arithmetic3A_1409 = arith.constant 0 : i32
      %shift_right_arithmetic3A_1410 = vector.broadcast %shift_right_arithmetic3A_1409 : i32 to vector<64x320xi32>
      %shift_right_arithmetic3A_1411 = arith.shrsi %iota3A_1404, %shift_right_arithmetic3A_1410 : vector<64x320xi32>
      %and3A_1412 = arith.constant 1 : i32
      %and3A_1413 = vector.broadcast %and3A_1412 : i32 to vector<64x320xi32>
      %and3A_1414 = arith.andi %shift_right_arithmetic3A_1411, %and3A_1413 : vector<64x320xi32>
      %eq3A_1415 = arith.constant 0 : i32
      %eq3A_1416 = vector.broadcast %eq3A_1415 : i32 to vector<64x320xi32>
      %eq3A_1417 = arith.cmpi eq, %and3A_1414, %eq3A_1416 : vector<64x320xi32>
      %select_n3A_1418 = arith.select %eq3A_1417, %concatenate3A_1408, %broadcast_in_dim3A_1403 : vector<64x320xi1>, vector<64x320xf32>
      %slice3A_1419 = vector.extract_strided_slice %select_n3A_1418 {offsets = [0, 2], sizes = [64, 318], strides = [1, 1]} : vector<64x320xf32> to vector<64x318xf32>
      %broadcast_in_dim3A_1420 = arith.constant 0.000000e+00 : f32
      %broadcast_in_dim3A_1421 = vector.broadcast %broadcast_in_dim3A_1420 : f32 to vector<64x2xf32>
      %concatenate3A_1422 = tpu.concatenate %slice3A_1419, %broadcast_in_dim3A_1421 in 1 : vector<64x318xf32>, vector<64x2xf32> -> vector<64x320xf32>
      %shift_right_arithmetic3A_1423 = arith.constant 1 : i32
      %shift_right_arithmetic3A_1424 = vector.broadcast %shift_right_arithmetic3A_1423 : i32 to vector<64x320xi32>
      %shift_right_arithmetic3A_1425 = arith.shrsi %iota3A_1404, %shift_right_arithmetic3A_1424 : vector<64x320xi32>
      %and3A_1426 = arith.constant 1 : i32
      %and3A_1427 = vector.broadcast %and3A_1426 : i32 to vector<64x320xi32>
      %and3A_1428 = arith.andi %shift_right_arithmetic3A_1425, %and3A_1427 : vector<64x320xi32>
      %eq3A_1429 = arith.constant 0 : i32
      %eq3A_1430 = vector.broadcast %eq3A_1429 : i32 to vector<64x320xi32>
      %eq3A_1431 = arith.cmpi eq, %and3A_1428, %eq3A_1430 : vector<64x320xi32>
      %select_n3A_1432 = arith.select %eq3A_1431, %concatenate3A_1422, %select_n3A_1418 : vector<64x320xi1>, vector<64x320xf32>
      %slice3A_1433 = vector.extract_strided_slice %select_n3A_1432 {offsets = [0, 4], sizes = [64, 316], strides = [1, 1]} : vector<64x320xf32> to vector<64x316xf32>
      %broadcast_in_dim3A_1434 = arith.constant 0.000000e+00 : f32
      %broadcast_in_dim3A_1435 = vector.broadcast %broadcast_in_dim3A_1434 : f32 to vector<64x4xf32>
      %concatenate3A_1436 = tpu.concatenate %slice3A_1433, %broadcast_in_dim3A_1435 in 1 : vector<64x316xf32>, vector<64x4xf32> -> vector<64x320xf32>
      %shift_right_arithmetic3A_1437 = arith.constant 2 : i32
      %shift_right_arithmetic3A_1438 = vector.broadcast %shift_right_arithmetic3A_1437 : i32 to vector<64x320xi32>
      %shift_right_arithmetic3A_1439 = arith.shrsi %iota3A_1404, %shift_right_arithmetic3A_1438 : vector<64x320xi32>
      %and3A_1440 = arith.constant 1 : i32
      %and3A_1441 = vector.broadcast %and3A_1440 : i32 to vector<64x320xi32>
      %and3A_1442 = arith.andi %shift_right_arithmetic3A_1439, %and3A_1441 : vector<64x320xi32>
      %eq3A_1443 = arith.constant 0 : i32
      %eq3A_1444 = vector.broadcast %eq3A_1443 : i32 to vector<64x320xi32>
      %eq3A_1445 = arith.cmpi eq, %and3A_1442, %eq3A_1444 : vector<64x320xi32>
      %select_n3A_1446 = arith.select %eq3A_1445, %concatenate3A_1436, %select_n3A_1432 : vector<64x320xi1>, vector<64x320xf32>
      %slice3A_1447 = vector.extract_strided_slice %select_n3A_1446 {offsets = [0, 8], sizes = [64, 312], strides = [1, 1]} : vector<64x320xf32> to vector<64x312xf32>
      %broadcast_in_dim3A_1448 = arith.constant 0.000000e+00 : f32
      %broadcast_in_dim3A_1449 = vector.broadcast %broadcast_in_dim3A_1448 : f32 to vector<64x8xf32>
      %concatenate3A_1450 = tpu.concatenate %slice3A_1447, %broadcast_in_dim3A_1449 in 1 : vector<64x312xf32>, vector<64x8xf32> -> vector<64x320xf32>
      %shift_right_arithmetic3A_1451 = arith.constant 3 : i32
      %shift_right_arithmetic3A_1452 = vector.broadcast %shift_right_arithmetic3A_1451 : i32 to vector<64x320xi32>
      %shift_right_arithmetic3A_1453 = arith.shrsi %iota3A_1404, %shift_right_arithmetic3A_1452 : vector<64x320xi32>
      %and3A_1454 = arith.constant 1 : i32
      %and3A_1455 = vector.broadcast %and3A_1454 : i32 to vector<64x320xi32>
      %and3A_1456 = arith.andi %shift_right_arithmetic3A_1453, %and3A_1455 : vector<64x320xi32>
      %eq3A_1457 = arith.constant 0 : i32
      %eq3A_1458 = vector.broadcast %eq3A_1457 : i32 to vector<64x320xi32>
      %eq3A_1459 = arith.cmpi eq, %and3A_1456, %eq3A_1458 : vector<64x320xi32>
      %select_n3A_1460 = arith.select %eq3A_1459, %concatenate3A_1450, %select_n3A_1446 : vector<64x320xi1>, vector<64x320xf32>
      %slice3A_1461 = vector.extract_strided_slice %select_n3A_1460 {offsets = [0, 16], sizes = [64, 304], strides = [1, 1]} : vector<64x320xf32> to vector<64x304xf32>
      %broadcast_in_dim3A_1462 = arith.constant 0.000000e+00 : f32
      %broadcast_in_dim3A_1463 = vector.broadcast %broadcast_in_dim3A_1462 : f32 to vector<64x16xf32>
      %concatenate3A_1464 = tpu.concatenate %slice3A_1461, %broadcast_in_dim3A_1463 in 1 : vector<64x304xf32>, vector<64x16xf32> -> vector<64x320xf32>
      %shift_right_arithmetic3A_1465 = arith.constant 4 : i32
      %shift_right_arithmetic3A_1466 = vector.broadcast %shift_right_arithmetic3A_1465 : i32 to vector<64x320xi32>
      %shift_right_arithmetic3A_1467 = arith.shrsi %iota3A_1404, %shift_right_arithmetic3A_1466 : vector<64x320xi32>
      %and3A_1468 = arith.constant 1 : i32
      %and3A_1469 = vector.broadcast %and3A_1468 : i32 to vector<64x320xi32>
      %and3A_1470 = arith.andi %shift_right_arithmetic3A_1467, %and3A_1469 : vector<64x320xi32>
      %eq3A_1471 = arith.constant 0 : i32
      %eq3A_1472 = vector.broadcast %eq3A_1471 : i32 to vector<64x320xi32>
      %eq3A_1473 = arith.cmpi eq, %and3A_1470, %eq3A_1472 : vector<64x320xi32>
      %select_n3A_1474 = arith.select %eq3A_1473, %concatenate3A_1464, %select_n3A_1460 : vector<64x320xi1>, vector<64x320xf32>
      %slice3A_1475 = vector.extract_strided_slice %select_n3A_1474 {offsets = [0, 32], sizes = [64, 288], strides = [1, 1]} : vector<64x320xf32> to vector<64x288xf32>
      %broadcast_in_dim3A_1476 = arith.constant 0.000000e+00 : f32
      %broadcast_in_dim3A_1477 = vector.broadcast %broadcast_in_dim3A_1476 : f32 to vector<64x32xf32>
      %concatenate3A_1478 = tpu.concatenate %slice3A_1475, %broadcast_in_dim3A_1477 in 1 : vector<64x288xf32>, vector<64x32xf32> -> vector<64x320xf32>
      %shift_right_arithmetic3A_1479 = arith.constant 5 : i32
      %shift_right_arithmetic3A_1480 = vector.broadcast %shift_right_arithmetic3A_1479 : i32 to vector<64x320xi32>
      %shift_right_arithmetic3A_1481 = arith.shrsi %iota3A_1404, %shift_right_arithmetic3A_1480 : vector<64x320xi32>
      %and3A_1482 = arith.constant 1 : i32
      %and3A_1483 = vector.broadcast %and3A_1482 : i32 to vector<64x320xi32>
      %and3A_1484 = arith.andi %shift_right_arithmetic3A_1481, %and3A_1483 : vector<64x320xi32>
      %eq3A_1485 = arith.constant 0 : i32
      %eq3A_1486 = vector.broadcast %eq3A_1485 : i32 to vector<64x320xi32>
      %eq3A_1487 = arith.cmpi eq, %and3A_1484, %eq3A_1486 : vector<64x320xi32>
      %select_n3A_1488 = arith.select %eq3A_1487, %concatenate3A_1478, %select_n3A_1474 : vector<64x320xi1>, vector<64x320xf32>
      %slice3A_1489 = vector.extract_strided_slice %select_n3A_1488 {offsets = [0, 0], sizes = [64, 256], strides = [1, 1]} : vector<64x320xf32> to vector<64x256xf32>
      %swap3A_1490 = arith.constant 0 : index
      %swap3A_1491 = arith.constant 2 : index
      %swap3A_1492 = arith.constant 192 : index
      %swap3A_1493 = arith.constant 0 : index
      %swap3A_1494 = vector.load %arg4[%swap3A_1490, %swap3A_1491, %swap3A_1492, %swap3A_1493] : memref<2x3x256x256xf32, #tpu.memory_space<vmem>>, vector<1x1x64x256xf32>
      %swap3A_1495 = vector.shape_cast %swap3A_1494 : vector<1x1x64x256xf32> to vector<64x256xf32>
      %swap3A_1496 = vector.shape_cast %slice3A_1489 : vector<64x256xf32> to vector<1x1x64x256xf32>
      tpu.vector_store %arg4[%swap3A_1490, %swap3A_1491, %swap3A_1492, %swap3A_1493], %swap3A_1496 {strides = array<i32>} : memref<2x3x256x256xf32, #tpu.memory_space<vmem>>, vector<1x1x64x256xf32>,
    } else {
    }
    %eq3A_5 = arith.constant 1 : i32
    %eq3A_6 = arith.cmpi eq, %arg1, %eq3A_5 : i32
    %lt3A = arith.constant 15 : i32
    %lt3A_7 = arith.cmpi slt, %arg0, %lt3A : i32
    %and3A_8 = arith.andi %eq3A_6, %lt3A_7 : i1
    %convert_element_type3A_9 = arith.extui %and3A_8 : i1 to i32
    %cond3A_10 = arith.constant 0 : i32
    %cond3A_11 = arith.cmpi ne, %convert_element_type3A_9, %cond3A_10 : i32
    scf.if %cond3A_11 {
      %get3A_279 = arith.constant 0 : index
      %get3A_280 = arith.constant 0 : index
      %get3A_281 = arith.constant 0 : index
      %get3A_282 = vector.load %arg2[%get3A_279, %get3A_280, %get3A_281] : memref<1x1x1024xf32, #tpu.memory_space<vmem>>, vector<1x1x1024xf32>
      %get3A_283 = vector.shape_cast %get3A_282 : vector<1x1x1024xf32> to vector<1024xf32>
      %slice3A = vector.extract_strided_slice %get3A_283 {offsets = [448], sizes = [320], strides = [1]} : vector<1024xf32> to vector<320xf32>
      %broadcast_in_dim3A = vector.shape_cast %slice3A : vector<320xf32> to vector<1x320xf32>
      %broadcast_in_dim3A_284 = vector.shape_cast %broadcast_in_dim3A : vector<1x320xf32> to vector<1x320xf32>
      %broadcast_in_dim3A_285 = vector.broadcast %broadcast_in_dim3A_284 : vector<1x320xf32> to vector<64x320xf32>
      %iota3A = tpu.iota {dimensions = array<i32: 0>} : vector<64x320xi32>
      %slice3A_286 = vector.extract_strided_slice %broadcast_in_dim3A_285 {offsets = [0, 1], sizes = [64, 319], strides = [1, 1]} : vector<64x320xf32> to vector<64x319xf32>
      %broadcast_in_dim3A_287 = arith.constant 0.000000e+00 : f32
      %broadcast_in_dim3A_288 = vector.broadcast %broadcast_in_dim3A_287 : f32 to vector<64x1xf32>
      %concatenate3A = tpu.concatenate %slice3A_286, %broadcast_in_dim3A_288 in 1 : vector<64x319xf32>, vector<64x1xf32> -> vector<64x320xf32>
      %shift_right_arithmetic3A = arith.constant 0 : i32
      %shift_right_arithmetic3A_289 = vector.broadcast %shift_right_arithmetic3A : i32 to vector<64x320xi32>
      %shift_right_arithmetic3A_290 = arith.shrsi %iota3A, %shift_right_arithmetic3A_289 : vector<64x320xi32>
      %and3A_291 = arith.constant 1 : i32
      %and3A_292 = vector.broadcast %and3A_291 : i32 to vector<64x320xi32>
      %and3A_293 = arith.andi %shift_right_arithmetic3A_290, %and3A_292 : vector<64x320xi32>
      %eq3A_294 = arith.constant 0 : i32
      %eq3A_295 = vector.broadcast %eq3A_294 : i32 to vector<64x320xi32>
      %eq3A_296 = arith.cmpi eq, %and3A_293, %eq3A_295 : vector<64x320xi32>
      %select_n3A = arith.select %eq3A_296, %concatenate3A, %broadcast_in_dim3A_285 : vector<64x320xi1>, vector<64x320xf32>
      %slice3A_297 = vector.extract_strided_slice %select_n3A {offsets = [0, 2], sizes = [64, 318], strides = [1, 1]} : vector<64x320xf32> to vector<64x318xf32>
      %broadcast_in_dim3A_298 = arith.constant 0.000000e+00 : f32
      %broadcast_in_dim3A_299 = vector.broadcast %broadcast_in_dim3A_298 : f32 to vector<64x2xf32>
      %concatenate3A_300 = tpu.concatenate %slice3A_297, %broadcast_in_dim3A_299 in 1 : vector<64x318xf32>, vector<64x2xf32> -> vector<64x320xf32>
      %shift_right_arithmetic3A_301 = arith.constant 1 : i32
      %shift_right_arithmetic3A_302 = vector.broadcast %shift_right_arithmetic3A_301 : i32 to vector<64x320xi32>
      %shift_right_arithmetic3A_303 = arith.shrsi %iota3A, %shift_right_arithmetic3A_302 : vector<64x320xi32>
      %and3A_304 = arith.constant 1 : i32
      %and3A_305 = vector.broadcast %and3A_304 : i32 to vector<64x320xi32>
      %and3A_306 = arith.andi %shift_right_arithmetic3A_303, %and3A_305 : vector<64x320xi32>
      %eq3A_307 = arith.constant 0 : i32
      %eq3A_308 = vector.broadcast %eq3A_307 : i32 to vector<64x320xi32>
      %eq3A_309 = arith.cmpi eq, %and3A_306, %eq3A_308 : vector<64x320xi32>
      %select_n3A_310 = arith.select %eq3A_309, %concatenate3A_300, %select_n3A : vector<64x320xi1>, vector<64x320xf32>
      %slice3A_311 = vector.extract_strided_slice %select_n3A_310 {offsets = [0, 4], sizes = [64, 316], strides = [1, 1]} : vector<64x320xf32> to vector<64x316xf32>
      %broadcast_in_dim3A_312 = arith.constant 0.000000e+00 : f32
      %broadcast_in_dim3A_313 = vector.broadcast %broadcast_in_dim3A_312 : f32 to vector<64x4xf32>
      %concatenate3A_314 = tpu.concatenate %slice3A_311, %broadcast_in_dim3A_313 in 1 : vector<64x316xf32>, vector<64x4xf32> -> vector<64x320xf32>
      %shift_right_arithmetic3A_315 = arith.constant 2 : i32
      %shift_right_arithmetic3A_316 = vector.broadcast %shift_right_arithmetic3A_315 : i32 to vector<64x320xi32>
      %shift_right_arithmetic3A_317 = arith.shrsi %iota3A, %shift_right_arithmetic3A_316 : vector<64x320xi32>
      %and3A_318 = arith.constant 1 : i32
      %and3A_319 = vector.broadcast %and3A_318 : i32 to vector<64x320xi32>
      %and3A_320 = arith.andi %shift_right_arithmetic3A_317, %and3A_319 : vector<64x320xi32>
      %eq3A_321 = arith.constant 0 : i32
      %eq3A_322 = vector.broadcast %eq3A_321 : i32 to vector<64x320xi32>
      %eq3A_323 = arith.cmpi eq, %and3A_320, %eq3A_322 : vector<64x320xi32>
      %select_n3A_324 = arith.select %eq3A_323, %concatenate3A_314, %select_n3A_310 : vector<64x320xi1>, vector<64x320xf32>
      %slice3A_325 = vector.extract_strided_slice %select_n3A_324 {offsets = [0, 8], sizes = [64, 312], strides = [1, 1]} : vector<64x320xf32> to vector<64x312xf32>
      %broadcast_in_dim3A_326 = arith.constant 0.000000e+00 : f32
      %broadcast_in_dim3A_327 = vector.broadcast %broadcast_in_dim3A_326 : f32 to vector<64x8xf32>
      %concatenate3A_328 = tpu.concatenate %slice3A_325, %broadcast_in_dim3A_327 in 1 : vector<64x312xf32>, vector<64x8xf32> -> vector<64x320xf32>
      %shift_right_arithmetic3A_329 = arith.constant 3 : i32
      %shift_right_arithmetic3A_330 = vector.broadcast %shift_right_arithmetic3A_329 : i32 to vector<64x320xi32>
      %shift_right_arithmetic3A_331 = arith.shrsi %iota3A, %shift_right_arithmetic3A_330 : vector<64x320xi32>
      %and3A_332 = arith.constant 1 : i32
      %and3A_333 = vector.broadcast %and3A_332 : i32 to vector<64x320xi32>
      %and3A_334 = arith.andi %shift_right_arithmetic3A_331, %and3A_333 : vector<64x320xi32>
      %eq3A_335 = arith.constant 0 : i32
      %eq3A_336 = vector.broadcast %eq3A_335 : i32 to vector<64x320xi32>
      %eq3A_337 = arith.cmpi eq, %and3A_334, %eq3A_336 : vector<64x320xi32>
      %select_n3A_338 = arith.select %eq3A_337, %concatenate3A_328, %select_n3A_324 : vector<64x320xi1>, vector<64x320xf32>
      %slice3A_339 = vector.extract_strided_slice %select_n3A_338 {offsets = [0, 16], sizes = [64, 304], strides = [1, 1]} : vector<64x320xf32> to vector<64x304xf32>
      %broadcast_in_dim3A_340 = arith.constant 0.000000e+00 : f32
      %broadcast_in_dim3A_341 = vector.broadcast %broadcast_in_dim3A_340 : f32 to vector<64x16xf32>
      %concatenate3A_342 = tpu.concatenate %slice3A_339, %broadcast_in_dim3A_341 in 1 : vector<64x304xf32>, vector<64x16xf32> -> vector<64x320xf32>
      %shift_right_arithmetic3A_343 = arith.constant 4 : i32
      %shift_right_arithmetic3A_344 = vector.broadcast %shift_right_arithmetic3A_343 : i32 to vector<64x320xi32>
      %shift_right_arithmetic3A_345 = arith.shrsi %iota3A, %shift_right_arithmetic3A_344 : vector<64x320xi32>
      %and3A_346 = arith.constant 1 : i32
      %and3A_347 = vector.broadcast %and3A_346 : i32 to vector<64x320xi32>
      %and3A_348 = arith.andi %shift_right_arithmetic3A_345, %and3A_347 : vector<64x320xi32>
      %eq3A_349 = arith.constant 0 : i32
      %eq3A_350 = vector.broadcast %eq3A_349 : i32 to vector<64x320xi32>
      %eq3A_351 = arith.cmpi eq, %and3A_348, %eq3A_350 : vector<64x320xi32>
      %select_n3A_352 = arith.select %eq3A_351, %concatenate3A_342, %select_n3A_338 : vector<64x320xi1>, vector<64x320xf32>
      %slice3A_353 = vector.extract_strided_slice %select_n3A_352 {offsets = [0, 32], sizes = [64, 288], strides = [1, 1]} : vector<64x320xf32> to vector<64x288xf32>
      %broadcast_in_dim3A_354 = arith.constant 0.000000e+00 : f32
      %broadcast_in_dim3A_355 = vector.broadcast %broadcast_in_dim3A_354 : f32 to vector<64x32xf32>
      %concatenate3A_356 = tpu.concatenate %slice3A_353, %broadcast_in_dim3A_355 in 1 : vector<64x288xf32>, vector<64x32xf32> -> vector<64x320xf32>
      %shift_right_arithmetic3A_357 = arith.constant 5 : i32
      %shift_right_arithmetic3A_358 = vector.broadcast %shift_right_arithmetic3A_357 : i32 to vector<64x320xi32>
      %shift_right_arithmetic3A_359 = arith.shrsi %iota3A, %shift_right_arithmetic3A_358 : vector<64x320xi32>
      %and3A_360 = arith.constant 1 : i32
      %and3A_361 = vector.broadcast %and3A_360 : i32 to vector<64x320xi32>
      %and3A_362 = arith.andi %shift_right_arithmetic3A_359, %and3A_361 : vector<64x320xi32>
      %eq3A_363 = arith.constant 0 : i32
      %eq3A_364 = vector.broadcast %eq3A_363 : i32 to vector<64x320xi32>
      %eq3A_365 = arith.cmpi eq, %and3A_362, %eq3A_364 : vector<64x320xi32>
      %select_n3A_366 = arith.select %eq3A_365, %concatenate3A_356, %select_n3A_352 : vector<64x320xi1>, vector<64x320xf32>
      %slice3A_367 = vector.extract_strided_slice %select_n3A_366 {offsets = [0, 0], sizes = [64, 256], strides = [1, 1]} : vector<64x320xf32> to vector<64x256xf32>
      %sub3A_368 = arith.constant 1 : i32
      %sub3A_369 = arith.subi %sub3A_368, %rem3A_0 : i32
      %swap3A_370 = arith.index_cast %sub3A_369 : i32 to index
      %swap3A_371 = arith.constant 0 : index
      %swap3A_372 = arith.constant 0 : index
      %swap3A_373 = arith.constant 0 : index
      %swap3A_374 = vector.load %arg4[%swap3A_370, %swap3A_371, %swap3A_372, %swap3A_373] : memref<2x3x256x256xf32, #tpu.memory_space<vmem>>, vector<1x1x64x256xf32>
      %swap3A_375 = vector.shape_cast %swap3A_374 : vector<1x1x64x256xf32> to vector<64x256xf32>
      %swap3A_376 = vector.shape_cast %slice3A_367 : vector<64x256xf32> to vector<1x1x64x256xf32>
      tpu.vector_store %arg4[%swap3A_370, %swap3A_371, %swap3A_372, %swap3A_373], %swap3A_376 {strides = array<i32>} : memref<2x3x256x256xf32, #tpu.memory_space<vmem>>, vector<1x1x64x256xf32>,
      %get3A_377 = arith.constant 0 : index
      %get3A_378 = arith.constant 0 : index
      %get3A_379 = arith.constant 0 : index
      %get3A_380 = vector.load %arg2[%get3A_377, %get3A_378, %get3A_379] : memref<1x1x1024xf32, #tpu.memory_space<vmem>>, vector<1x1x1024xf32>
      %get3A_381 = vector.shape_cast %get3A_380 : vector<1x1x1024xf32> to vector<1024xf32>
      %slice3A_382 = vector.extract_strided_slice %get3A_381 {offsets = [384], sizes = [320], strides = [1]} : vector<1024xf32> to vector<320xf32>
      %broadcast_in_dim3A_383 = vector.shape_cast %slice3A_382 : vector<320xf32> to vector<1x320xf32>
      %broadcast_in_dim3A_384 = vector.shape_cast %broadcast_in_dim3A_383 : vector<1x320xf32> to vector<1x320xf32>
      %broadcast_in_dim3A_385 = vector.broadcast %broadcast_in_dim3A_384 : vector<1x320xf32> to vector<64x320xf32>
      %iota3A_386 = tpu.iota {dimensions = array<i32: 0>} : vector<64x320xi32>
      %slice3A_387 = vector.extract_strided_slice %broadcast_in_dim3A_385 {offsets = [0, 1], sizes = [64, 319], strides = [1, 1]} : vector<64x320xf32> to vector<64x319xf32>
      %broadcast_in_dim3A_388 = arith.constant 0.000000e+00 : f32
      %broadcast_in_dim3A_389 = vector.broadcast %broadcast_in_dim3A_388 : f32 to vector<64x1xf32>
      %concatenate3A_390 = tpu.concatenate %slice3A_387, %broadcast_in_dim3A_389 in 1 : vector<64x319xf32>, vector<64x1xf32> -> vector<64x320xf32>
      %shift_right_arithmetic3A_391 = arith.constant 0 : i32
      %shift_right_arithmetic3A_392 = vector.broadcast %shift_right_arithmetic3A_391 : i32 to vector<64x320xi32>
      %shift_right_arithmetic3A_393 = arith.shrsi %iota3A_386, %shift_right_arithmetic3A_392 : vector<64x320xi32>
      %and3A_394 = arith.constant 1 : i32
      %and3A_395 = vector.broadcast %and3A_394 : i32 to vector<64x320xi32>
      %and3A_396 = arith.andi %shift_right_arithmetic3A_393, %and3A_395 : vector<64x320xi32>
      %eq3A_397 = arith.constant 0 : i32
      %eq3A_398 = vector.broadcast %eq3A_397 : i32 to vector<64x320xi32>
      %eq3A_399 = arith.cmpi eq, %and3A_396, %eq3A_398 : vector<64x320xi32>
      %select_n3A_400 = arith.select %eq3A_399, %concatenate3A_390, %broadcast_in_dim3A_385 : vector<64x320xi1>, vector<64x320xf32>
      %slice3A_401 = vector.extract_strided_slice %select_n3A_400 {offsets = [0, 2], sizes = [64, 318], strides = [1, 1]} : vector<64x320xf32> to vector<64x318xf32>
      %broadcast_in_dim3A_402 = arith.constant 0.000000e+00 : f32
      %broadcast_in_dim3A_403 = vector.broadcast %broadcast_in_dim3A_402 : f32 to vector<64x2xf32>
      %concatenate3A_404 = tpu.concatenate %slice3A_401, %broadcast_in_dim3A_403 in 1 : vector<64x318xf32>, vector<64x2xf32> -> vector<64x320xf32>
      %shift_right_arithmetic3A_405 = arith.constant 1 : i32
      %shift_right_arithmetic3A_406 = vector.broadcast %shift_right_arithmetic3A_405 : i32 to vector<64x320xi32>
      %shift_right_arithmetic3A_407 = arith.shrsi %iota3A_386, %shift_right_arithmetic3A_406 : vector<64x320xi32>
      %and3A_408 = arith.constant 1 : i32
      %and3A_409 = vector.broadcast %and3A_408 : i32 to vector<64x320xi32>
      %and3A_410 = arith.andi %shift_right_arithmetic3A_407, %and3A_409 : vector<64x320xi32>
      %eq3A_411 = arith.constant 0 : i32
      %eq3A_412 = vector.broadcast %eq3A_411 : i32 to vector<64x320xi32>
      %eq3A_413 = arith.cmpi eq, %and3A_410, %eq3A_412 : vector<64x320xi32>
      %select_n3A_414 = arith.select %eq3A_413, %concatenate3A_404, %select_n3A_400 : vector<64x320xi1>, vector<64x320xf32>
      %slice3A_415 = vector.extract_strided_slice %select_n3A_414 {offsets = [0, 4], sizes = [64, 316], strides = [1, 1]} : vector<64x320xf32> to vector<64x316xf32>
      %broadcast_in_dim3A_416 = arith.constant 0.000000e+00 : f32
      %broadcast_in_dim3A_417 = vector.broadcast %broadcast_in_dim3A_416 : f32 to vector<64x4xf32>
      %concatenate3A_418 = tpu.concatenate %slice3A_415, %broadcast_in_dim3A_417 in 1 : vector<64x316xf32>, vector<64x4xf32> -> vector<64x320xf32>
      %shift_right_arithmetic3A_419 = arith.constant 2 : i32
      %shift_right_arithmetic3A_420 = vector.broadcast %shift_right_arithmetic3A_419 : i32 to vector<64x320xi32>
      %shift_right_arithmetic3A_421 = arith.shrsi %iota3A_386, %shift_right_arithmetic3A_420 : vector<64x320xi32>
      %and3A_422 = arith.constant 1 : i32
      %and3A_423 = vector.broadcast %and3A_422 : i32 to vector<64x320xi32>
      %and3A_424 = arith.andi %shift_right_arithmetic3A_421, %and3A_423 : vector<64x320xi32>
      %eq3A_425 = arith.constant 0 : i32
      %eq3A_426 = vector.broadcast %eq3A_425 : i32 to vector<64x320xi32>
      %eq3A_427 = arith.cmpi eq, %and3A_424, %eq3A_426 : vector<64x320xi32>
      %select_n3A_428 = arith.select %eq3A_427, %concatenate3A_418, %select_n3A_414 : vector<64x320xi1>, vector<64x320xf32>
      %slice3A_429 = vector.extract_strided_slice %select_n3A_428 {offsets = [0, 8], sizes = [64, 312], strides = [1, 1]} : vector<64x320xf32> to vector<64x312xf32>
      %broadcast_in_dim3A_430 = arith.constant 0.000000e+00 : f32
      %broadcast_in_dim3A_431 = vector.broadcast %broadcast_in_dim3A_430 : f32 to vector<64x8xf32>
      %concatenate3A_432 = tpu.concatenate %slice3A_429, %broadcast_in_dim3A_431 in 1 : vector<64x312xf32>, vector<64x8xf32> -> vector<64x320xf32>
      %shift_right_arithmetic3A_433 = arith.constant 3 : i32
      %shift_right_arithmetic3A_434 = vector.broadcast %shift_right_arithmetic3A_433 : i32 to vector<64x320xi32>
      %shift_right_arithmetic3A_435 = arith.shrsi %iota3A_386, %shift_right_arithmetic3A_434 : vector<64x320xi32>
      %and3A_436 = arith.constant 1 : i32
      %and3A_437 = vector.broadcast %and3A_436 : i32 to vector<64x320xi32>
      %and3A_438 = arith.andi %shift_right_arithmetic3A_435, %and3A_437 : vector<64x320xi32>
      %eq3A_439 = arith.constant 0 : i32
      %eq3A_440 = vector.broadcast %eq3A_439 : i32 to vector<64x320xi32>
      %eq3A_441 = arith.cmpi eq, %and3A_438, %eq3A_440 : vector<64x320xi32>
      %select_n3A_442 = arith.select %eq3A_441, %concatenate3A_432, %select_n3A_428 : vector<64x320xi1>, vector<64x320xf32>
      %slice3A_443 = vector.extract_strided_slice %select_n3A_442 {offsets = [0, 16], sizes = [64, 304], strides = [1, 1]} : vector<64x320xf32> to vector<64x304xf32>
      %broadcast_in_dim3A_444 = arith.constant 0.000000e+00 : f32
      %broadcast_in_dim3A_445 = vector.broadcast %broadcast_in_dim3A_444 : f32 to vector<64x16xf32>
      %concatenate3A_446 = tpu.concatenate %slice3A_443, %broadcast_in_dim3A_445 in 1 : vector<64x304xf32>, vector<64x16xf32> -> vector<64x320xf32>
      %shift_right_arithmetic3A_447 = arith.constant 4 : i32
      %shift_right_arithmetic3A_448 = vector.broadcast %shift_right_arithmetic3A_447 : i32 to vector<64x320xi32>
      %shift_right_arithmetic3A_449 = arith.shrsi %iota3A_386, %shift_right_arithmetic3A_448 : vector<64x320xi32>
      %and3A_450 = arith.constant 1 : i32
      %and3A_451 = vector.broadcast %and3A_450 : i32 to vector<64x320xi32>
      %and3A_452 = arith.andi %shift_right_arithmetic3A_449, %and3A_451 : vector<64x320xi32>
      %eq3A_453 = arith.constant 0 : i32
      %eq3A_454 = vector.broadcast %eq3A_453 : i32 to vector<64x320xi32>
      %eq3A_455 = arith.cmpi eq, %and3A_452, %eq3A_454 : vector<64x320xi32>
      %select_n3A_456 = arith.select %eq3A_455, %concatenate3A_446, %select_n3A_442 : vector<64x320xi1>, vector<64x320xf32>
      %slice3A_457 = vector.extract_strided_slice %select_n3A_456 {offsets = [0, 32], sizes = [64, 288], strides = [1, 1]} : vector<64x320xf32> to vector<64x288xf32>
      %broadcast_in_dim3A_458 = arith.constant 0.000000e+00 : f32
      %broadcast_in_dim3A_459 = vector.broadcast %broadcast_in_dim3A_458 : f32 to vector<64x32xf32>
      %concatenate3A_460 = tpu.concatenate %slice3A_457, %broadcast_in_dim3A_459 in 1 : vector<64x288xf32>, vector<64x32xf32> -> vector<64x320xf32>
      %shift_right_arithmetic3A_461 = arith.constant 5 : i32
      %shift_right_arithmetic3A_462 = vector.broadcast %shift_right_arithmetic3A_461 : i32 to vector<64x320xi32>
      %shift_right_arithmetic3A_463 = arith.shrsi %iota3A_386, %shift_right_arithmetic3A_462 : vector<64x320xi32>
      %and3A_464 = arith.constant 1 : i32
      %and3A_465 = vector.broadcast %and3A_464 : i32 to vector<64x320xi32>
      %and3A_466 = arith.andi %shift_right_arithmetic3A_463, %and3A_465 : vector<64x320xi32>
      %eq3A_467 = arith.constant 0 : i32
      %eq3A_468 = vector.broadcast %eq3A_467 : i32 to vector<64x320xi32>
      %eq3A_469 = arith.cmpi eq, %and3A_466, %eq3A_468 : vector<64x320xi32>
      %select_n3A_470 = arith.select %eq3A_469, %concatenate3A_460, %select_n3A_456 : vector<64x320xi1>, vector<64x320xf32>
      %slice3A_471 = vector.extract_strided_slice %select_n3A_470 {offsets = [0, 0], sizes = [64, 256], strides = [1, 1]} : vector<64x320xf32> to vector<64x256xf32>
      %sub3A_472 = arith.constant 1 : i32
      %sub3A_473 = arith.subi %sub3A_472, %rem3A_0 : i32
      %swap3A_474 = arith.index_cast %sub3A_473 : i32 to index
      %swap3A_475 = arith.constant 0 : index
      %swap3A_476 = arith.constant 64 : index
      %swap3A_477 = arith.constant 0 : index
      %swap3A_478 = vector.load %arg4[%swap3A_474, %swap3A_475, %swap3A_476, %swap3A_477] : memref<2x3x256x256xf32, #tpu.memory_space<vmem>>, vector<1x1x64x256xf32>
      %swap3A_479 = vector.shape_cast %swap3A_478 : vector<1x1x64x256xf32> to vector<64x256xf32>
      %swap3A_480 = vector.shape_cast %slice3A_471 : vector<64x256xf32> to vector<1x1x64x256xf32>
      tpu.vector_store %arg4[%swap3A_474, %swap3A_475, %swap3A_476, %swap3A_477], %swap3A_480 {strides = array<i32>} : memref<2x3x256x256xf32, #tpu.memory_space<vmem>>, vector<1x1x64x256xf32>,
      %get3A_481 = arith.constant 0 : index
      %get3A_482 = arith.constant 0 : index
      %get3A_483 = arith.constant 0 : index
      %get3A_484 = vector.load %arg2[%get3A_481, %get3A_482, %get3A_483] : memref<1x1x1024xf32, #tpu.memory_space<vmem>>, vector<1x1x1024xf32>
      %get3A_485 = vector.shape_cast %get3A_484 : vector<1x1x1024xf32> to vector<1024xf32>
      %slice3A_486 = vector.extract_strided_slice %get3A_485 {offsets = [320], sizes = [320], strides = [1]} : vector<1024xf32> to vector<320xf32>
      %broadcast_in_dim3A_487 = vector.shape_cast %slice3A_486 : vector<320xf32> to vector<1x320xf32>
      %broadcast_in_dim3A_488 = vector.shape_cast %broadcast_in_dim3A_487 : vector<1x320xf32> to vector<1x320xf32>
      %broadcast_in_dim3A_489 = vector.broadcast %broadcast_in_dim3A_488 : vector<1x320xf32> to vector<64x320xf32>
      %iota3A_490 = tpu.iota {dimensions = array<i32: 0>} : vector<64x320xi32>
      %slice3A_491 = vector.extract_strided_slice %broadcast_in_dim3A_489 {offsets = [0, 1], sizes = [64, 319], strides = [1, 1]} : vector<64x320xf32> to vector<64x319xf32>
      %broadcast_in_dim3A_492 = arith.constant 0.000000e+00 : f32
      %broadcast_in_dim3A_493 = vector.broadcast %broadcast_in_dim3A_492 : f32 to vector<64x1xf32>
      %concatenate3A_494 = tpu.concatenate %slice3A_491, %broadcast_in_dim3A_493 in 1 : vector<64x319xf32>, vector<64x1xf32> -> vector<64x320xf32>
      %shift_right_arithmetic3A_495 = arith.constant 0 : i32
      %shift_right_arithmetic3A_496 = vector.broadcast %shift_right_arithmetic3A_495 : i32 to vector<64x320xi32>
      %shift_right_arithmetic3A_497 = arith.shrsi %iota3A_490, %shift_right_arithmetic3A_496 : vector<64x320xi32>
      %and3A_498 = arith.constant 1 : i32
      %and3A_499 = vector.broadcast %and3A_498 : i32 to vector<64x320xi32>
      %and3A_500 = arith.andi %shift_right_arithmetic3A_497, %and3A_499 : vector<64x320xi32>
      %eq3A_501 = arith.constant 0 : i32
      %eq3A_502 = vector.broadcast %eq3A_501 : i32 to vector<64x320xi32>
      %eq3A_503 = arith.cmpi eq, %and3A_500, %eq3A_502 : vector<64x320xi32>
      %select_n3A_504 = arith.select %eq3A_503, %concatenate3A_494, %broadcast_in_dim3A_489 : vector<64x320xi1>, vector<64x320xf32>
      %slice3A_505 = vector.extract_strided_slice %select_n3A_504 {offsets = [0, 2], sizes = [64, 318], strides = [1, 1]} : vector<64x320xf32> to vector<64x318xf32>
      %broadcast_in_dim3A_506 = arith.constant 0.000000e+00 : f32
      %broadcast_in_dim3A_507 = vector.broadcast %broadcast_in_dim3A_506 : f32 to vector<64x2xf32>
      %concatenate3A_508 = tpu.concatenate %slice3A_505, %broadcast_in_dim3A_507 in 1 : vector<64x318xf32>, vector<64x2xf32> -> vector<64x320xf32>
      %shift_right_arithmetic3A_509 = arith.constant 1 : i32
      %shift_right_arithmetic3A_510 = vector.broadcast %shift_right_arithmetic3A_509 : i32 to vector<64x320xi32>
      %shift_right_arithmetic3A_511 = arith.shrsi %iota3A_490, %shift_right_arithmetic3A_510 : vector<64x320xi32>
      %and3A_512 = arith.constant 1 : i32
      %and3A_513 = vector.broadcast %and3A_512 : i32 to vector<64x320xi32>
      %and3A_514 = arith.andi %shift_right_arithmetic3A_511, %and3A_513 : vector<64x320xi32>
      %eq3A_515 = arith.constant 0 : i32
      %eq3A_516 = vector.broadcast %eq3A_515 : i32 to vector<64x320xi32>
      %eq3A_517 = arith.cmpi eq, %and3A_514, %eq3A_516 : vector<64x320xi32>
      %select_n3A_518 = arith.select %eq3A_517, %concatenate3A_508, %select_n3A_504 : vector<64x320xi1>, vector<64x320xf32>
      %slice3A_519 = vector.extract_strided_slice %select_n3A_518 {offsets = [0, 4], sizes = [64, 316], strides = [1, 1]} : vector<64x320xf32> to vector<64x316xf32>
      %broadcast_in_dim3A_520 = arith.constant 0.000000e+00 : f32
      %broadcast_in_dim3A_521 = vector.broadcast %broadcast_in_dim3A_520 : f32 to vector<64x4xf32>
      %concatenate3A_522 = tpu.concatenate %slice3A_519, %broadcast_in_dim3A_521 in 1 : vector<64x316xf32>, vector<64x4xf32> -> vector<64x320xf32>
      %shift_right_arithmetic3A_523 = arith.constant 2 : i32
      %shift_right_arithmetic3A_524 = vector.broadcast %shift_right_arithmetic3A_523 : i32 to vector<64x320xi32>
      %shift_right_arithmetic3A_525 = arith.shrsi %iota3A_490, %shift_right_arithmetic3A_524 : vector<64x320xi32>
      %and3A_526 = arith.constant 1 : i32
      %and3A_527 = vector.broadcast %and3A_526 : i32 to vector<64x320xi32>
      %and3A_528 = arith.andi %shift_right_arithmetic3A_525, %and3A_527 : vector<64x320xi32>
      %eq3A_529 = arith.constant 0 : i32
      %eq3A_530 = vector.broadcast %eq3A_529 : i32 to vector<64x320xi32>
      %eq3A_531 = arith.cmpi eq, %and3A_528, %eq3A_530 : vector<64x320xi32>
      %select_n3A_532 = arith.select %eq3A_531, %concatenate3A_522, %select_n3A_518 : vector<64x320xi1>, vector<64x320xf32>
      %slice3A_533 = vector.extract_strided_slice %select_n3A_532 {offsets = [0, 8], sizes = [64, 312], strides = [1, 1]} : vector<64x320xf32> to vector<64x312xf32>
      %broadcast_in_dim3A_534 = arith.constant 0.000000e+00 : f32
      %broadcast_in_dim3A_535 = vector.broadcast %broadcast_in_dim3A_534 : f32 to vector<64x8xf32>
      %concatenate3A_536 = tpu.concatenate %slice3A_533, %broadcast_in_dim3A_535 in 1 : vector<64x312xf32>, vector<64x8xf32> -> vector<64x320xf32>
      %shift_right_arithmetic3A_537 = arith.constant 3 : i32
      %shift_right_arithmetic3A_538 = vector.broadcast %shift_right_arithmetic3A_537 : i32 to vector<64x320xi32>
      %shift_right_arithmetic3A_539 = arith.shrsi %iota3A_490, %shift_right_arithmetic3A_538 : vector<64x320xi32>
      %and3A_540 = arith.constant 1 : i32
      %and3A_541 = vector.broadcast %and3A_540 : i32 to vector<64x320xi32>
      %and3A_542 = arith.andi %shift_right_arithmetic3A_539, %and3A_541 : vector<64x320xi32>
      %eq3A_543 = arith.constant 0 : i32
      %eq3A_544 = vector.broadcast %eq3A_543 : i32 to vector<64x320xi32>
      %eq3A_545 = arith.cmpi eq, %and3A_542, %eq3A_544 : vector<64x320xi32>
      %select_n3A_546 = arith.select %eq3A_545, %concatenate3A_536, %select_n3A_532 : vector<64x320xi1>, vector<64x320xf32>
      %slice3A_547 = vector.extract_strided_slice %select_n3A_546 {offsets = [0, 16], sizes = [64, 304], strides = [1, 1]} : vector<64x320xf32> to vector<64x304xf32>
      %broadcast_in_dim3A_548 = arith.constant 0.000000e+00 : f32
      %broadcast_in_dim3A_549 = vector.broadcast %broadcast_in_dim3A_548 : f32 to vector<64x16xf32>
      %concatenate3A_550 = tpu.concatenate %slice3A_547, %broadcast_in_dim3A_549 in 1 : vector<64x304xf32>, vector<64x16xf32> -> vector<64x320xf32>
      %shift_right_arithmetic3A_551 = arith.constant 4 : i32
      %shift_right_arithmetic3A_552 = vector.broadcast %shift_right_arithmetic3A_551 : i32 to vector<64x320xi32>
      %shift_right_arithmetic3A_553 = arith.shrsi %iota3A_490, %shift_right_arithmetic3A_552 : vector<64x320xi32>
      %and3A_554 = arith.constant 1 : i32
      %and3A_555 = vector.broadcast %and3A_554 : i32 to vector<64x320xi32>
      %and3A_556 = arith.andi %shift_right_arithmetic3A_553, %and3A_555 : vector<64x320xi32>
      %eq3A_557 = arith.constant 0 : i32
      %eq3A_558 = vector.broadcast %eq3A_557 : i32 to vector<64x320xi32>
      %eq3A_559 = arith.cmpi eq, %and3A_556, %eq3A_558 : vector<64x320xi32>
      %select_n3A_560 = arith.select %eq3A_559, %concatenate3A_550, %select_n3A_546 : vector<64x320xi1>, vector<64x320xf32>
      %slice3A_561 = vector.extract_strided_slice %select_n3A_560 {offsets = [0, 32], sizes = [64, 288], strides = [1, 1]} : vector<64x320xf32> to vector<64x288xf32>
      %broadcast_in_dim3A_562 = arith.constant 0.000000e+00 : f32
      %broadcast_in_dim3A_563 = vector.broadcast %broadcast_in_dim3A_562 : f32 to vector<64x32xf32>
      %concatenate3A_564 = tpu.concatenate %slice3A_561, %broadcast_in_dim3A_563 in 1 : vector<64x288xf32>, vector<64x32xf32> -> vector<64x320xf32>
      %shift_right_arithmetic3A_565 = arith.constant 5 : i32
      %shift_right_arithmetic3A_566 = vector.broadcast %shift_right_arithmetic3A_565 : i32 to vector<64x320xi32>
      %shift_right_arithmetic3A_567 = arith.shrsi %iota3A_490, %shift_right_arithmetic3A_566 : vector<64x320xi32>
      %and3A_568 = arith.constant 1 : i32
      %and3A_569 = vector.broadcast %and3A_568 : i32 to vector<64x320xi32>
      %and3A_570 = arith.andi %shift_right_arithmetic3A_567, %and3A_569 : vector<64x320xi32>
      %eq3A_571 = arith.constant 0 : i32
      %eq3A_572 = vector.broadcast %eq3A_571 : i32 to vector<64x320xi32>
      %eq3A_573 = arith.cmpi eq, %and3A_570, %eq3A_572 : vector<64x320xi32>
      %select_n3A_574 = arith.select %eq3A_573, %concatenate3A_564, %select_n3A_560 : vector<64x320xi1>, vector<64x320xf32>
      %slice3A_575 = vector.extract_strided_slice %select_n3A_574 {offsets = [0, 0], sizes = [64, 256], strides = [1, 1]} : vector<64x320xf32> to vector<64x256xf32>
      %sub3A_576 = arith.constant 1 : i32
      %sub3A_577 = arith.subi %sub3A_576, %rem3A_0 : i32
      %swap3A_578 = arith.index_cast %sub3A_577 : i32 to index
      %swap3A_579 = arith.constant 0 : index
      %swap3A_580 = arith.constant 128 : index
      %swap3A_581 = arith.constant 0 : index
      %swap3A_582 = vector.load %arg4[%swap3A_578, %swap3A_579, %swap3A_580, %swap3A_581] : memref<2x3x256x256xf32, #tpu.memory_space<vmem>>, vector<1x1x64x256xf32>
      %swap3A_583 = vector.shape_cast %swap3A_582 : vector<1x1x64x256xf32> to vector<64x256xf32>
      %swap3A_584 = vector.shape_cast %slice3A_575 : vector<64x256xf32> to vector<1x1x64x256xf32>
      tpu.vector_store %arg4[%swap3A_578, %swap3A_579, %swap3A_580, %swap3A_581], %swap3A_584 {strides = array<i32>} : memref<2x3x256x256xf32, #tpu.memory_space<vmem>>, vector<1x1x64x256xf32>,
      %get3A_585 = arith.constant 0 : index
      %get3A_586 = arith.constant 0 : index
      %get3A_587 = arith.constant 0 : index
      %get3A_588 = vector.load %arg2[%get3A_585, %get3A_586, %get3A_587] : memref<1x1x1024xf32, #tpu.memory_space<vmem>>, vector<1x1x1024xf32>
      %get3A_589 = vector.shape_cast %get3A_588 : vector<1x1x1024xf32> to vector<1024xf32>
      %slice3A_590 = vector.extract_strided_slice %get3A_589 {offsets = [256], sizes = [320], strides = [1]} : vector<1024xf32> to vector<320xf32>
      %broadcast_in_dim3A_591 = vector.shape_cast %slice3A_590 : vector<320xf32> to vector<1x320xf32>
      %broadcast_in_dim3A_592 = vector.shape_cast %broadcast_in_dim3A_591 : vector<1x320xf32> to vector<1x320xf32>
      %broadcast_in_dim3A_593 = vector.broadcast %broadcast_in_dim3A_592 : vector<1x320xf32> to vector<64x320xf32>
      %iota3A_594 = tpu.iota {dimensions = array<i32: 0>} : vector<64x320xi32>
      %slice3A_595 = vector.extract_strided_slice %broadcast_in_dim3A_593 {offsets = [0, 1], sizes = [64, 319], strides = [1, 1]} : vector<64x320xf32> to vector<64x319xf32>
      %broadcast_in_dim3A_596 = arith.constant 0.000000e+00 : f32
      %broadcast_in_dim3A_597 = vector.broadcast %broadcast_in_dim3A_596 : f32 to vector<64x1xf32>
      %concatenate3A_598 = tpu.concatenate %slice3A_595, %broadcast_in_dim3A_597 in 1 : vector<64x319xf32>, vector<64x1xf32> -> vector<64x320xf32>
      %shift_right_arithmetic3A_599 = arith.constant 0 : i32
      %shift_right_arithmetic3A_600 = vector.broadcast %shift_right_arithmetic3A_599 : i32 to vector<64x320xi32>
      %shift_right_arithmetic3A_601 = arith.shrsi %iota3A_594, %shift_right_arithmetic3A_600 : vector<64x320xi32>
      %and3A_602 = arith.constant 1 : i32
      %and3A_603 = vector.broadcast %and3A_602 : i32 to vector<64x320xi32>
      %and3A_604 = arith.andi %shift_right_arithmetic3A_601, %and3A_603 : vector<64x320xi32>
      %eq3A_605 = arith.constant 0 : i32
      %eq3A_606 = vector.broadcast %eq3A_605 : i32 to vector<64x320xi32>
      %eq3A_607 = arith.cmpi eq, %and3A_604, %eq3A_606 : vector<64x320xi32>
      %select_n3A_608 = arith.select %eq3A_607, %concatenate3A_598, %broadcast_in_dim3A_593 : vector<64x320xi1>, vector<64x320xf32>
      %slice3A_609 = vector.extract_strided_slice %select_n3A_608 {offsets = [0, 2], sizes = [64, 318], strides = [1, 1]} : vector<64x320xf32> to vector<64x318xf32>
      %broadcast_in_dim3A_610 = arith.constant 0.000000e+00 : f32
      %broadcast_in_dim3A_611 = vector.broadcast %broadcast_in_dim3A_610 : f32 to vector<64x2xf32>
      %concatenate3A_612 = tpu.concatenate %slice3A_609, %broadcast_in_dim3A_611 in 1 : vector<64x318xf32>, vector<64x2xf32> -> vector<64x320xf32>
      %shift_right_arithmetic3A_613 = arith.constant 1 : i32
      %shift_right_arithmetic3A_614 = vector.broadcast %shift_right_arithmetic3A_613 : i32 to vector<64x320xi32>
      %shift_right_arithmetic3A_615 = arith.shrsi %iota3A_594, %shift_right_arithmetic3A_614 : vector<64x320xi32>
      %and3A_616 = arith.constant 1 : i32
      %and3A_617 = vector.broadcast %and3A_616 : i32 to vector<64x320xi32>
      %and3A_618 = arith.andi %shift_right_arithmetic3A_615, %and3A_617 : vector<64x320xi32>
      %eq3A_619 = arith.constant 0 : i32
      %eq3A_620 = vector.broadcast %eq3A_619 : i32 to vector<64x320xi32>
      %eq3A_621 = arith.cmpi eq, %and3A_618, %eq3A_620 : vector<64x320xi32>
      %select_n3A_622 = arith.select %eq3A_621, %concatenate3A_612, %select_n3A_608 : vector<64x320xi1>, vector<64x320xf32>
      %slice3A_623 = vector.extract_strided_slice %select_n3A_622 {offsets = [0, 4], sizes = [64, 316], strides = [1, 1]} : vector<64x320xf32> to vector<64x316xf32>
      %broadcast_in_dim3A_624 = arith.constant 0.000000e+00 : f32
      %broadcast_in_dim3A_625 = vector.broadcast %broadcast_in_dim3A_624 : f32 to vector<64x4xf32>
      %concatenate3A_626 = tpu.concatenate %slice3A_623, %broadcast_in_dim3A_625 in 1 : vector<64x316xf32>, vector<64x4xf32> -> vector<64x320xf32>
      %shift_right_arithmetic3A_627 = arith.constant 2 : i32
      %shift_right_arithmetic3A_628 = vector.broadcast %shift_right_arithmetic3A_627 : i32 to vector<64x320xi32>
      %shift_right_arithmetic3A_629 = arith.shrsi %iota3A_594, %shift_right_arithmetic3A_628 : vector<64x320xi32>
      %and3A_630 = arith.constant 1 : i32
      %and3A_631 = vector.broadcast %and3A_630 : i32 to vector<64x320xi32>
      %and3A_632 = arith.andi %shift_right_arithmetic3A_629, %and3A_631 : vector<64x320xi32>
      %eq3A_633 = arith.constant 0 : i32
      %eq3A_634 = vector.broadcast %eq3A_633 : i32 to vector<64x320xi32>
      %eq3A_635 = arith.cmpi eq, %and3A_632, %eq3A_634 : vector<64x320xi32>
      %select_n3A_636 = arith.select %eq3A_635, %concatenate3A_626, %select_n3A_622 : vector<64x320xi1>, vector<64x320xf32>
      %slice3A_637 = vector.extract_strided_slice %select_n3A_636 {offsets = [0, 8], sizes = [64, 312], strides = [1, 1]} : vector<64x320xf32> to vector<64x312xf32>
      %broadcast_in_dim3A_638 = arith.constant 0.000000e+00 : f32
      %broadcast_in_dim3A_639 = vector.broadcast %broadcast_in_dim3A_638 : f32 to vector<64x8xf32>
      %concatenate3A_640 = tpu.concatenate %slice3A_637, %broadcast_in_dim3A_639 in 1 : vector<64x312xf32>, vector<64x8xf32> -> vector<64x320xf32>
      %shift_right_arithmetic3A_641 = arith.constant 3 : i32
      %shift_right_arithmetic3A_642 = vector.broadcast %shift_right_arithmetic3A_641 : i32 to vector<64x320xi32>
      %shift_right_arithmetic3A_643 = arith.shrsi %iota3A_594, %shift_right_arithmetic3A_642 : vector<64x320xi32>
      %and3A_644 = arith.constant 1 : i32
      %and3A_645 = vector.broadcast %and3A_644 : i32 to vector<64x320xi32>
      %and3A_646 = arith.andi %shift_right_arithmetic3A_643, %and3A_645 : vector<64x320xi32>
      %eq3A_647 = arith.constant 0 : i32
      %eq3A_648 = vector.broadcast %eq3A_647 : i32 to vector<64x320xi32>
      %eq3A_649 = arith.cmpi eq, %and3A_646, %eq3A_648 : vector<64x320xi32>
      %select_n3A_650 = arith.select %eq3A_649, %concatenate3A_640, %select_n3A_636 : vector<64x320xi1>, vector<64x320xf32>
      %slice3A_651 = vector.extract_strided_slice %select_n3A_650 {offsets = [0, 16], sizes = [64, 304], strides = [1, 1]} : vector<64x320xf32> to vector<64x304xf32>
      %broadcast_in_dim3A_652 = arith.constant 0.000000e+00 : f32
      %broadcast_in_dim3A_653 = vector.broadcast %broadcast_in_dim3A_652 : f32 to vector<64x16xf32>
      %concatenate3A_654 = tpu.concatenate %slice3A_651, %broadcast_in_dim3A_653 in 1 : vector<64x304xf32>, vector<64x16xf32> -> vector<64x320xf32>
      %shift_right_arithmetic3A_655 = arith.constant 4 : i32
      %shift_right_arithmetic3A_656 = vector.broadcast %shift_right_arithmetic3A_655 : i32 to vector<64x320xi32>
      %shift_right_arithmetic3A_657 = arith.shrsi %iota3A_594, %shift_right_arithmetic3A_656 : vector<64x320xi32>
      %and3A_658 = arith.constant 1 : i32
      %and3A_659 = vector.broadcast %and3A_658 : i32 to vector<64x320xi32>
      %and3A_660 = arith.andi %shift_right_arithmetic3A_657, %and3A_659 : vector<64x320xi32>
      %eq3A_661 = arith.constant 0 : i32
      %eq3A_662 = vector.broadcast %eq3A_661 : i32 to vector<64x320xi32>
      %eq3A_663 = arith.cmpi eq, %and3A_660, %eq3A_662 : vector<64x320xi32>
      %select_n3A_664 = arith.select %eq3A_663, %concatenate3A_654, %select_n3A_650 : vector<64x320xi1>, vector<64x320xf32>
      %slice3A_665 = vector.extract_strided_slice %select_n3A_664 {offsets = [0, 32], sizes = [64, 288], strides = [1, 1]} : vector<64x320xf32> to vector<64x288xf32>
      %broadcast_in_dim3A_666 = arith.constant 0.000000e+00 : f32
      %broadcast_in_dim3A_667 = vector.broadcast %broadcast_in_dim3A_666 : f32 to vector<64x32xf32>
      %concatenate3A_668 = tpu.concatenate %slice3A_665, %broadcast_in_dim3A_667 in 1 : vector<64x288xf32>, vector<64x32xf32> -> vector<64x320xf32>
      %shift_right_arithmetic3A_669 = arith.constant 5 : i32
      %shift_right_arithmetic3A_670 = vector.broadcast %shift_right_arithmetic3A_669 : i32 to vector<64x320xi32>
      %shift_right_arithmetic3A_671 = arith.shrsi %iota3A_594, %shift_right_arithmetic3A_670 : vector<64x320xi32>
      %and3A_672 = arith.constant 1 : i32
      %and3A_673 = vector.broadcast %and3A_672 : i32 to vector<64x320xi32>
      %and3A_674 = arith.andi %shift_right_arithmetic3A_671, %and3A_673 : vector<64x320xi32>
      %eq3A_675 = arith.constant 0 : i32
      %eq3A_676 = vector.broadcast %eq3A_675 : i32 to vector<64x320xi32>
      %eq3A_677 = arith.cmpi eq, %and3A_674, %eq3A_676 : vector<64x320xi32>
      %select_n3A_678 = arith.select %eq3A_677, %concatenate3A_668, %select_n3A_664 : vector<64x320xi1>, vector<64x320xf32>
      %slice3A_679 = vector.extract_strided_slice %select_n3A_678 {offsets = [0, 0], sizes = [64, 256], strides = [1, 1]} : vector<64x320xf32> to vector<64x256xf32>
      %sub3A_680 = arith.constant 1 : i32
      %sub3A_681 = arith.subi %sub3A_680, %rem3A_0 : i32
      %swap3A_682 = arith.index_cast %sub3A_681 : i32 to index
      %swap3A_683 = arith.constant 0 : index
      %swap3A_684 = arith.constant 192 : index
      %swap3A_685 = arith.constant 0 : index
      %swap3A_686 = vector.load %arg4[%swap3A_682, %swap3A_683, %swap3A_684, %swap3A_685] : memref<2x3x256x256xf32, #tpu.memory_space<vmem>>, vector<1x1x64x256xf32>
      %swap3A_687 = vector.shape_cast %swap3A_686 : vector<1x1x64x256xf32> to vector<64x256xf32>
      %swap3A_688 = vector.shape_cast %slice3A_679 : vector<64x256xf32> to vector<1x1x64x256xf32>
      tpu.vector_store %arg4[%swap3A_682, %swap3A_683, %swap3A_684, %swap3A_685], %swap3A_688 {strides = array<i32>} : memref<2x3x256x256xf32, #tpu.memory_space<vmem>>, vector<1x1x64x256xf32>,
    } else {
    }
    %eq3A_12 = arith.constant 1 : i32
    %eq3A_13 = arith.cmpi eq, %arg1, %eq3A_12 : i32
    %lt3A_14 = arith.constant 15 : i32
    %lt3A_15 = arith.cmpi slt, %arg0, %lt3A_14 : i32
    %and3A_16 = arith.andi %eq3A_13, %lt3A_15 : i1
    %convert_element_type3A_17 = arith.extui %and3A_16 : i1 to i32
    %cond3A_18 = arith.constant 0 : i32
    %cond3A_19 = arith.cmpi ne, %convert_element_type3A_17, %cond3A_18 : i32
    scf.if %cond3A_19 {
      %get3A_279 = arith.constant 0 : index
      %get3A_280 = arith.constant 0 : index
      %get3A_281 = arith.constant 0 : index
      %get3A_282 = vector.load %arg2[%get3A_279, %get3A_280, %get3A_281] : memref<1x1x1024xf32, #tpu.memory_space<vmem>>, vector<1x1x1024xf32>
      %get3A_283 = vector.shape_cast %get3A_282 : vector<1x1x1024xf32> to vector<1024xf32>
      %slice3A = vector.extract_strided_slice %get3A_283 {offsets = [704], sizes = [320], strides = [1]} : vector<1024xf32> to vector<320xf32>
      %broadcast_in_dim3A = vector.shape_cast %slice3A : vector<320xf32> to vector<1x320xf32>
      %broadcast_in_dim3A_284 = vector.shape_cast %broadcast_in_dim3A : vector<1x320xf32> to vector<1x320xf32>
      %broadcast_in_dim3A_285 = vector.broadcast %broadcast_in_dim3A_284 : vector<1x320xf32> to vector<64x320xf32>
      %iota3A = tpu.iota {dimensions = array<i32: 0>} : vector<64x320xi32>
      %slice3A_286 = vector.extract_strided_slice %broadcast_in_dim3A_285 {offsets = [0, 1], sizes = [64, 319], strides = [1, 1]} : vector<64x320xf32> to vector<64x319xf32>
      %broadcast_in_dim3A_287 = arith.constant 0.000000e+00 : f32
      %broadcast_in_dim3A_288 = vector.broadcast %broadcast_in_dim3A_287 : f32 to vector<64x1xf32>
      %concatenate3A = tpu.concatenate %slice3A_286, %broadcast_in_dim3A_288 in 1 : vector<64x319xf32>, vector<64x1xf32> -> vector<64x320xf32>
      %shift_right_arithmetic3A = arith.constant 0 : i32
      %shift_right_arithmetic3A_289 = vector.broadcast %shift_right_arithmetic3A : i32 to vector<64x320xi32>
      %shift_right_arithmetic3A_290 = arith.shrsi %iota3A, %shift_right_arithmetic3A_289 : vector<64x320xi32>
      %and3A_291 = arith.constant 1 : i32
      %and3A_292 = vector.broadcast %and3A_291 : i32 to vector<64x320xi32>
      %and3A_293 = arith.andi %shift_right_arithmetic3A_290, %and3A_292 : vector<64x320xi32>
      %eq3A_294 = arith.constant 0 : i32
      %eq3A_295 = vector.broadcast %eq3A_294 : i32 to vector<64x320xi32>
      %eq3A_296 = arith.cmpi eq, %and3A_293, %eq3A_295 : vector<64x320xi32>
      %select_n3A = arith.select %eq3A_296, %concatenate3A, %broadcast_in_dim3A_285 : vector<64x320xi1>, vector<64x320xf32>
      %slice3A_297 = vector.extract_strided_slice %select_n3A {offsets = [0, 2], sizes = [64, 318], strides = [1, 1]} : vector<64x320xf32> to vector<64x318xf32>
      %broadcast_in_dim3A_298 = arith.constant 0.000000e+00 : f32
      %broadcast_in_dim3A_299 = vector.broadcast %broadcast_in_dim3A_298 : f32 to vector<64x2xf32>
      %concatenate3A_300 = tpu.concatenate %slice3A_297, %broadcast_in_dim3A_299 in 1 : vector<64x318xf32>, vector<64x2xf32> -> vector<64x320xf32>
      %shift_right_arithmetic3A_301 = arith.constant 1 : i32
      %shift_right_arithmetic3A_302 = vector.broadcast %shift_right_arithmetic3A_301 : i32 to vector<64x320xi32>
      %shift_right_arithmetic3A_303 = arith.shrsi %iota3A, %shift_right_arithmetic3A_302 : vector<64x320xi32>
      %and3A_304 = arith.constant 1 : i32
      %and3A_305 = vector.broadcast %and3A_304 : i32 to vector<64x320xi32>
      %and3A_306 = arith.andi %shift_right_arithmetic3A_303, %and3A_305 : vector<64x320xi32>
      %eq3A_307 = arith.constant 0 : i32
      %eq3A_308 = vector.broadcast %eq3A_307 : i32 to vector<64x320xi32>
      %eq3A_309 = arith.cmpi eq, %and3A_306, %eq3A_308 : vector<64x320xi32>
      %select_n3A_310 = arith.select %eq3A_309, %concatenate3A_300, %select_n3A : vector<64x320xi1>, vector<64x320xf32>
      %slice3A_311 = vector.extract_strided_slice %select_n3A_310 {offsets = [0, 4], sizes = [64, 316], strides = [1, 1]} : vector<64x320xf32> to vector<64x316xf32>
      %broadcast_in_dim3A_312 = arith.constant 0.000000e+00 : f32
      %broadcast_in_dim3A_313 = vector.broadcast %broadcast_in_dim3A_312 : f32 to vector<64x4xf32>
      %concatenate3A_314 = tpu.concatenate %slice3A_311, %broadcast_in_dim3A_313 in 1 : vector<64x316xf32>, vector<64x4xf32> -> vector<64x320xf32>
      %shift_right_arithmetic3A_315 = arith.constant 2 : i32
      %shift_right_arithmetic3A_316 = vector.broadcast %shift_right_arithmetic3A_315 : i32 to vector<64x320xi32>
      %shift_right_arithmetic3A_317 = arith.shrsi %iota3A, %shift_right_arithmetic3A_316 : vector<64x320xi32>
      %and3A_318 = arith.constant 1 : i32
      %and3A_319 = vector.broadcast %and3A_318 : i32 to vector<64x320xi32>
      %and3A_320 = arith.andi %shift_right_arithmetic3A_317, %and3A_319 : vector<64x320xi32>
      %eq3A_321 = arith.constant 0 : i32
      %eq3A_322 = vector.broadcast %eq3A_321 : i32 to vector<64x320xi32>
      %eq3A_323 = arith.cmpi eq, %and3A_320, %eq3A_322 : vector<64x320xi32>
      %select_n3A_324 = arith.select %eq3A_323, %concatenate3A_314, %select_n3A_310 : vector<64x320xi1>, vector<64x320xf32>
      %slice3A_325 = vector.extract_strided_slice %select_n3A_324 {offsets = [0, 8], sizes = [64, 312], strides = [1, 1]} : vector<64x320xf32> to vector<64x312xf32>
      %broadcast_in_dim3A_326 = arith.constant 0.000000e+00 : f32
      %broadcast_in_dim3A_327 = vector.broadcast %broadcast_in_dim3A_326 : f32 to vector<64x8xf32>
      %concatenate3A_328 = tpu.concatenate %slice3A_325, %broadcast_in_dim3A_327 in 1 : vector<64x312xf32>, vector<64x8xf32> -> vector<64x320xf32>
      %shift_right_arithmetic3A_329 = arith.constant 3 : i32
      %shift_right_arithmetic3A_330 = vector.broadcast %shift_right_arithmetic3A_329 : i32 to vector<64x320xi32>
      %shift_right_arithmetic3A_331 = arith.shrsi %iota3A, %shift_right_arithmetic3A_330 : vector<64x320xi32>
      %and3A_332 = arith.constant 1 : i32
      %and3A_333 = vector.broadcast %and3A_332 : i32 to vector<64x320xi32>
      %and3A_334 = arith.andi %shift_right_arithmetic3A_331, %and3A_333 : vector<64x320xi32>
      %eq3A_335 = arith.constant 0 : i32
      %eq3A_336 = vector.broadcast %eq3A_335 : i32 to vector<64x320xi32>
      %eq3A_337 = arith.cmpi eq, %and3A_334, %eq3A_336 : vector<64x320xi32>
      %select_n3A_338 = arith.select %eq3A_337, %concatenate3A_328, %select_n3A_324 : vector<64x320xi1>, vector<64x320xf32>
      %slice3A_339 = vector.extract_strided_slice %select_n3A_338 {offsets = [0, 16], sizes = [64, 304], strides = [1, 1]} : vector<64x320xf32> to vector<64x304xf32>
      %broadcast_in_dim3A_340 = arith.constant 0.000000e+00 : f32
      %broadcast_in_dim3A_341 = vector.broadcast %broadcast_in_dim3A_340 : f32 to vector<64x16xf32>
      %concatenate3A_342 = tpu.concatenate %slice3A_339, %broadcast_in_dim3A_341 in 1 : vector<64x304xf32>, vector<64x16xf32> -> vector<64x320xf32>
      %shift_right_arithmetic3A_343 = arith.constant 4 : i32
      %shift_right_arithmetic3A_344 = vector.broadcast %shift_right_arithmetic3A_343 : i32 to vector<64x320xi32>
      %shift_right_arithmetic3A_345 = arith.shrsi %iota3A, %shift_right_arithmetic3A_344 : vector<64x320xi32>
      %and3A_346 = arith.constant 1 : i32
      %and3A_347 = vector.broadcast %and3A_346 : i32 to vector<64x320xi32>
      %and3A_348 = arith.andi %shift_right_arithmetic3A_345, %and3A_347 : vector<64x320xi32>
      %eq3A_349 = arith.constant 0 : i32
      %eq3A_350 = vector.broadcast %eq3A_349 : i32 to vector<64x320xi32>
      %eq3A_351 = arith.cmpi eq, %and3A_348, %eq3A_350 : vector<64x320xi32>
      %select_n3A_352 = arith.select %eq3A_351, %concatenate3A_342, %select_n3A_338 : vector<64x320xi1>, vector<64x320xf32>
      %slice3A_353 = vector.extract_strided_slice %select_n3A_352 {offsets = [0, 32], sizes = [64, 288], strides = [1, 1]} : vector<64x320xf32> to vector<64x288xf32>
      %broadcast_in_dim3A_354 = arith.constant 0.000000e+00 : f32
      %broadcast_in_dim3A_355 = vector.broadcast %broadcast_in_dim3A_354 : f32 to vector<64x32xf32>
      %concatenate3A_356 = tpu.concatenate %slice3A_353, %broadcast_in_dim3A_355 in 1 : vector<64x288xf32>, vector<64x32xf32> -> vector<64x320xf32>
      %shift_right_arithmetic3A_357 = arith.constant 5 : i32
      %shift_right_arithmetic3A_358 = vector.broadcast %shift_right_arithmetic3A_357 : i32 to vector<64x320xi32>
      %shift_right_arithmetic3A_359 = arith.shrsi %iota3A, %shift_right_arithmetic3A_358 : vector<64x320xi32>
      %and3A_360 = arith.constant 1 : i32
      %and3A_361 = vector.broadcast %and3A_360 : i32 to vector<64x320xi32>
      %and3A_362 = arith.andi %shift_right_arithmetic3A_359, %and3A_361 : vector<64x320xi32>
      %eq3A_363 = arith.constant 0 : i32
      %eq3A_364 = vector.broadcast %eq3A_363 : i32 to vector<64x320xi32>
      %eq3A_365 = arith.cmpi eq, %and3A_362, %eq3A_364 : vector<64x320xi32>
      %select_n3A_366 = arith.select %eq3A_365, %concatenate3A_356, %select_n3A_352 : vector<64x320xi1>, vector<64x320xf32>
      %slice3A_367 = vector.extract_strided_slice %select_n3A_366 {offsets = [0, 0], sizes = [64, 256], strides = [1, 1]} : vector<64x320xf32> to vector<64x256xf32>
      %sub3A_368 = arith.constant 1 : i32
      %sub3A_369 = arith.subi %sub3A_368, %rem3A_0 : i32
      %swap3A_370 = arith.index_cast %sub3A_369 : i32 to index
      %swap3A_371 = arith.constant 1 : index
      %swap3A_372 = arith.constant 0 : index
      %swap3A_373 = arith.constant 0 : index
      %swap3A_374 = vector.load %arg4[%swap3A_370, %swap3A_371, %swap3A_372, %swap3A_373] : memref<2x3x256x256xf32, #tpu.memory_space<vmem>>, vector<1x1x64x256xf32>
      %swap3A_375 = vector.shape_cast %swap3A_374 : vector<1x1x64x256xf32> to vector<64x256xf32>
      %swap3A_376 = vector.shape_cast %slice3A_367 : vector<64x256xf32> to vector<1x1x64x256xf32>
      tpu.vector_store %arg4[%swap3A_370, %swap3A_371, %swap3A_372, %swap3A_373], %swap3A_376 {strides = array<i32>} : memref<2x3x256x256xf32, #tpu.memory_space<vmem>>, vector<1x1x64x256xf32>,
      %get3A_377 = arith.constant 0 : index
      %get3A_378 = arith.constant 0 : index
      %get3A_379 = arith.constant 0 : index
      %get3A_380 = vector.load %arg2[%get3A_377, %get3A_378, %get3A_379] : memref<1x1x1024xf32, #tpu.memory_space<vmem>>, vector<1x1x1024xf32>
      %get3A_381 = vector.shape_cast %get3A_380 : vector<1x1x1024xf32> to vector<1024xf32>
      %slice3A_382 = vector.extract_strided_slice %get3A_381 {offsets = [640], sizes = [320], strides = [1]} : vector<1024xf32> to vector<320xf32>
      %broadcast_in_dim3A_383 = vector.shape_cast %slice3A_382 : vector<320xf32> to vector<1x320xf32>
      %broadcast_in_dim3A_384 = vector.shape_cast %broadcast_in_dim3A_383 : vector<1x320xf32> to vector<1x320xf32>
      %broadcast_in_dim3A_385 = vector.broadcast %broadcast_in_dim3A_384 : vector<1x320xf32> to vector<64x320xf32>
      %iota3A_386 = tpu.iota {dimensions = array<i32: 0>} : vector<64x320xi32>
      %slice3A_387 = vector.extract_strided_slice %broadcast_in_dim3A_385 {offsets = [0, 1], sizes = [64, 319], strides = [1, 1]} : vector<64x320xf32> to vector<64x319xf32>
      %broadcast_in_dim3A_388 = arith.constant 0.000000e+00 : f32
      %broadcast_in_dim3A_389 = vector.broadcast %broadcast_in_dim3A_388 : f32 to vector<64x1xf32>
      %concatenate3A_390 = tpu.concatenate %slice3A_387, %broadcast_in_dim3A_389 in 1 : vector<64x319xf32>, vector<64x1xf32> -> vector<64x320xf32>
      %shift_right_arithmetic3A_391 = arith.constant 0 : i32
      %shift_right_arithmetic3A_392 = vector.broadcast %shift_right_arithmetic3A_391 : i32 to vector<64x320xi32>
      %shift_right_arithmetic3A_393 = arith.shrsi %iota3A_386, %shift_right_arithmetic3A_392 : vector<64x320xi32>
      %and3A_394 = arith.constant 1 : i32
      %and3A_395 = vector.broadcast %and3A_394 : i32 to vector<64x320xi32>
      %and3A_396 = arith.andi %shift_right_arithmetic3A_393, %and3A_395 : vector<64x320xi32>
      %eq3A_397 = arith.constant 0 : i32
      %eq3A_398 = vector.broadcast %eq3A_397 : i32 to vector<64x320xi32>
      %eq3A_399 = arith.cmpi eq, %and3A_396, %eq3A_398 : vector<64x320xi32>
      %select_n3A_400 = arith.select %eq3A_399, %concatenate3A_390, %broadcast_in_dim3A_385 : vector<64x320xi1>, vector<64x320xf32>
      %slice3A_401 = vector.extract_strided_slice %select_n3A_400 {offsets = [0, 2], sizes = [64, 318], strides = [1, 1]} : vector<64x320xf32> to vector<64x318xf32>
      %broadcast_in_dim3A_402 = arith.constant 0.000000e+00 : f32
      %broadcast_in_dim3A_403 = vector.broadcast %broadcast_in_dim3A_402 : f32 to vector<64x2xf32>
      %concatenate3A_404 = tpu.concatenate %slice3A_401, %broadcast_in_dim3A_403 in 1 : vector<64x318xf32>, vector<64x2xf32> -> vector<64x320xf32>
      %shift_right_arithmetic3A_405 = arith.constant 1 : i32
      %shift_right_arithmetic3A_406 = vector.broadcast %shift_right_arithmetic3A_405 : i32 to vector<64x320xi32>
      %shift_right_arithmetic3A_407 = arith.shrsi %iota3A_386, %shift_right_arithmetic3A_406 : vector<64x320xi32>
      %and3A_408 = arith.constant 1 : i32
      %and3A_409 = vector.broadcast %and3A_408 : i32 to vector<64x320xi32>
      %and3A_410 = arith.andi %shift_right_arithmetic3A_407, %and3A_409 : vector<64x320xi32>
      %eq3A_411 = arith.constant 0 : i32
      %eq3A_412 = vector.broadcast %eq3A_411 : i32 to vector<64x320xi32>
      %eq3A_413 = arith.cmpi eq, %and3A_410, %eq3A_412 : vector<64x320xi32>
      %select_n3A_414 = arith.select %eq3A_413, %concatenate3A_404, %select_n3A_400 : vector<64x320xi1>, vector<64x320xf32>
      %slice3A_415 = vector.extract_strided_slice %select_n3A_414 {offsets = [0, 4], sizes = [64, 316], strides = [1, 1]} : vector<64x320xf32> to vector<64x316xf32>
      %broadcast_in_dim3A_416 = arith.constant 0.000000e+00 : f32
      %broadcast_in_dim3A_417 = vector.broadcast %broadcast_in_dim3A_416 : f32 to vector<64x4xf32>
      %concatenate3A_418 = tpu.concatenate %slice3A_415, %broadcast_in_dim3A_417 in 1 : vector<64x316xf32>, vector<64x4xf32> -> vector<64x320xf32>
      %shift_right_arithmetic3A_419 = arith.constant 2 : i32
      %shift_right_arithmetic3A_420 = vector.broadcast %shift_right_arithmetic3A_419 : i32 to vector<64x320xi32>
      %shift_right_arithmetic3A_421 = arith.shrsi %iota3A_386, %shift_right_arithmetic3A_420 : vector<64x320xi32>
      %and3A_422 = arith.constant 1 : i32
      %and3A_423 = vector.broadcast %and3A_422 : i32 to vector<64x320xi32>
      %and3A_424 = arith.andi %shift_right_arithmetic3A_421, %and3A_423 : vector<64x320xi32>
      %eq3A_425 = arith.constant 0 : i32
      %eq3A_426 = vector.broadcast %eq3A_425 : i32 to vector<64x320xi32>
      %eq3A_427 = arith.cmpi eq, %and3A_424, %eq3A_426 : vector<64x320xi32>
      %select_n3A_428 = arith.select %eq3A_427, %concatenate3A_418, %select_n3A_414 : vector<64x320xi1>, vector<64x320xf32>
      %slice3A_429 = vector.extract_strided_slice %select_n3A_428 {offsets = [0, 8], sizes = [64, 312], strides = [1, 1]} : vector<64x320xf32> to vector<64x312xf32>
      %broadcast_in_dim3A_430 = arith.constant 0.000000e+00 : f32
      %broadcast_in_dim3A_431 = vector.broadcast %broadcast_in_dim3A_430 : f32 to vector<64x8xf32>
      %concatenate3A_432 = tpu.concatenate %slice3A_429, %broadcast_in_dim3A_431 in 1 : vector<64x312xf32>, vector<64x8xf32> -> vector<64x320xf32>
      %shift_right_arithmetic3A_433 = arith.constant 3 : i32
      %shift_right_arithmetic3A_434 = vector.broadcast %shift_right_arithmetic3A_433 : i32 to vector<64x320xi32>
      %shift_right_arithmetic3A_435 = arith.shrsi %iota3A_386, %shift_right_arithmetic3A_434 : vector<64x320xi32>
      %and3A_436 = arith.constant 1 : i32
      %and3A_437 = vector.broadcast %and3A_436 : i32 to vector<64x320xi32>
      %and3A_438 = arith.andi %shift_right_arithmetic3A_435, %and3A_437 : vector<64x320xi32>
      %eq3A_439 = arith.constant 0 : i32
      %eq3A_440 = vector.broadcast %eq3A_439 : i32 to vector<64x320xi32>
      %eq3A_441 = arith.cmpi eq, %and3A_438, %eq3A_440 : vector<64x320xi32>
      %select_n3A_442 = arith.select %eq3A_441, %concatenate3A_432, %select_n3A_428 : vector<64x320xi1>, vector<64x320xf32>
      %slice3A_443 = vector.extract_strided_slice %select_n3A_442 {offsets = [0, 16], sizes = [64, 304], strides = [1, 1]} : vector<64x320xf32> to vector<64x304xf32>
      %broadcast_in_dim3A_444 = arith.constant 0.000000e+00 : f32
      %broadcast_in_dim3A_445 = vector.broadcast %broadcast_in_dim3A_444 : f32 to vector<64x16xf32>
      %concatenate3A_446 = tpu.concatenate %slice3A_443, %broadcast_in_dim3A_445 in 1 : vector<64x304xf32>, vector<64x16xf32> -> vector<64x320xf32>
      %shift_right_arithmetic3A_447 = arith.constant 4 : i32
      %shift_right_arithmetic3A_448 = vector.broadcast %shift_right_arithmetic3A_447 : i32 to vector<64x320xi32>
      %shift_right_arithmetic3A_449 = arith.shrsi %iota3A_386, %shift_right_arithmetic3A_448 : vector<64x320xi32>
      %and3A_450 = arith.constant 1 : i32
      %and3A_451 = vector.broadcast %and3A_450 : i32 to vector<64x320xi32>
      %and3A_452 = arith.andi %shift_right_arithmetic3A_449, %and3A_451 : vector<64x320xi32>
      %eq3A_453 = arith.constant 0 : i32
      %eq3A_454 = vector.broadcast %eq3A_453 : i32 to vector<64x320xi32>
      %eq3A_455 = arith.cmpi eq, %and3A_452, %eq3A_454 : vector<64x320xi32>
      %select_n3A_456 = arith.select %eq3A_455, %concatenate3A_446, %select_n3A_442 : vector<64x320xi1>, vector<64x320xf32>
      %slice3A_457 = vector.extract_strided_slice %select_n3A_456 {offsets = [0, 32], sizes = [64, 288], strides = [1, 1]} : vector<64x320xf32> to vector<64x288xf32>
      %broadcast_in_dim3A_458 = arith.constant 0.000000e+00 : f32
      %broadcast_in_dim3A_459 = vector.broadcast %broadcast_in_dim3A_458 : f32 to vector<64x32xf32>
      %concatenate3A_460 = tpu.concatenate %slice3A_457, %broadcast_in_dim3A_459 in 1 : vector<64x288xf32>, vector<64x32xf32> -> vector<64x320xf32>
      %shift_right_arithmetic3A_461 = arith.constant 5 : i32
      %shift_right_arithmetic3A_462 = vector.broadcast %shift_right_arithmetic3A_461 : i32 to vector<64x320xi32>
      %shift_right_arithmetic3A_463 = arith.shrsi %iota3A_386, %shift_right_arithmetic3A_462 : vector<64x320xi32>
      %and3A_464 = arith.constant 1 : i32
      %and3A_465 = vector.broadcast %and3A_464 : i32 to vector<64x320xi32>
      %and3A_466 = arith.andi %shift_right_arithmetic3A_463, %and3A_465 : vector<64x320xi32>
      %eq3A_467 = arith.constant 0 : i32
      %eq3A_468 = vector.broadcast %eq3A_467 : i32 to vector<64x320xi32>
      %eq3A_469 = arith.cmpi eq, %and3A_466, %eq3A_468 : vector<64x320xi32>
      %select_n3A_470 = arith.select %eq3A_469, %concatenate3A_460, %select_n3A_456 : vector<64x320xi1>, vector<64x320xf32>
      %slice3A_471 = vector.extract_strided_slice %select_n3A_470 {offsets = [0, 0], sizes = [64, 256], strides = [1, 1]} : vector<64x320xf32> to vector<64x256xf32>
      %sub3A_472 = arith.constant 1 : i32
      %sub3A_473 = arith.subi %sub3A_472, %rem3A_0 : i32
      %swap3A_474 = arith.index_cast %sub3A_473 : i32 to index
      %swap3A_475 = arith.constant 1 : index
      %swap3A_476 = arith.constant 64 : index
      %swap3A_477 = arith.constant 0 : index
      %swap3A_478 = vector.load %arg4[%swap3A_474, %swap3A_475, %swap3A_476, %swap3A_477] : memref<2x3x256x256xf32, #tpu.memory_space<vmem>>, vector<1x1x64x256xf32>
      %swap3A_479 = vector.shape_cast %swap3A_478 : vector<1x1x64x256xf32> to vector<64x256xf32>
      %swap3A_480 = vector.shape_cast %slice3A_471 : vector<64x256xf32> to vector<1x1x64x256xf32>
      tpu.vector_store %arg4[%swap3A_474, %swap3A_475, %swap3A_476, %swap3A_477], %swap3A_480 {strides = array<i32>} : memref<2x3x256x256xf32, #tpu.memory_space<vmem>>, vector<1x1x64x256xf32>,
      %get3A_481 = arith.constant 0 : index
      %get3A_482 = arith.constant 0 : index
      %get3A_483 = arith.constant 0 : index
      %get3A_484 = vector.load %arg2[%get3A_481, %get3A_482, %get3A_483] : memref<1x1x1024xf32, #tpu.memory_space<vmem>>, vector<1x1x1024xf32>
      %get3A_485 = vector.shape_cast %get3A_484 : vector<1x1x1024xf32> to vector<1024xf32>
      %slice3A_486 = vector.extract_strided_slice %get3A_485 {offsets = [576], sizes = [320], strides = [1]} : vector<1024xf32> to vector<320xf32>
      %broadcast_in_dim3A_487 = vector.shape_cast %slice3A_486 : vector<320xf32> to vector<1x320xf32>
      %broadcast_in_dim3A_488 = vector.shape_cast %broadcast_in_dim3A_487 : vector<1x320xf32> to vector<1x320xf32>
      %broadcast_in_dim3A_489 = vector.broadcast %broadcast_in_dim3A_488 : vector<1x320xf32> to vector<64x320xf32>
      %iota3A_490 = tpu.iota {dimensions = array<i32: 0>} : vector<64x320xi32>
      %slice3A_491 = vector.extract_strided_slice %broadcast_in_dim3A_489 {offsets = [0, 1], sizes = [64, 319], strides = [1, 1]} : vector<64x320xf32> to vector<64x319xf32>
      %broadcast_in_dim3A_492 = arith.constant 0.000000e+00 : f32
      %broadcast_in_dim3A_493 = vector.broadcast %broadcast_in_dim3A_492 : f32 to vector<64x1xf32>
      %concatenate3A_494 = tpu.concatenate %slice3A_491, %broadcast_in_dim3A_493 in 1 : vector<64x319xf32>, vector<64x1xf32> -> vector<64x320xf32>
      %shift_right_arithmetic3A_495 = arith.constant 0 : i32
      %shift_right_arithmetic3A_496 = vector.broadcast %shift_right_arithmetic3A_495 : i32 to vector<64x320xi32>
      %shift_right_arithmetic3A_497 = arith.shrsi %iota3A_490, %shift_right_arithmetic3A_496 : vector<64x320xi32>
      %and3A_498 = arith.constant 1 : i32
      %and3A_499 = vector.broadcast %and3A_498 : i32 to vector<64x320xi32>
      %and3A_500 = arith.andi %shift_right_arithmetic3A_497, %and3A_499 : vector<64x320xi32>
      %eq3A_501 = arith.constant 0 : i32
      %eq3A_502 = vector.broadcast %eq3A_501 : i32 to vector<64x320xi32>
      %eq3A_503 = arith.cmpi eq, %and3A_500, %eq3A_502 : vector<64x320xi32>
      %select_n3A_504 = arith.select %eq3A_503, %concatenate3A_494, %broadcast_in_dim3A_489 : vector<64x320xi1>, vector<64x320xf32>
      %slice3A_505 = vector.extract_strided_slice %select_n3A_504 {offsets = [0, 2], sizes = [64, 318], strides = [1, 1]} : vector<64x320xf32> to vector<64x318xf32>
      %broadcast_in_dim3A_506 = arith.constant 0.000000e+00 : f32
      %broadcast_in_dim3A_507 = vector.broadcast %broadcast_in_dim3A_506 : f32 to vector<64x2xf32>
      %concatenate3A_508 = tpu.concatenate %slice3A_505, %broadcast_in_dim3A_507 in 1 : vector<64x318xf32>, vector<64x2xf32> -> vector<64x320xf32>
      %shift_right_arithmetic3A_509 = arith.constant 1 : i32
      %shift_right_arithmetic3A_510 = vector.broadcast %shift_right_arithmetic3A_509 : i32 to vector<64x320xi32>
      %shift_right_arithmetic3A_511 = arith.shrsi %iota3A_490, %shift_right_arithmetic3A_510 : vector<64x320xi32>
      %and3A_512 = arith.constant 1 : i32
      %and3A_513 = vector.broadcast %and3A_512 : i32 to vector<64x320xi32>
      %and3A_514 = arith.andi %shift_right_arithmetic3A_511, %and3A_513 : vector<64x320xi32>
      %eq3A_515 = arith.constant 0 : i32
      %eq3A_516 = vector.broadcast %eq3A_515 : i32 to vector<64x320xi32>
      %eq3A_517 = arith.cmpi eq, %and3A_514, %eq3A_516 : vector<64x320xi32>
      %select_n3A_518 = arith.select %eq3A_517, %concatenate3A_508, %select_n3A_504 : vector<64x320xi1>, vector<64x320xf32>
      %slice3A_519 = vector.extract_strided_slice %select_n3A_518 {offsets = [0, 4], sizes = [64, 316], strides = [1, 1]} : vector<64x320xf32> to vector<64x316xf32>
      %broadcast_in_dim3A_520 = arith.constant 0.000000e+00 : f32
      %broadcast_in_dim3A_521 = vector.broadcast %broadcast_in_dim3A_520 : f32 to vector<64x4xf32>
      %concatenate3A_522 = tpu.concatenate %slice3A_519, %broadcast_in_dim3A_521 in 1 : vector<64x316xf32>, vector<64x4xf32> -> vector<64x320xf32>
      %shift_right_arithmetic3A_523 = arith.constant 2 : i32
      %shift_right_arithmetic3A_524 = vector.broadcast %shift_right_arithmetic3A_523 : i32 to vector<64x320xi32>
      %shift_right_arithmetic3A_525 = arith.shrsi %iota3A_490, %shift_right_arithmetic3A_524 : vector<64x320xi32>
      %and3A_526 = arith.constant 1 : i32
      %and3A_527 = vector.broadcast %and3A_526 : i32 to vector<64x320xi32>
      %and3A_528 = arith.andi %shift_right_arithmetic3A_525, %and3A_527 : vector<64x320xi32>
      %eq3A_529 = arith.constant 0 : i32
      %eq3A_530 = vector.broadcast %eq3A_529 : i32 to vector<64x320xi32>
      %eq3A_531 = arith.cmpi eq, %and3A_528, %eq3A_530 : vector<64x320xi32>
      %select_n3A_532 = arith.select %eq3A_531, %concatenate3A_522, %select_n3A_518 : vector<64x320xi1>, vector<64x320xf32>
      %slice3A_533 = vector.extract_strided_slice %select_n3A_532 {offsets = [0, 8], sizes = [64, 312], strides = [1, 1]} : vector<64x320xf32> to vector<64x312xf32>
      %broadcast_in_dim3A_534 = arith.constant 0.000000e+00 : f32
      %broadcast_in_dim3A_535 = vector.broadcast %broadcast_in_dim3A_534 : f32 to vector<64x8xf32>
      %concatenate3A_536 = tpu.concatenate %slice3A_533, %broadcast_in_dim3A_535 in 1 : vector<64x312xf32>, vector<64x8xf32> -> vector<64x320xf32>
      %shift_right_arithmetic3A_537 = arith.constant 3 : i32
      %shift_right_arithmetic3A_538 = vector.broadcast %shift_right_arithmetic3A_537 : i32 to vector<64x320xi32>
      %shift_right_arithmetic3A_539 = arith.shrsi %iota3A_490, %shift_right_arithmetic3A_538 : vector<64x320xi32>
      %and3A_540 = arith.constant 1 : i32
      %and3A_541 = vector.broadcast %and3A_540 : i32 to vector<64x320xi32>
      %and3A_542 = arith.andi %shift_right_arithmetic3A_539, %and3A_541 : vector<64x320xi32>
      %eq3A_543 = arith.constant 0 : i32
      %eq3A_544 = vector.broadcast %eq3A_543 : i32 to vector<64x320xi32>
      %eq3A_545 = arith.cmpi eq, %and3A_542, %eq3A_544 : vector<64x320xi32>
      %select_n3A_546 = arith.select %eq3A_545, %concatenate3A_536, %select_n3A_532 : vector<64x320xi1>, vector<64x320xf32>
      %slice3A_547 = vector.extract_strided_slice %select_n3A_546 {offsets = [0, 16], sizes = [64, 304], strides = [1, 1]} : vector<64x320xf32> to vector<64x304xf32>
      %broadcast_in_dim3A_548 = arith.constant 0.000000e+00 : f32
      %broadcast_in_dim3A_549 = vector.broadcast %broadcast_in_dim3A_548 : f32 to vector<64x16xf32>
      %concatenate3A_550 = tpu.concatenate %slice3A_547, %broadcast_in_dim3A_549 in 1 : vector<64x304xf32>, vector<64x16xf32> -> vector<64x320xf32>
      %shift_right_arithmetic3A_551 = arith.constant 4 : i32
      %shift_right_arithmetic3A_552 = vector.broadcast %shift_right_arithmetic3A_551 : i32 to vector<64x320xi32>
      %shift_right_arithmetic3A_553 = arith.shrsi %iota3A_490, %shift_right_arithmetic3A_552 : vector<64x320xi32>
      %and3A_554 = arith.constant 1 : i32
      %and3A_555 = vector.broadcast %and3A_554 : i32 to vector<64x320xi32>
      %and3A_556 = arith.andi %shift_right_arithmetic3A_553, %and3A_555 : vector<64x320xi32>
      %eq3A_557 = arith.constant 0 : i32
      %eq3A_558 = vector.broadcast %eq3A_557 : i32 to vector<64x320xi32>
      %eq3A_559 = arith.cmpi eq, %and3A_556, %eq3A_558 : vector<64x320xi32>
      %select_n3A_560 = arith.select %eq3A_559, %concatenate3A_550, %select_n3A_546 : vector<64x320xi1>, vector<64x320xf32>
      %slice3A_561 = vector.extract_strided_slice %select_n3A_560 {offsets = [0, 32], sizes = [64, 288], strides = [1, 1]} : vector<64x320xf32> to vector<64x288xf32>
      %broadcast_in_dim3A_562 = arith.constant 0.000000e+00 : f32
      %broadcast_in_dim3A_563 = vector.broadcast %broadcast_in_dim3A_562 : f32 to vector<64x32xf32>
      %concatenate3A_564 = tpu.concatenate %slice3A_561, %broadcast_in_dim3A_563 in 1 : vector<64x288xf32>, vector<64x32xf32> -> vector<64x320xf32>
      %shift_right_arithmetic3A_565 = arith.constant 5 : i32
      %shift_right_arithmetic3A_566 = vector.broadcast %shift_right_arithmetic3A_565 : i32 to vector<64x320xi32>
      %shift_right_arithmetic3A_567 = arith.shrsi %iota3A_490, %shift_right_arithmetic3A_566 : vector<64x320xi32>
      %and3A_568 = arith.constant 1 : i32
      %and3A_569 = vector.broadcast %and3A_568 : i32 to vector<64x320xi32>
      %and3A_570 = arith.andi %shift_right_arithmetic3A_567, %and3A_569 : vector<64x320xi32>
      %eq3A_571 = arith.constant 0 : i32
      %eq3A_572 = vector.broadcast %eq3A_571 : i32 to vector<64x320xi32>
      %eq3A_573 = arith.cmpi eq, %and3A_570, %eq3A_572 : vector<64x320xi32>
      %select_n3A_574 = arith.select %eq3A_573, %concatenate3A_564, %select_n3A_560 : vector<64x320xi1>, vector<64x320xf32>
      %slice3A_575 = vector.extract_strided_slice %select_n3A_574 {offsets = [0, 0], sizes = [64, 256], strides = [1, 1]} : vector<64x320xf32> to vector<64x256xf32>
      %sub3A_576 = arith.constant 1 : i32
      %sub3A_577 = arith.subi %sub3A_576, %rem3A_0 : i32
      %swap3A_578 = arith.index_cast %sub3A_577 : i32 to index
      %swap3A_579 = arith.constant 1 : index
      %swap3A_580 = arith.constant 128 : index
      %swap3A_581 = arith.constant 0 : index
      %swap3A_582 = vector.load %arg4[%swap3A_578, %swap3A_579, %swap3A_580, %swap3A_581] : memref<2x3x256x256xf32, #tpu.memory_space<vmem>>, vector<1x1x64x256xf32>
      %swap3A_583 = vector.shape_cast %swap3A_582 : vector<1x1x64x256xf32> to vector<64x256xf32>
      %swap3A_584 = vector.shape_cast %slice3A_575 : vector<64x256xf32> to vector<1x1x64x256xf32>
      tpu.vector_store %arg4[%swap3A_578, %swap3A_579, %swap3A_580, %swap3A_581], %swap3A_584 {strides = array<i32>} : memref<2x3x256x256xf32, #tpu.memory_space<vmem>>, vector<1x1x64x256xf32>,
      %get3A_585 = arith.constant 0 : index
      %get3A_586 = arith.constant 0 : index
      %get3A_587 = arith.constant 0 : index
      %get3A_588 = vector.load %arg2[%get3A_585, %get3A_586, %get3A_587] : memref<1x1x1024xf32, #tpu.memory_space<vmem>>, vector<1x1x1024xf32>
      %get3A_589 = vector.shape_cast %get3A_588 : vector<1x1x1024xf32> to vector<1024xf32>
      %slice3A_590 = vector.extract_strided_slice %get3A_589 {offsets = [512], sizes = [320], strides = [1]} : vector<1024xf32> to vector<320xf32>
      %broadcast_in_dim3A_591 = vector.shape_cast %slice3A_590 : vector<320xf32> to vector<1x320xf32>
      %broadcast_in_dim3A_592 = vector.shape_cast %broadcast_in_dim3A_591 : vector<1x320xf32> to vector<1x320xf32>
      %broadcast_in_dim3A_593 = vector.broadcast %broadcast_in_dim3A_592 : vector<1x320xf32> to vector<64x320xf32>
      %iota3A_594 = tpu.iota {dimensions = array<i32: 0>} : vector<64x320xi32>
      %slice3A_595 = vector.extract_strided_slice %broadcast_in_dim3A_593 {offsets = [0, 1], sizes = [64, 319], strides = [1, 1]} : vector<64x320xf32> to vector<64x319xf32>
      %broadcast_in_dim3A_596 = arith.constant 0.000000e+00 : f32
      %broadcast_in_dim3A_597 = vector.broadcast %broadcast_in_dim3A_596 : f32 to vector<64x1xf32>
      %concatenate3A_598 = tpu.concatenate %slice3A_595, %broadcast_in_dim3A_597 in 1 : vector<64x319xf32>, vector<64x1xf32> -> vector<64x320xf32>
      %shift_right_arithmetic3A_599 = arith.constant 0 : i32
      %shift_right_arithmetic3A_600 = vector.broadcast %shift_right_arithmetic3A_599 : i32 to vector<64x320xi32>
      %shift_right_arithmetic3A_601 = arith.shrsi %iota3A_594, %shift_right_arithmetic3A_600 : vector<64x320xi32>
      %and3A_602 = arith.constant 1 : i32
      %and3A_603 = vector.broadcast %and3A_602 : i32 to vector<64x320xi32>
      %and3A_604 = arith.andi %shift_right_arithmetic3A_601, %and3A_603 : vector<64x320xi32>
      %eq3A_605 = arith.constant 0 : i32
      %eq3A_606 = vector.broadcast %eq3A_605 : i32 to vector<64x320xi32>
      %eq3A_607 = arith.cmpi eq, %and3A_604, %eq3A_606 : vector<64x320xi32>
      %select_n3A_608 = arith.select %eq3A_607, %concatenate3A_598, %broadcast_in_dim3A_593 : vector<64x320xi1>, vector<64x320xf32>
      %slice3A_609 = vector.extract_strided_slice %select_n3A_608 {offsets = [0, 2], sizes = [64, 318], strides = [1, 1]} : vector<64x320xf32> to vector<64x318xf32>
      %broadcast_in_dim3A_610 = arith.constant 0.000000e+00 : f32
      %broadcast_in_dim3A_611 = vector.broadcast %broadcast_in_dim3A_610 : f32 to vector<64x2xf32>
      %concatenate3A_612 = tpu.concatenate %slice3A_609, %broadcast_in_dim3A_611 in 1 : vector<64x318xf32>, vector<64x2xf32> -> vector<64x320xf32>
      %shift_right_arithmetic3A_613 = arith.constant 1 : i32
      %shift_right_arithmetic3A_614 = vector.broadcast %shift_right_arithmetic3A_613 : i32 to vector<64x320xi32>
      %shift_right_arithmetic3A_615 = arith.shrsi %iota3A_594, %shift_right_arithmetic3A_614 : vector<64x320xi32>
      %and3A_616 = arith.constant 1 : i32
      %and3A_617 = vector.broadcast %and3A_616 : i32 to vector<64x320xi32>
      %and3A_618 = arith.andi %shift_right_arithmetic3A_615, %and3A_617 : vector<64x320xi32>
      %eq3A_619 = arith.constant 0 : i32
      %eq3A_620 = vector.broadcast %eq3A_619 : i32 to vector<64x320xi32>
      %eq3A_621 = arith.cmpi eq, %and3A_618, %eq3A_620 : vector<64x320xi32>
      %select_n3A_622 = arith.select %eq3A_621, %concatenate3A_612, %select_n3A_608 : vector<64x320xi1>, vector<64x320xf32>
      %slice3A_623 = vector.extract_strided_slice %select_n3A_622 {offsets = [0, 4], sizes = [64, 316], strides = [1, 1]} : vector<64x320xf32> to vector<64x316xf32>
      %broadcast_in_dim3A_624 = arith.constant 0.000000e+00 : f32
      %broadcast_in_dim3A_625 = vector.broadcast %broadcast_in_dim3A_624 : f32 to vector<64x4xf32>
      %concatenate3A_626 = tpu.concatenate %slice3A_623, %broadcast_in_dim3A_625 in 1 : vector<64x316xf32>, vector<64x4xf32> -> vector<64x320xf32>
      %shift_right_arithmetic3A_627 = arith.constant 2 : i32
      %shift_right_arithmetic3A_628 = vector.broadcast %shift_right_arithmetic3A_627 : i32 to vector<64x320xi32>
      %shift_right_arithmetic3A_629 = arith.shrsi %iota3A_594, %shift_right_arithmetic3A_628 : vector<64x320xi32>
      %and3A_630 = arith.constant 1 : i32
      %and3A_631 = vector.broadcast %and3A_630 : i32 to vector<64x320xi32>
      %and3A_632 = arith.andi %shift_right_arithmetic3A_629, %and3A_631 : vector<64x320xi32>
      %eq3A_633 = arith.constant 0 : i32
      %eq3A_634 = vector.broadcast %eq3A_633 : i32 to vector<64x320xi32>
      %eq3A_635 = arith.cmpi eq, %and3A_632, %eq3A_634 : vector<64x320xi32>
      %select_n3A_636 = arith.select %eq3A_635, %concatenate3A_626, %select_n3A_622 : vector<64x320xi1>, vector<64x320xf32>
      %slice3A_637 = vector.extract_strided_slice %select_n3A_636 {offsets = [0, 8], sizes = [64, 312], strides = [1, 1]} : vector<64x320xf32> to vector<64x312xf32>
      %broadcast_in_dim3A_638 = arith.constant 0.000000e+00 : f32
      %broadcast_in_dim3A_639 = vector.broadcast %broadcast_in_dim3A_638 : f32 to vector<64x8xf32>
      %concatenate3A_640 = tpu.concatenate %slice3A_637, %broadcast_in_dim3A_639 in 1 : vector<64x312xf32>, vector<64x8xf32> -> vector<64x320xf32>
      %shift_right_arithmetic3A_641 = arith.constant 3 : i32
      %shift_right_arithmetic3A_642 = vector.broadcast %shift_right_arithmetic3A_641 : i32 to vector<64x320xi32>
      %shift_right_arithmetic3A_643 = arith.shrsi %iota3A_594, %shift_right_arithmetic3A_642 : vector<64x320xi32>
      %and3A_644 = arith.constant 1 : i32
      %and3A_645 = vector.broadcast %and3A_644 : i32 to vector<64x320xi32>
      %and3A_646 = arith.andi %shift_right_arithmetic3A_643, %and3A_645 : vector<64x320xi32>
      %eq3A_647 = arith.constant 0 : i32
      %eq3A_648 = vector.broadcast %eq3A_647 : i32 to vector<64x320xi32>
      %eq3A_649 = arith.cmpi eq, %and3A_646, %eq3A_648 : vector<64x320xi32>
      %select_n3A_650 = arith.select %eq3A_649, %concatenate3A_640, %select_n3A_636 : vector<64x320xi1>, vector<64x320xf32>
      %slice3A_651 = vector.extract_strided_slice %select_n3A_650 {offsets = [0, 16], sizes = [64, 304], strides = [1, 1]} : vector<64x320xf32> to vector<64x304xf32>
      %broadcast_in_dim3A_652 = arith.constant 0.000000e+00 : f32
      %broadcast_in_dim3A_653 = vector.broadcast %broadcast_in_dim3A_652 : f32 to vector<64x16xf32>
      %concatenate3A_654 = tpu.concatenate %slice3A_651, %broadcast_in_dim3A_653 in 1 : vector<64x304xf32>, vector<64x16xf32> -> vector<64x320xf32>
      %shift_right_arithmetic3A_655 = arith.constant 4 : i32
      %shift_right_arithmetic3A_656 = vector.broadcast %shift_right_arithmetic3A_655 : i32 to vector<64x320xi32>
      %shift_right_arithmetic3A_657 = arith.shrsi %iota3A_594, %shift_right_arithmetic3A_656 : vector<64x320xi32>
      %and3A_658 = arith.constant 1 : i32
      %and3A_659 = vector.broadcast %and3A_658 : i32 to vector<64x320xi32>
      %and3A_660 = arith.andi %shift_right_arithmetic3A_657, %and3A_659 : vector<64x320xi32>
      %eq3A_661 = arith.constant 0 : i32
      %eq3A_662 = vector.broadcast %eq3A_661 : i32 to vector<64x320xi32>
      %eq3A_663 = arith.cmpi eq, %and3A_660, %eq3A_662 : vector<64x320xi32>
      %select_n3A_664 = arith.select %eq3A_663, %concatenate3A_654, %select_n3A_650 : vector<64x320xi1>, vector<64x320xf32>
      %slice3A_665 = vector.extract_strided_slice %select_n3A_664 {offsets = [0, 32], sizes = [64, 288], strides = [1, 1]} : vector<64x320xf32> to vector<64x288xf32>
      %broadcast_in_dim3A_666 = arith.constant 0.000000e+00 : f32
      %broadcast_in_dim3A_667 = vector.broadcast %broadcast_in_dim3A_666 : f32 to vector<64x32xf32>
      %concatenate3A_668 = tpu.concatenate %slice3A_665, %broadcast_in_dim3A_667 in 1 : vector<64x288xf32>, vector<64x32xf32> -> vector<64x320xf32>
      %shift_right_arithmetic3A_669 = arith.constant 5 : i32
      %shift_right_arithmetic3A_670 = vector.broadcast %shift_right_arithmetic3A_669 : i32 to vector<64x320xi32>
      %shift_right_arithmetic3A_671 = arith.shrsi %iota3A_594, %shift_right_arithmetic3A_670 : vector<64x320xi32>
      %and3A_672 = arith.constant 1 : i32
      %and3A_673 = vector.broadcast %and3A_672 : i32 to vector<64x320xi32>
      %and3A_674 = arith.andi %shift_right_arithmetic3A_671, %and3A_673 : vector<64x320xi32>
      %eq3A_675 = arith.constant 0 : i32
      %eq3A_676 = vector.broadcast %eq3A_675 : i32 to vector<64x320xi32>
      %eq3A_677 = arith.cmpi eq, %and3A_674, %eq3A_676 : vector<64x320xi32>
      %select_n3A_678 = arith.select %eq3A_677, %concatenate3A_668, %select_n3A_664 : vector<64x320xi1>, vector<64x320xf32>
      %slice3A_679 = vector.extract_strided_slice %select_n3A_678 {offsets = [0, 0], sizes = [64, 256], strides = [1, 1]} : vector<64x320xf32> to vector<64x256xf32>
      %sub3A_680 = arith.constant 1 : i32
      %sub3A_681 = arith.subi %sub3A_680, %rem3A_0 : i32
      %swap3A_682 = arith.index_cast %sub3A_681 : i32 to index
      %swap3A_683 = arith.constant 1 : index
      %swap3A_684 = arith.constant 192 : index
      %swap3A_685 = arith.constant 0 : index
      %swap3A_686 = vector.load %arg4[%swap3A_682, %swap3A_683, %swap3A_684, %swap3A_685] : memref<2x3x256x256xf32, #tpu.memory_space<vmem>>, vector<1x1x64x256xf32>
      %swap3A_687 = vector.shape_cast %swap3A_686 : vector<1x1x64x256xf32> to vector<64x256xf32>
      %swap3A_688 = vector.shape_cast %slice3A_679 : vector<64x256xf32> to vector<1x1x64x256xf32>
      tpu.vector_store %arg4[%swap3A_682, %swap3A_683, %swap3A_684, %swap3A_685], %swap3A_688 {strides = array<i32>} : memref<2x3x256x256xf32, #tpu.memory_space<vmem>>, vector<1x1x64x256xf32>,
    } else {
    }
    %eq3A_20 = arith.constant 2 : i32
    %eq3A_21 = arith.cmpi eq, %arg1, %eq3A_20 : i32
    %lt3A_22 = arith.constant 15 : i32
    %lt3A_23 = arith.cmpi slt, %arg0, %lt3A_22 : i32
    %and3A_24 = arith.andi %eq3A_21, %lt3A_23 : i1
    %convert_element_type3A_25 = arith.extui %and3A_24 : i1 to i32
    %cond3A_26 = arith.constant 0 : i32
    %cond3A_27 = arith.cmpi ne, %convert_element_type3A_25, %cond3A_26 : i32
    scf.if %cond3A_27 {
      %get3A_279 = arith.constant 0 : index
      %get3A_280 = arith.constant 0 : index
      %get3A_281 = arith.constant 0 : index
      %get3A_282 = vector.load %arg2[%get3A_279, %get3A_280, %get3A_281] : memref<1x1x1024xf32, #tpu.memory_space<vmem>>, vector<1x1x1024xf32>
      %get3A_283 = vector.shape_cast %get3A_282 : vector<1x1x1024xf32> to vector<1024xf32>
      %slice3A = vector.extract_strided_slice %get3A_283 {offsets = [192], sizes = [320], strides = [1]} : vector<1024xf32> to vector<320xf32>
      %broadcast_in_dim3A = vector.shape_cast %slice3A : vector<320xf32> to vector<1x320xf32>
      %broadcast_in_dim3A_284 = vector.shape_cast %broadcast_in_dim3A : vector<1x320xf32> to vector<1x320xf32>
      %broadcast_in_dim3A_285 = vector.broadcast %broadcast_in_dim3A_284 : vector<1x320xf32> to vector<64x320xf32>
      %iota3A = tpu.iota {dimensions = array<i32: 0>} : vector<64x320xi32>
      %slice3A_286 = vector.extract_strided_slice %broadcast_in_dim3A_285 {offsets = [0, 1], sizes = [64, 319], strides = [1, 1]} : vector<64x320xf32> to vector<64x319xf32>
      %broadcast_in_dim3A_287 = arith.constant 0.000000e+00 : f32
      %broadcast_in_dim3A_288 = vector.broadcast %broadcast_in_dim3A_287 : f32 to vector<64x1xf32>
      %concatenate3A = tpu.concatenate %slice3A_286, %broadcast_in_dim3A_288 in 1 : vector<64x319xf32>, vector<64x1xf32> -> vector<64x320xf32>
      %shift_right_arithmetic3A = arith.constant 0 : i32
      %shift_right_arithmetic3A_289 = vector.broadcast %shift_right_arithmetic3A : i32 to vector<64x320xi32>
      %shift_right_arithmetic3A_290 = arith.shrsi %iota3A, %shift_right_arithmetic3A_289 : vector<64x320xi32>
      %and3A_291 = arith.constant 1 : i32
      %and3A_292 = vector.broadcast %and3A_291 : i32 to vector<64x320xi32>
      %and3A_293 = arith.andi %shift_right_arithmetic3A_290, %and3A_292 : vector<64x320xi32>
      %eq3A_294 = arith.constant 0 : i32
      %eq3A_295 = vector.broadcast %eq3A_294 : i32 to vector<64x320xi32>
      %eq3A_296 = arith.cmpi eq, %and3A_293, %eq3A_295 : vector<64x320xi32>
      %select_n3A = arith.select %eq3A_296, %concatenate3A, %broadcast_in_dim3A_285 : vector<64x320xi1>, vector<64x320xf32>
      %slice3A_297 = vector.extract_strided_slice %select_n3A {offsets = [0, 2], sizes = [64, 318], strides = [1, 1]} : vector<64x320xf32> to vector<64x318xf32>
      %broadcast_in_dim3A_298 = arith.constant 0.000000e+00 : f32
      %broadcast_in_dim3A_299 = vector.broadcast %broadcast_in_dim3A_298 : f32 to vector<64x2xf32>
      %concatenate3A_300 = tpu.concatenate %slice3A_297, %broadcast_in_dim3A_299 in 1 : vector<64x318xf32>, vector<64x2xf32> -> vector<64x320xf32>
      %shift_right_arithmetic3A_301 = arith.constant 1 : i32
      %shift_right_arithmetic3A_302 = vector.broadcast %shift_right_arithmetic3A_301 : i32 to vector<64x320xi32>
      %shift_right_arithmetic3A_303 = arith.shrsi %iota3A, %shift_right_arithmetic3A_302 : vector<64x320xi32>
      %and3A_304 = arith.constant 1 : i32
      %and3A_305 = vector.broadcast %and3A_304 : i32 to vector<64x320xi32>
      %and3A_306 = arith.andi %shift_right_arithmetic3A_303, %and3A_305 : vector<64x320xi32>
      %eq3A_307 = arith.constant 0 : i32
      %eq3A_308 = vector.broadcast %eq3A_307 : i32 to vector<64x320xi32>
      %eq3A_309 = arith.cmpi eq, %and3A_306, %eq3A_308 : vector<64x320xi32>
      %select_n3A_310 = arith.select %eq3A_309, %concatenate3A_300, %select_n3A : vector<64x320xi1>, vector<64x320xf32>
      %slice3A_311 = vector.extract_strided_slice %select_n3A_310 {offsets = [0, 4], sizes = [64, 316], strides = [1, 1]} : vector<64x320xf32> to vector<64x316xf32>
      %broadcast_in_dim3A_312 = arith.constant 0.000000e+00 : f32
      %broadcast_in_dim3A_313 = vector.broadcast %broadcast_in_dim3A_312 : f32 to vector<64x4xf32>
      %concatenate3A_314 = tpu.concatenate %slice3A_311, %broadcast_in_dim3A_313 in 1 : vector<64x316xf32>, vector<64x4xf32> -> vector<64x320xf32>
      %shift_right_arithmetic3A_315 = arith.constant 2 : i32
      %shift_right_arithmetic3A_316 = vector.broadcast %shift_right_arithmetic3A_315 : i32 to vector<64x320xi32>
      %shift_right_arithmetic3A_317 = arith.shrsi %iota3A, %shift_right_arithmetic3A_316 : vector<64x320xi32>
      %and3A_318 = arith.constant 1 : i32
      %and3A_319 = vector.broadcast %and3A_318 : i32 to vector<64x320xi32>
      %and3A_320 = arith.andi %shift_right_arithmetic3A_317, %and3A_319 : vector<64x320xi32>
      %eq3A_321 = arith.constant 0 : i32
      %eq3A_322 = vector.broadcast %eq3A_321 : i32 to vector<64x320xi32>
      %eq3A_323 = arith.cmpi eq, %and3A_320, %eq3A_322 : vector<64x320xi32>
      %select_n3A_324 = arith.select %eq3A_323, %concatenate3A_314, %select_n3A_310 : vector<64x320xi1>, vector<64x320xf32>
      %slice3A_325 = vector.extract_strided_slice %select_n3A_324 {offsets = [0, 8], sizes = [64, 312], strides = [1, 1]} : vector<64x320xf32> to vector<64x312xf32>
      %broadcast_in_dim3A_326 = arith.constant 0.000000e+00 : f32
      %broadcast_in_dim3A_327 = vector.broadcast %broadcast_in_dim3A_326 : f32 to vector<64x8xf32>
      %concatenate3A_328 = tpu.concatenate %slice3A_325, %broadcast_in_dim3A_327 in 1 : vector<64x312xf32>, vector<64x8xf32> -> vector<64x320xf32>
      %shift_right_arithmetic3A_329 = arith.constant 3 : i32
      %shift_right_arithmetic3A_330 = vector.broadcast %shift_right_arithmetic3A_329 : i32 to vector<64x320xi32>
      %shift_right_arithmetic3A_331 = arith.shrsi %iota3A, %shift_right_arithmetic3A_330 : vector<64x320xi32>
      %and3A_332 = arith.constant 1 : i32
      %and3A_333 = vector.broadcast %and3A_332 : i32 to vector<64x320xi32>
      %and3A_334 = arith.andi %shift_right_arithmetic3A_331, %and3A_333 : vector<64x320xi32>
      %eq3A_335 = arith.constant 0 : i32
      %eq3A_336 = vector.broadcast %eq3A_335 : i32 to vector<64x320xi32>
      %eq3A_337 = arith.cmpi eq, %and3A_334, %eq3A_336 : vector<64x320xi32>
      %select_n3A_338 = arith.select %eq3A_337, %concatenate3A_328, %select_n3A_324 : vector<64x320xi1>, vector<64x320xf32>
      %slice3A_339 = vector.extract_strided_slice %select_n3A_338 {offsets = [0, 16], sizes = [64, 304], strides = [1, 1]} : vector<64x320xf32> to vector<64x304xf32>
      %broadcast_in_dim3A_340 = arith.constant 0.000000e+00 : f32
      %broadcast_in_dim3A_341 = vector.broadcast %broadcast_in_dim3A_340 : f32 to vector<64x16xf32>
      %concatenate3A_342 = tpu.concatenate %slice3A_339, %broadcast_in_dim3A_341 in 1 : vector<64x304xf32>, vector<64x16xf32> -> vector<64x320xf32>
      %shift_right_arithmetic3A_343 = arith.constant 4 : i32
      %shift_right_arithmetic3A_344 = vector.broadcast %shift_right_arithmetic3A_343 : i32 to vector<64x320xi32>
      %shift_right_arithmetic3A_345 = arith.shrsi %iota3A, %shift_right_arithmetic3A_344 : vector<64x320xi32>
      %and3A_346 = arith.constant 1 : i32
      %and3A_347 = vector.broadcast %and3A_346 : i32 to vector<64x320xi32>
      %and3A_348 = arith.andi %shift_right_arithmetic3A_345, %and3A_347 : vector<64x320xi32>
      %eq3A_349 = arith.constant 0 : i32
      %eq3A_350 = vector.broadcast %eq3A_349 : i32 to vector<64x320xi32>
      %eq3A_351 = arith.cmpi eq, %and3A_348, %eq3A_350 : vector<64x320xi32>
      %select_n3A_352 = arith.select %eq3A_351, %concatenate3A_342, %select_n3A_338 : vector<64x320xi1>, vector<64x320xf32>
      %slice3A_353 = vector.extract_strided_slice %select_n3A_352 {offsets = [0, 32], sizes = [64, 288], strides = [1, 1]} : vector<64x320xf32> to vector<64x288xf32>
      %broadcast_in_dim3A_354 = arith.constant 0.000000e+00 : f32
      %broadcast_in_dim3A_355 = vector.broadcast %broadcast_in_dim3A_354 : f32 to vector<64x32xf32>
      %concatenate3A_356 = tpu.concatenate %slice3A_353, %broadcast_in_dim3A_355 in 1 : vector<64x288xf32>, vector<64x32xf32> -> vector<64x320xf32>
      %shift_right_arithmetic3A_357 = arith.constant 5 : i32
      %shift_right_arithmetic3A_358 = vector.broadcast %shift_right_arithmetic3A_357 : i32 to vector<64x320xi32>
      %shift_right_arithmetic3A_359 = arith.shrsi %iota3A, %shift_right_arithmetic3A_358 : vector<64x320xi32>
      %and3A_360 = arith.constant 1 : i32
      %and3A_361 = vector.broadcast %and3A_360 : i32 to vector<64x320xi32>
      %and3A_362 = arith.andi %shift_right_arithmetic3A_359, %and3A_361 : vector<64x320xi32>
      %eq3A_363 = arith.constant 0 : i32
      %eq3A_364 = vector.broadcast %eq3A_363 : i32 to vector<64x320xi32>
      %eq3A_365 = arith.cmpi eq, %and3A_362, %eq3A_364 : vector<64x320xi32>
      %select_n3A_366 = arith.select %eq3A_365, %concatenate3A_356, %select_n3A_352 : vector<64x320xi1>, vector<64x320xf32>
      %slice3A_367 = vector.extract_strided_slice %select_n3A_366 {offsets = [0, 0], sizes = [64, 256], strides = [1, 1]} : vector<64x320xf32> to vector<64x256xf32>
      %sub3A_368 = arith.constant 1 : i32
      %sub3A_369 = arith.subi %sub3A_368, %rem3A_0 : i32
      %swap3A_370 = arith.index_cast %sub3A_369 : i32 to index
      %swap3A_371 = arith.constant 2 : index
      %swap3A_372 = arith.constant 0 : index
      %swap3A_373 = arith.constant 0 : index
      %swap3A_374 = vector.load %arg4[%swap3A_370, %swap3A_371, %swap3A_372, %swap3A_373] : memref<2x3x256x256xf32, #tpu.memory_space<vmem>>, vector<1x1x64x256xf32>
      %swap3A_375 = vector.shape_cast %swap3A_374 : vector<1x1x64x256xf32> to vector<64x256xf32>
      %swap3A_376 = vector.shape_cast %slice3A_367 : vector<64x256xf32> to vector<1x1x64x256xf32>
      tpu.vector_store %arg4[%swap3A_370, %swap3A_371, %swap3A_372, %swap3A_373], %swap3A_376 {strides = array<i32>} : memref<2x3x256x256xf32, #tpu.memory_space<vmem>>, vector<1x1x64x256xf32>,
      %get3A_377 = arith.constant 0 : index
      %get3A_378 = arith.constant 0 : index
      %get3A_379 = arith.constant 0 : index
      %get3A_380 = vector.load %arg2[%get3A_377, %get3A_378, %get3A_379] : memref<1x1x1024xf32, #tpu.memory_space<vmem>>, vector<1x1x1024xf32>
      %get3A_381 = vector.shape_cast %get3A_380 : vector<1x1x1024xf32> to vector<1024xf32>
      %slice3A_382 = vector.extract_strided_slice %get3A_381 {offsets = [128], sizes = [320], strides = [1]} : vector<1024xf32> to vector<320xf32>
      %broadcast_in_dim3A_383 = vector.shape_cast %slice3A_382 : vector<320xf32> to vector<1x320xf32>
      %broadcast_in_dim3A_384 = vector.shape_cast %broadcast_in_dim3A_383 : vector<1x320xf32> to vector<1x320xf32>
      %broadcast_in_dim3A_385 = vector.broadcast %broadcast_in_dim3A_384 : vector<1x320xf32> to vector<64x320xf32>
      %iota3A_386 = tpu.iota {dimensions = array<i32: 0>} : vector<64x320xi32>
      %slice3A_387 = vector.extract_strided_slice %broadcast_in_dim3A_385 {offsets = [0, 1], sizes = [64, 319], strides = [1, 1]} : vector<64x320xf32> to vector<64x319xf32>
      %broadcast_in_dim3A_388 = arith.constant 0.000000e+00 : f32
      %broadcast_in_dim3A_389 = vector.broadcast %broadcast_in_dim3A_388 : f32 to vector<64x1xf32>
      %concatenate3A_390 = tpu.concatenate %slice3A_387, %broadcast_in_dim3A_389 in 1 : vector<64x319xf32>, vector<64x1xf32> -> vector<64x320xf32>
      %shift_right_arithmetic3A_391 = arith.constant 0 : i32
      %shift_right_arithmetic3A_392 = vector.broadcast %shift_right_arithmetic3A_391 : i32 to vector<64x320xi32>
      %shift_right_arithmetic3A_393 = arith.shrsi %iota3A_386, %shift_right_arithmetic3A_392 : vector<64x320xi32>
      %and3A_394 = arith.constant 1 : i32
      %and3A_395 = vector.broadcast %and3A_394 : i32 to vector<64x320xi32>
      %and3A_396 = arith.andi %shift_right_arithmetic3A_393, %and3A_395 : vector<64x320xi32>
      %eq3A_397 = arith.constant 0 : i32
      %eq3A_398 = vector.broadcast %eq3A_397 : i32 to vector<64x320xi32>
      %eq3A_399 = arith.cmpi eq, %and3A_396, %eq3A_398 : vector<64x320xi32>
      %select_n3A_400 = arith.select %eq3A_399, %concatenate3A_390, %broadcast_in_dim3A_385 : vector<64x320xi1>, vector<64x320xf32>
      %slice3A_401 = vector.extract_strided_slice %select_n3A_400 {offsets = [0, 2], sizes = [64, 318], strides = [1, 1]} : vector<64x320xf32> to vector<64x318xf32>
      %broadcast_in_dim3A_402 = arith.constant 0.000000e+00 : f32
      %broadcast_in_dim3A_403 = vector.broadcast %broadcast_in_dim3A_402 : f32 to vector<64x2xf32>
      %concatenate3A_404 = tpu.concatenate %slice3A_401, %broadcast_in_dim3A_403 in 1 : vector<64x318xf32>, vector<64x2xf32> -> vector<64x320xf32>
      %shift_right_arithmetic3A_405 = arith.constant 1 : i32
      %shift_right_arithmetic3A_406 = vector.broadcast %shift_right_arithmetic3A_405 : i32 to vector<64x320xi32>
      %shift_right_arithmetic3A_407 = arith.shrsi %iota3A_386, %shift_right_arithmetic3A_406 : vector<64x320xi32>
      %and3A_408 = arith.constant 1 : i32
      %and3A_409 = vector.broadcast %and3A_408 : i32 to vector<64x320xi32>
      %and3A_410 = arith.andi %shift_right_arithmetic3A_407, %and3A_409 : vector<64x320xi32>
      %eq3A_411 = arith.constant 0 : i32
      %eq3A_412 = vector.broadcast %eq3A_411 : i32 to vector<64x320xi32>
      %eq3A_413 = arith.cmpi eq, %and3A_410, %eq3A_412 : vector<64x320xi32>
      %select_n3A_414 = arith.select %eq3A_413, %concatenate3A_404, %select_n3A_400 : vector<64x320xi1>, vector<64x320xf32>
      %slice3A_415 = vector.extract_strided_slice %select_n3A_414 {offsets = [0, 4], sizes = [64, 316], strides = [1, 1]} : vector<64x320xf32> to vector<64x316xf32>
      %broadcast_in_dim3A_416 = arith.constant 0.000000e+00 : f32
      %broadcast_in_dim3A_417 = vector.broadcast %broadcast_in_dim3A_416 : f32 to vector<64x4xf32>
      %concatenate3A_418 = tpu.concatenate %slice3A_415, %broadcast_in_dim3A_417 in 1 : vector<64x316xf32>, vector<64x4xf32> -> vector<64x320xf32>
      %shift_right_arithmetic3A_419 = arith.constant 2 : i32
      %shift_right_arithmetic3A_420 = vector.broadcast %shift_right_arithmetic3A_419 : i32 to vector<64x320xi32>
      %shift_right_arithmetic3A_421 = arith.shrsi %iota3A_386, %shift_right_arithmetic3A_420 : vector<64x320xi32>
      %and3A_422 = arith.constant 1 : i32
      %and3A_423 = vector.broadcast %and3A_422 : i32 to vector<64x320xi32>
      %and3A_424 = arith.andi %shift_right_arithmetic3A_421, %and3A_423 : vector<64x320xi32>
      %eq3A_425 = arith.constant 0 : i32
      %eq3A_426 = vector.broadcast %eq3A_425 : i32 to vector<64x320xi32>
      %eq3A_427 = arith.cmpi eq, %and3A_424, %eq3A_426 : vector<64x320xi32>
      %select_n3A_428 = arith.select %eq3A_427, %concatenate3A_418, %select_n3A_414 : vector<64x320xi1>, vector<64x320xf32>
      %slice3A_429 = vector.extract_strided_slice %select_n3A_428 {offsets = [0, 8], sizes = [64, 312], strides = [1, 1]} : vector<64x320xf32> to vector<64x312xf32>
      %broadcast_in_dim3A_430 = arith.constant 0.000000e+00 : f32
      %broadcast_in_dim3A_431 = vector.broadcast %broadcast_in_dim3A_430 : f32 to vector<64x8xf32>
      %concatenate3A_432 = tpu.concatenate %slice3A_429, %broadcast_in_dim3A_431 in 1 : vector<64x312xf32>, vector<64x8xf32> -> vector<64x320xf32>
      %shift_right_arithmetic3A_433 = arith.constant 3 : i32
      %shift_right_arithmetic3A_434 = vector.broadcast %shift_right_arithmetic3A_433 : i32 to vector<64x320xi32>
      %shift_right_arithmetic3A_435 = arith.shrsi %iota3A_386, %shift_right_arithmetic3A_434 : vector<64x320xi32>
      %and3A_436 = arith.constant 1 : i32
      %and3A_437 = vector.broadcast %and3A_436 : i32 to vector<64x320xi32>
      %and3A_438 = arith.andi %shift_right_arithmetic3A_435, %and3A_437 : vector<64x320xi32>
      %eq3A_439 = arith.constant 0 : i32
      %eq3A_440 = vector.broadcast %eq3A_439 : i32 to vector<64x320xi32>
      %eq3A_441 = arith.cmpi eq, %and3A_438, %eq3A_440 : vector<64x320xi32>
      %select_n3A_442 = arith.select %eq3A_441, %concatenate3A_432, %select_n3A_428 : vector<64x320xi1>, vector<64x320xf32>
      %slice3A_443 = vector.extract_strided_slice %select_n3A_442 {offsets = [0, 16], sizes = [64, 304], strides = [1, 1]} : vector<64x320xf32> to vector<64x304xf32>
      %broadcast_in_dim3A_444 = arith.constant 0.000000e+00 : f32
      %broadcast_in_dim3A_445 = vector.broadcast %broadcast_in_dim3A_444 : f32 to vector<64x16xf32>
      %concatenate3A_446 = tpu.concatenate %slice3A_443, %broadcast_in_dim3A_445 in 1 : vector<64x304xf32>, vector<64x16xf32> -> vector<64x320xf32>
      %shift_right_arithmetic3A_447 = arith.constant 4 : i32
      %shift_right_arithmetic3A_448 = vector.broadcast %shift_right_arithmetic3A_447 : i32 to vector<64x320xi32>
      %shift_right_arithmetic3A_449 = arith.shrsi %iota3A_386, %shift_right_arithmetic3A_448 : vector<64x320xi32>
      %and3A_450 = arith.constant 1 : i32
      %and3A_451 = vector.broadcast %and3A_450 : i32 to vector<64x320xi32>
      %and3A_452 = arith.andi %shift_right_arithmetic3A_449, %and3A_451 : vector<64x320xi32>
      %eq3A_453 = arith.constant 0 : i32
      %eq3A_454 = vector.broadcast %eq3A_453 : i32 to vector<64x320xi32>
      %eq3A_455 = arith.cmpi eq, %and3A_452, %eq3A_454 : vector<64x320xi32>
      %select_n3A_456 = arith.select %eq3A_455, %concatenate3A_446, %select_n3A_442 : vector<64x320xi1>, vector<64x320xf32>
      %slice3A_457 = vector.extract_strided_slice %select_n3A_456 {offsets = [0, 32], sizes = [64, 288], strides = [1, 1]} : vector<64x320xf32> to vector<64x288xf32>
      %broadcast_in_dim3A_458 = arith.constant 0.000000e+00 : f32
      %broadcast_in_dim3A_459 = vector.broadcast %broadcast_in_dim3A_458 : f32 to vector<64x32xf32>
      %concatenate3A_460 = tpu.concatenate %slice3A_457, %broadcast_in_dim3A_459 in 1 : vector<64x288xf32>, vector<64x32xf32> -> vector<64x320xf32>
      %shift_right_arithmetic3A_461 = arith.constant 5 : i32
      %shift_right_arithmetic3A_462 = vector.broadcast %shift_right_arithmetic3A_461 : i32 to vector<64x320xi32>
      %shift_right_arithmetic3A_463 = arith.shrsi %iota3A_386, %shift_right_arithmetic3A_462 : vector<64x320xi32>
      %and3A_464 = arith.constant 1 : i32
      %and3A_465 = vector.broadcast %and3A_464 : i32 to vector<64x320xi32>
      %and3A_466 = arith.andi %shift_right_arithmetic3A_463, %and3A_465 : vector<64x320xi32>
      %eq3A_467 = arith.constant 0 : i32
      %eq3A_468 = vector.broadcast %eq3A_467 : i32 to vector<64x320xi32>
      %eq3A_469 = arith.cmpi eq, %and3A_466, %eq3A_468 : vector<64x320xi32>
      %select_n3A_470 = arith.select %eq3A_469, %concatenate3A_460, %select_n3A_456 : vector<64x320xi1>, vector<64x320xf32>
      %slice3A_471 = vector.extract_strided_slice %select_n3A_470 {offsets = [0, 0], sizes = [64, 256], strides = [1, 1]} : vector<64x320xf32> to vector<64x256xf32>
      %sub3A_472 = arith.constant 1 : i32
      %sub3A_473 = arith.subi %sub3A_472, %rem3A_0 : i32
      %swap3A_474 = arith.index_cast %sub3A_473 : i32 to index
      %swap3A_475 = arith.constant 2 : index
      %swap3A_476 = arith.constant 64 : index
      %swap3A_477 = arith.constant 0 : index
      %swap3A_478 = vector.load %arg4[%swap3A_474, %swap3A_475, %swap3A_476, %swap3A_477] : memref<2x3x256x256xf32, #tpu.memory_space<vmem>>, vector<1x1x64x256xf32>
      %swap3A_479 = vector.shape_cast %swap3A_478 : vector<1x1x64x256xf32> to vector<64x256xf32>
      %swap3A_480 = vector.shape_cast %slice3A_471 : vector<64x256xf32> to vector<1x1x64x256xf32>
      tpu.vector_store %arg4[%swap3A_474, %swap3A_475, %swap3A_476, %swap3A_477], %swap3A_480 {strides = array<i32>} : memref<2x3x256x256xf32, #tpu.memory_space<vmem>>, vector<1x1x64x256xf32>,
      %get3A_481 = arith.constant 0 : index
      %get3A_482 = arith.constant 0 : index
      %get3A_483 = arith.constant 0 : index
      %get3A_484 = vector.load %arg2[%get3A_481, %get3A_482, %get3A_483] : memref<1x1x1024xf32, #tpu.memory_space<vmem>>, vector<1x1x1024xf32>
      %get3A_485 = vector.shape_cast %get3A_484 : vector<1x1x1024xf32> to vector<1024xf32>
      %slice3A_486 = vector.extract_strided_slice %get3A_485 {offsets = [64], sizes = [320], strides = [1]} : vector<1024xf32> to vector<320xf32>
      %broadcast_in_dim3A_487 = vector.shape_cast %slice3A_486 : vector<320xf32> to vector<1x320xf32>
      %broadcast_in_dim3A_488 = vector.shape_cast %broadcast_in_dim3A_487 : vector<1x320xf32> to vector<1x320xf32>
      %broadcast_in_dim3A_489 = vector.broadcast %broadcast_in_dim3A_488 : vector<1x320xf32> to vector<64x320xf32>
      %iota3A_490 = tpu.iota {dimensions = array<i32: 0>} : vector<64x320xi32>
      %slice3A_491 = vector.extract_strided_slice %broadcast_in_dim3A_489 {offsets = [0, 1], sizes = [64, 319], strides = [1, 1]} : vector<64x320xf32> to vector<64x319xf32>
      %broadcast_in_dim3A_492 = arith.constant 0.000000e+00 : f32
      %broadcast_in_dim3A_493 = vector.broadcast %broadcast_in_dim3A_492 : f32 to vector<64x1xf32>
      %concatenate3A_494 = tpu.concatenate %slice3A_491, %broadcast_in_dim3A_493 in 1 : vector<64x319xf32>, vector<64x1xf32> -> vector<64x320xf32>
      %shift_right_arithmetic3A_495 = arith.constant 0 : i32
      %shift_right_arithmetic3A_496 = vector.broadcast %shift_right_arithmetic3A_495 : i32 to vector<64x320xi32>
      %shift_right_arithmetic3A_497 = arith.shrsi %iota3A_490, %shift_right_arithmetic3A_496 : vector<64x320xi32>
      %and3A_498 = arith.constant 1 : i32
      %and3A_499 = vector.broadcast %and3A_498 : i32 to vector<64x320xi32>
      %and3A_500 = arith.andi %shift_right_arithmetic3A_497, %and3A_499 : vector<64x320xi32>
      %eq3A_501 = arith.constant 0 : i32
      %eq3A_502 = vector.broadcast %eq3A_501 : i32 to vector<64x320xi32>
      %eq3A_503 = arith.cmpi eq, %and3A_500, %eq3A_502 : vector<64x320xi32>
      %select_n3A_504 = arith.select %eq3A_503, %concatenate3A_494, %broadcast_in_dim3A_489 : vector<64x320xi1>, vector<64x320xf32>
      %slice3A_505 = vector.extract_strided_slice %select_n3A_504 {offsets = [0, 2], sizes = [64, 318], strides = [1, 1]} : vector<64x320xf32> to vector<64x318xf32>
      %broadcast_in_dim3A_506 = arith.constant 0.000000e+00 : f32
      %broadcast_in_dim3A_507 = vector.broadcast %broadcast_in_dim3A_506 : f32 to vector<64x2xf32>
      %concatenate3A_508 = tpu.concatenate %slice3A_505, %broadcast_in_dim3A_507 in 1 : vector<64x318xf32>, vector<64x2xf32> -> vector<64x320xf32>
      %shift_right_arithmetic3A_509 = arith.constant 1 : i32
      %shift_right_arithmetic3A_510 = vector.broadcast %shift_right_arithmetic3A_509 : i32 to vector<64x320xi32>
      %shift_right_arithmetic3A_511 = arith.shrsi %iota3A_490, %shift_right_arithmetic3A_510 : vector<64x320xi32>
      %and3A_512 = arith.constant 1 : i32
      %and3A_513 = vector.broadcast %and3A_512 : i32 to vector<64x320xi32>
      %and3A_514 = arith.andi %shift_right_arithmetic3A_511, %and3A_513 : vector<64x320xi32>
      %eq3A_515 = arith.constant 0 : i32
      %eq3A_516 = vector.broadcast %eq3A_515 : i32 to vector<64x320xi32>
      %eq3A_517 = arith.cmpi eq, %and3A_514, %eq3A_516 : vector<64x320xi32>
      %select_n3A_518 = arith.select %eq3A_517, %concatenate3A_508, %select_n3A_504 : vector<64x320xi1>, vector<64x320xf32>
      %slice3A_519 = vector.extract_strided_slice %select_n3A_518 {offsets = [0, 4], sizes = [64, 316], strides = [1, 1]} : vector<64x320xf32> to vector<64x316xf32>
      %broadcast_in_dim3A_520 = arith.constant 0.000000e+00 : f32
      %broadcast_in_dim3A_521 = vector.broadcast %broadcast_in_dim3A_520 : f32 to vector<64x4xf32>
      %concatenate3A_522 = tpu.concatenate %slice3A_519, %broadcast_in_dim3A_521 in 1 : vector<64x316xf32>, vector<64x4xf32> -> vector<64x320xf32>
      %shift_right_arithmetic3A_523 = arith.constant 2 : i32
      %shift_right_arithmetic3A_524 = vector.broadcast %shift_right_arithmetic3A_523 : i32 to vector<64x320xi32>
      %shift_right_arithmetic3A_525 = arith.shrsi %iota3A_490, %shift_right_arithmetic3A_524 : vector<64x320xi32>
      %and3A_526 = arith.constant 1 : i32
      %and3A_527 = vector.broadcast %and3A_526 : i32 to vector<64x320xi32>
      %and3A_528 = arith.andi %shift_right_arithmetic3A_525, %and3A_527 : vector<64x320xi32>
      %eq3A_529 = arith.constant 0 : i32
      %eq3A_530 = vector.broadcast %eq3A_529 : i32 to vector<64x320xi32>
      %eq3A_531 = arith.cmpi eq, %and3A_528, %eq3A_530 : vector<64x320xi32>
      %select_n3A_532 = arith.select %eq3A_531, %concatenate3A_522, %select_n3A_518 : vector<64x320xi1>, vector<64x320xf32>
      %slice3A_533 = vector.extract_strided_slice %select_n3A_532 {offsets = [0, 8], sizes = [64, 312], strides = [1, 1]} : vector<64x320xf32> to vector<64x312xf32>
      %broadcast_in_dim3A_534 = arith.constant 0.000000e+00 : f32
      %broadcast_in_dim3A_535 = vector.broadcast %broadcast_in_dim3A_534 : f32 to vector<64x8xf32>
      %concatenate3A_536 = tpu.concatenate %slice3A_533, %broadcast_in_dim3A_535 in 1 : vector<64x312xf32>, vector<64x8xf32> -> vector<64x320xf32>
      %shift_right_arithmetic3A_537 = arith.constant 3 : i32
      %shift_right_arithmetic3A_538 = vector.broadcast %shift_right_arithmetic3A_537 : i32 to vector<64x320xi32>
      %shift_right_arithmetic3A_539 = arith.shrsi %iota3A_490, %shift_right_arithmetic3A_538 : vector<64x320xi32>
      %and3A_540 = arith.constant 1 : i32
      %and3A_541 = vector.broadcast %and3A_540 : i32 to vector<64x320xi32>
      %and3A_542 = arith.andi %shift_right_arithmetic3A_539, %and3A_541 : vector<64x320xi32>
      %eq3A_543 = arith.constant 0 : i32
      %eq3A_544 = vector.broadcast %eq3A_543 : i32 to vector<64x320xi32>
      %eq3A_545 = arith.cmpi eq, %and3A_542, %eq3A_544 : vector<64x320xi32>
      %select_n3A_546 = arith.select %eq3A_545, %concatenate3A_536, %select_n3A_532 : vector<64x320xi1>, vector<64x320xf32>
      %slice3A_547 = vector.extract_strided_slice %select_n3A_546 {offsets = [0, 16], sizes = [64, 304], strides = [1, 1]} : vector<64x320xf32> to vector<64x304xf32>
      %broadcast_in_dim3A_548 = arith.constant 0.000000e+00 : f32
      %broadcast_in_dim3A_549 = vector.broadcast %broadcast_in_dim3A_548 : f32 to vector<64x16xf32>
      %concatenate3A_550 = tpu.concatenate %slice3A_547, %broadcast_in_dim3A_549 in 1 : vector<64x304xf32>, vector<64x16xf32> -> vector<64x320xf32>
      %shift_right_arithmetic3A_551 = arith.constant 4 : i32
      %shift_right_arithmetic3A_552 = vector.broadcast %shift_right_arithmetic3A_551 : i32 to vector<64x320xi32>
      %shift_right_arithmetic3A_553 = arith.shrsi %iota3A_490, %shift_right_arithmetic3A_552 : vector<64x320xi32>
      %and3A_554 = arith.constant 1 : i32
      %and3A_555 = vector.broadcast %and3A_554 : i32 to vector<64x320xi32>
      %and3A_556 = arith.andi %shift_right_arithmetic3A_553, %and3A_555 : vector<64x320xi32>
      %eq3A_557 = arith.constant 0 : i32
      %eq3A_558 = vector.broadcast %eq3A_557 : i32 to vector<64x320xi32>
      %eq3A_559 = arith.cmpi eq, %and3A_556, %eq3A_558 : vector<64x320xi32>
      %select_n3A_560 = arith.select %eq3A_559, %concatenate3A_550, %select_n3A_546 : vector<64x320xi1>, vector<64x320xf32>
      %slice3A_561 = vector.extract_strided_slice %select_n3A_560 {offsets = [0, 32], sizes = [64, 288], strides = [1, 1]} : vector<64x320xf32> to vector<64x288xf32>
      %broadcast_in_dim3A_562 = arith.constant 0.000000e+00 : f32
      %broadcast_in_dim3A_563 = vector.broadcast %broadcast_in_dim3A_562 : f32 to vector<64x32xf32>
      %concatenate3A_564 = tpu.concatenate %slice3A_561, %broadcast_in_dim3A_563 in 1 : vector<64x288xf32>, vector<64x32xf32> -> vector<64x320xf32>
      %shift_right_arithmetic3A_565 = arith.constant 5 : i32
      %shift_right_arithmetic3A_566 = vector.broadcast %shift_right_arithmetic3A_565 : i32 to vector<64x320xi32>
      %shift_right_arithmetic3A_567 = arith.shrsi %iota3A_490, %shift_right_arithmetic3A_566 : vector<64x320xi32>
      %and3A_568 = arith.constant 1 : i32
      %and3A_569 = vector.broadcast %and3A_568 : i32 to vector<64x320xi32>
      %and3A_570 = arith.andi %shift_right_arithmetic3A_567, %and3A_569 : vector<64x320xi32>
      %eq3A_571 = arith.constant 0 : i32
      %eq3A_572 = vector.broadcast %eq3A_571 : i32 to vector<64x320xi32>
      %eq3A_573 = arith.cmpi eq, %and3A_570, %eq3A_572 : vector<64x320xi32>
      %select_n3A_574 = arith.select %eq3A_573, %concatenate3A_564, %select_n3A_560 : vector<64x320xi1>, vector<64x320xf32>
      %slice3A_575 = vector.extract_strided_slice %select_n3A_574 {offsets = [0, 0], sizes = [64, 256], strides = [1, 1]} : vector<64x320xf32> to vector<64x256xf32>
      %sub3A_576 = arith.constant 1 : i32
      %sub3A_577 = arith.subi %sub3A_576, %rem3A_0 : i32
      %swap3A_578 = arith.index_cast %sub3A_577 : i32 to index
      %swap3A_579 = arith.constant 2 : index
      %swap3A_580 = arith.constant 128 : index
      %swap3A_581 = arith.constant 0 : index
      %swap3A_582 = vector.load %arg4[%swap3A_578, %swap3A_579, %swap3A_580, %swap3A_581] : memref<2x3x256x256xf32, #tpu.memory_space<vmem>>, vector<1x1x64x256xf32>
      %swap3A_583 = vector.shape_cast %swap3A_582 : vector<1x1x64x256xf32> to vector<64x256xf32>
      %swap3A_584 = vector.shape_cast %slice3A_575 : vector<64x256xf32> to vector<1x1x64x256xf32>
      tpu.vector_store %arg4[%swap3A_578, %swap3A_579, %swap3A_580, %swap3A_581], %swap3A_584 {strides = array<i32>} : memref<2x3x256x256xf32, #tpu.memory_space<vmem>>, vector<1x1x64x256xf32>,
      %get3A_585 = arith.constant 0 : index
      %get3A_586 = arith.constant 0 : index
      %get3A_587 = arith.constant 0 : index
      %get3A_588 = vector.load %arg2[%get3A_585, %get3A_586, %get3A_587] : memref<1x1x1024xf32, #tpu.memory_space<vmem>>, vector<1x1x1024xf32>
      %get3A_589 = vector.shape_cast %get3A_588 : vector<1x1x1024xf32> to vector<1024xf32>
      %slice3A_590 = vector.extract_strided_slice %get3A_589 {offsets = [0], sizes = [320], strides = [1]} : vector<1024xf32> to vector<320xf32>
      %broadcast_in_dim3A_591 = vector.shape_cast %slice3A_590 : vector<320xf32> to vector<1x320xf32>
      %broadcast_in_dim3A_592 = vector.shape_cast %broadcast_in_dim3A_591 : vector<1x320xf32> to vector<1x320xf32>
      %broadcast_in_dim3A_593 = vector.broadcast %broadcast_in_dim3A_592 : vector<1x320xf32> to vector<64x320xf32>
      %iota3A_594 = tpu.iota {dimensions = array<i32: 0>} : vector<64x320xi32>
      %slice3A_595 = vector.extract_strided_slice %broadcast_in_dim3A_593 {offsets = [0, 1], sizes = [64, 319], strides = [1, 1]} : vector<64x320xf32> to vector<64x319xf32>
      %broadcast_in_dim3A_596 = arith.constant 0.000000e+00 : f32
      %broadcast_in_dim3A_597 = vector.broadcast %broadcast_in_dim3A_596 : f32 to vector<64x1xf32>
      %concatenate3A_598 = tpu.concatenate %slice3A_595, %broadcast_in_dim3A_597 in 1 : vector<64x319xf32>, vector<64x1xf32> -> vector<64x320xf32>
      %shift_right_arithmetic3A_599 = arith.constant 0 : i32
      %shift_right_arithmetic3A_600 = vector.broadcast %shift_right_arithmetic3A_599 : i32 to vector<64x320xi32>
      %shift_right_arithmetic3A_601 = arith.shrsi %iota3A_594, %shift_right_arithmetic3A_600 : vector<64x320xi32>
      %and3A_602 = arith.constant 1 : i32
      %and3A_603 = vector.broadcast %and3A_602 : i32 to vector<64x320xi32>
      %and3A_604 = arith.andi %shift_right_arithmetic3A_601, %and3A_603 : vector<64x320xi32>
      %eq3A_605 = arith.constant 0 : i32
      %eq3A_606 = vector.broadcast %eq3A_605 : i32 to vector<64x320xi32>
      %eq3A_607 = arith.cmpi eq, %and3A_604, %eq3A_606 : vector<64x320xi32>
      %select_n3A_608 = arith.select %eq3A_607, %concatenate3A_598, %broadcast_in_dim3A_593 : vector<64x320xi1>, vector<64x320xf32>
      %slice3A_609 = vector.extract_strided_slice %select_n3A_608 {offsets = [0, 2], sizes = [64, 318], strides = [1, 1]} : vector<64x320xf32> to vector<64x318xf32>
      %broadcast_in_dim3A_610 = arith.constant 0.000000e+00 : f32
      %broadcast_in_dim3A_611 = vector.broadcast %broadcast_in_dim3A_610 : f32 to vector<64x2xf32>
      %concatenate3A_612 = tpu.concatenate %slice3A_609, %broadcast_in_dim3A_611 in 1 : vector<64x318xf32>, vector<64x2xf32> -> vector<64x320xf32>
      %shift_right_arithmetic3A_613 = arith.constant 1 : i32
      %shift_right_arithmetic3A_614 = vector.broadcast %shift_right_arithmetic3A_613 : i32 to vector<64x320xi32>
      %shift_right_arithmetic3A_615 = arith.shrsi %iota3A_594, %shift_right_arithmetic3A_614 : vector<64x320xi32>
      %and3A_616 = arith.constant 1 : i32
      %and3A_617 = vector.broadcast %and3A_616 : i32 to vector<64x320xi32>
      %and3A_618 = arith.andi %shift_right_arithmetic3A_615, %and3A_617 : vector<64x320xi32>
      %eq3A_619 = arith.constant 0 : i32
      %eq3A_620 = vector.broadcast %eq3A_619 : i32 to vector<64x320xi32>
      %eq3A_621 = arith.cmpi eq, %and3A_618, %eq3A_620 : vector<64x320xi32>
      %select_n3A_622 = arith.select %eq3A_621, %concatenate3A_612, %select_n3A_608 : vector<64x320xi1>, vector<64x320xf32>
      %slice3A_623 = vector.extract_strided_slice %select_n3A_622 {offsets = [0, 4], sizes = [64, 316], strides = [1, 1]} : vector<64x320xf32> to vector<64x316xf32>
      %broadcast_in_dim3A_624 = arith.constant 0.000000e+00 : f32
      %broadcast_in_dim3A_625 = vector.broadcast %broadcast_in_dim3A_624 : f32 to vector<64x4xf32>
      %concatenate3A_626 = tpu.concatenate %slice3A_623, %broadcast_in_dim3A_625 in 1 : vector<64x316xf32>, vector<64x4xf32> -> vector<64x320xf32>
      %shift_right_arithmetic3A_627 = arith.constant 2 : i32
      %shift_right_arithmetic3A_628 = vector.broadcast %shift_right_arithmetic3A_627 : i32 to vector<64x320xi32>
      %shift_right_arithmetic3A_629 = arith.shrsi %iota3A_594, %shift_right_arithmetic3A_628 : vector<64x320xi32>
      %and3A_630 = arith.constant 1 : i32
      %and3A_631 = vector.broadcast %and3A_630 : i32 to vector<64x320xi32>
      %and3A_632 = arith.andi %shift_right_arithmetic3A_629, %and3A_631 : vector<64x320xi32>
      %eq3A_633 = arith.constant 0 : i32
      %eq3A_634 = vector.broadcast %eq3A_633 : i32 to vector<64x320xi32>
      %eq3A_635 = arith.cmpi eq, %and3A_632, %eq3A_634 : vector<64x320xi32>
      %select_n3A_636 = arith.select %eq3A_635, %concatenate3A_626, %select_n3A_622 : vector<64x320xi1>, vector<64x320xf32>
      %slice3A_637 = vector.extract_strided_slice %select_n3A_636 {offsets = [0, 8], sizes = [64, 312], strides = [1, 1]} : vector<64x320xf32> to vector<64x312xf32>
      %broadcast_in_dim3A_638 = arith.constant 0.000000e+00 : f32
      %broadcast_in_dim3A_639 = vector.broadcast %broadcast_in_dim3A_638 : f32 to vector<64x8xf32>
      %concatenate3A_640 = tpu.concatenate %slice3A_637, %broadcast_in_dim3A_639 in 1 : vector<64x312xf32>, vector<64x8xf32> -> vector<64x320xf32>
      %shift_right_arithmetic3A_641 = arith.constant 3 : i32
      %shift_right_arithmetic3A_642 = vector.broadcast %shift_right_arithmetic3A_641 : i32 to vector<64x320xi32>
      %shift_right_arithmetic3A_643 = arith.shrsi %iota3A_594, %shift_right_arithmetic3A_642 : vector<64x320xi32>
      %and3A_644 = arith.constant 1 : i32
      %and3A_645 = vector.broadcast %and3A_644 : i32 to vector<64x320xi32>
      %and3A_646 = arith.andi %shift_right_arithmetic3A_643, %and3A_645 : vector<64x320xi32>
      %eq3A_647 = arith.constant 0 : i32
      %eq3A_648 = vector.broadcast %eq3A_647 : i32 to vector<64x320xi32>
      %eq3A_649 = arith.cmpi eq, %and3A_646, %eq3A_648 : vector<64x320xi32>
      %select_n3A_650 = arith.select %eq3A_649, %concatenate3A_640, %select_n3A_636 : vector<64x320xi1>, vector<64x320xf32>
      %slice3A_651 = vector.extract_strided_slice %select_n3A_650 {offsets = [0, 16], sizes = [64, 304], strides = [1, 1]} : vector<64x320xf32> to vector<64x304xf32>
      %broadcast_in_dim3A_652 = arith.constant 0.000000e+00 : f32
      %broadcast_in_dim3A_653 = vector.broadcast %broadcast_in_dim3A_652 : f32 to vector<64x16xf32>
      %concatenate3A_654 = tpu.concatenate %slice3A_651, %broadcast_in_dim3A_653 in 1 : vector<64x304xf32>, vector<64x16xf32> -> vector<64x320xf32>
      %shift_right_arithmetic3A_655 = arith.constant 4 : i32
      %shift_right_arithmetic3A_656 = vector.broadcast %shift_right_arithmetic3A_655 : i32 to vector<64x320xi32>
      %shift_right_arithmetic3A_657 = arith.shrsi %iota3A_594, %shift_right_arithmetic3A_656 : vector<64x320xi32>
      %and3A_658 = arith.constant 1 : i32
      %and3A_659 = vector.broadcast %and3A_658 : i32 to vector<64x320xi32>
      %and3A_660 = arith.andi %shift_right_arithmetic3A_657, %and3A_659 : vector<64x320xi32>
      %eq3A_661 = arith.constant 0 : i32
      %eq3A_662 = vector.broadcast %eq3A_661 : i32 to vector<64x320xi32>
      %eq3A_663 = arith.cmpi eq, %and3A_660, %eq3A_662 : vector<64x320xi32>
      %select_n3A_664 = arith.select %eq3A_663, %concatenate3A_654, %select_n3A_650 : vector<64x320xi1>, vector<64x320xf32>
      %slice3A_665 = vector.extract_strided_slice %select_n3A_664 {offsets = [0, 32], sizes = [64, 288], strides = [1, 1]} : vector<64x320xf32> to vector<64x288xf32>
      %broadcast_in_dim3A_666 = arith.constant 0.000000e+00 : f32
      %broadcast_in_dim3A_667 = vector.broadcast %broadcast_in_dim3A_666 : f32 to vector<64x32xf32>
      %concatenate3A_668 = tpu.concatenate %slice3A_665, %broadcast_in_dim3A_667 in 1 : vector<64x288xf32>, vector<64x32xf32> -> vector<64x320xf32>
      %shift_right_arithmetic3A_669 = arith.constant 5 : i32
      %shift_right_arithmetic3A_670 = vector.broadcast %shift_right_arithmetic3A_669 : i32 to vector<64x320xi32>
      %shift_right_arithmetic3A_671 = arith.shrsi %iota3A_594, %shift_right_arithmetic3A_670 : vector<64x320xi32>
      %and3A_672 = arith.constant 1 : i32
      %and3A_673 = vector.broadcast %and3A_672 : i32 to vector<64x320xi32>
      %and3A_674 = arith.andi %shift_right_arithmetic3A_671, %and3A_673 : vector<64x320xi32>
      %eq3A_675 = arith.constant 0 : i32
      %eq3A_676 = vector.broadcast %eq3A_675 : i32 to vector<64x320xi32>
      %eq3A_677 = arith.cmpi eq, %and3A_674, %eq3A_676 : vector<64x320xi32>
      %select_n3A_678 = arith.select %eq3A_677, %concatenate3A_668, %select_n3A_664 : vector<64x320xi1>, vector<64x320xf32>
      %slice3A_679 = vector.extract_strided_slice %select_n3A_678 {offsets = [0, 0], sizes = [64, 256], strides = [1, 1]} : vector<64x320xf32> to vector<64x256xf32>
      %sub3A_680 = arith.constant 1 : i32
      %sub3A_681 = arith.subi %sub3A_680, %rem3A_0 : i32
      %swap3A_682 = arith.index_cast %sub3A_681 : i32 to index
      %swap3A_683 = arith.constant 2 : index
      %swap3A_684 = arith.constant 192 : index
      %swap3A_685 = arith.constant 0 : index
      %swap3A_686 = vector.load %arg4[%swap3A_682, %swap3A_683, %swap3A_684, %swap3A_685] : memref<2x3x256x256xf32, #tpu.memory_space<vmem>>, vector<1x1x64x256xf32>
      %swap3A_687 = vector.shape_cast %swap3A_686 : vector<1x1x64x256xf32> to vector<64x256xf32>
      %swap3A_688 = vector.shape_cast %slice3A_679 : vector<64x256xf32> to vector<1x1x64x256xf32>
      tpu.vector_store %arg4[%swap3A_682, %swap3A_683, %swap3A_684, %swap3A_685], %swap3A_688 {strides = array<i32>} : memref<2x3x256x256xf32, #tpu.memory_space<vmem>>, vector<1x1x64x256xf32>,
    } else {
    }
    %get3A = arith.index_cast %rem3A_0 : i32 to index
    %get3A_28 = arith.constant 2 : index
    %get3A_29 = arith.constant 0 : index
    %get3A_30 = arith.constant 0 : index
    %get3A_31 = vector.load %arg4[%get3A, %get3A_28, %get3A_29, %get3A_30] : memref<2x3x256x256xf32, #tpu.memory_space<vmem>>, vector<1x1x1x1xf32>
    %get3A_32 = vector.shape_cast %get3A_31 : vector<1x1x1x1xf32> to vector<1x1xf32>
    %get3A_33 = arith.index_cast %rem3A_0 : i32 to index
    %get3A_34 = arith.constant 1 : index
    %get3A_35 = arith.constant 0 : index
    %get3A_36 = arith.constant 255 : index
    %get3A_37 = vector.load %arg4[%get3A_33, %get3A_34, %get3A_35, %get3A_36] : memref<2x3x256x256xf32, #tpu.memory_space<vmem>>, vector<1x1x1x1xf32>
    %get3A_38 = vector.shape_cast %get3A_37 : vector<1x1x1x1xf32> to vector<1x1xf32>
    %mul3A = arith.constant 2 : i32
    %mul3A_39 = arith.muli %mul3A, %arg1 : i32
    %add3A = arith.constant 0 : i32
    %add3A_40 = arith.addi %mul3A_39, %add3A : i32
    %sub3A = arith.constant 1 : i32
    %sub3A_41 = arith.subi %add3A_40, %sub3A : i32
    %gt3A = arith.constant 0 : i32
    %gt3A_42 = arith.cmpi sgt, %sub3A_41, %gt3A : i32
    %add3A_43 = arith.constant 1 : i32
    %add3A_44 = arith.addi %add3A_40, %add3A_43 : i32
    %lt3A_45 = arith.constant 0 : i32
    %lt3A_46 = arith.cmpi slt, %add3A_44, %lt3A_45 : i32
    %or3A = arith.ori %gt3A_42, %lt3A_46 : i1
    %convert_element_type3A_47 = arith.extui %or3A : i1 to i32
    %cond3A_48 = arith.constant 0 : i32
    %cond3A_49 = arith.cmpi ne, %convert_element_type3A_47, %cond3A_48 : i32
    scf.if %cond3A_49 {
      %gt3A_279 = arith.constant 0 : i32
      %gt3A_280 = arith.cmpi sgt, %add3A_40, %gt3A_279 : i32
      %select_n3A = arith.select %gt3A_280, %get3A_32, %get3A_38 : vector<1x1xf32>
      %broadcast_in_dim3A = vector.shape_cast %select_n3A : vector<1x1xf32> to vector<1x1xf32>
      %broadcast_in_dim3A_281 = vector.broadcast %broadcast_in_dim3A : vector<1x1xf32> to vector<256x256xf32>
      %swap3A_282 = arith.constant 0 : index
      %swap3A_283 = arith.constant 0 : index
      %swap3A_284 = arith.constant 0 : index
      %swap3A_285 = vector.load %arg3[%swap3A_282, %swap3A_283, %swap3A_284] : memref<1x512x2048xf32, #tpu.memory_space<vmem>>, vector<1x256x256xf32>
      %swap3A_286 = vector.shape_cast %swap3A_285 : vector<1x256x256xf32> to vector<256x256xf32>
      %swap3A_287 = vector.shape_cast %broadcast_in_dim3A_281 : vector<256x256xf32> to vector<1x256x256xf32>
      tpu.vector_store %arg3[%swap3A_282, %swap3A_283, %swap3A_284], %swap3A_287 {strides = array<i32>} : memref<1x512x2048xf32, #tpu.memory_space<vmem>>, vector<1x256x256xf32>,
    } else {
    }
    %sub3A_50 = arith.constant 1 : i32
    %sub3A_51 = arith.subi %add3A_40, %sub3A_50 : i32
    %gt3A_52 = arith.constant 1 : i32
    %gt3A_53 = arith.cmpi sgt, %sub3A_51, %gt3A_52 : i32
    %add3A_54 = arith.constant 1 : i32
    %add3A_55 = arith.addi %add3A_40, %add3A_54 : i32
    %lt3A_56 = arith.constant 1 : i32
    %lt3A_57 = arith.cmpi slt, %add3A_55, %lt3A_56 : i32
    %or3A_58 = arith.ori %gt3A_53, %lt3A_57 : i1
    %convert_element_type3A_59 = arith.extui %or3A_58 : i1 to i32
    %cond3A_60 = arith.constant 0 : i32
    %cond3A_61 = arith.cmpi ne, %convert_element_type3A_59, %cond3A_60 : i32
    scf.if %cond3A_61 {
      %gt3A_279 = arith.constant 1 : i32
      %gt3A_280 = arith.cmpi sgt, %add3A_40, %gt3A_279 : i32
      %select_n3A = arith.select %gt3A_280, %get3A_32, %get3A_38 : vector<1x1xf32>
      %broadcast_in_dim3A = vector.shape_cast %select_n3A : vector<1x1xf32> to vector<1x1xf32>
      %broadcast_in_dim3A_281 = vector.broadcast %broadcast_in_dim3A : vector<1x1xf32> to vector<256x256xf32>
      %swap3A_282 = arith.constant 0 : index
      %swap3A_283 = arith.constant 0 : index
      %swap3A_284 = arith.constant 256 : index
      %swap3A_285 = vector.load %arg3[%swap3A_282, %swap3A_283, %swap3A_284] : memref<1x512x2048xf32, #tpu.memory_space<vmem>>, vector<1x256x256xf32>
      %swap3A_286 = vector.shape_cast %swap3A_285 : vector<1x256x256xf32> to vector<256x256xf32>
      %swap3A_287 = vector.shape_cast %broadcast_in_dim3A_281 : vector<256x256xf32> to vector<1x256x256xf32>
      tpu.vector_store %arg3[%swap3A_282, %swap3A_283, %swap3A_284], %swap3A_287 {strides = array<i32>} : memref<1x512x2048xf32, #tpu.memory_space<vmem>>, vector<1x256x256xf32>,
    } else {
    }
    %sub3A_62 = arith.constant 1 : i32
    %sub3A_63 = arith.subi %add3A_40, %sub3A_62 : i32
    %gt3A_64 = arith.constant 2 : i32
    %gt3A_65 = arith.cmpi sgt, %sub3A_63, %gt3A_64 : i32
    %add3A_66 = arith.constant 1 : i32
    %add3A_67 = arith.addi %add3A_40, %add3A_66 : i32
    %lt3A_68 = arith.constant 2 : i32
    %lt3A_69 = arith.cmpi slt, %add3A_67, %lt3A_68 : i32
    %or3A_70 = arith.ori %gt3A_65, %lt3A_69 : i1
    %convert_element_type3A_71 = arith.extui %or3A_70 : i1 to i32
    %cond3A_72 = arith.constant 0 : i32
    %cond3A_73 = arith.cmpi ne, %convert_element_type3A_71, %cond3A_72 : i32
    scf.if %cond3A_73 {
      %gt3A_279 = arith.constant 2 : i32
      %gt3A_280 = arith.cmpi sgt, %add3A_40, %gt3A_279 : i32
      %select_n3A = arith.select %gt3A_280, %get3A_32, %get3A_38 : vector<1x1xf32>
      %broadcast_in_dim3A = vector.shape_cast %select_n3A : vector<1x1xf32> to vector<1x1xf32>
      %broadcast_in_dim3A_281 = vector.broadcast %broadcast_in_dim3A : vector<1x1xf32> to vector<256x256xf32>
      %swap3A_282 = arith.constant 0 : index
      %swap3A_283 = arith.constant 0 : index
      %swap3A_284 = arith.constant 512 : index
      %swap3A_285 = vector.load %arg3[%swap3A_282, %swap3A_283, %swap3A_284] : memref<1x512x2048xf32, #tpu.memory_space<vmem>>, vector<1x256x256xf32>
      %swap3A_286 = vector.shape_cast %swap3A_285 : vector<1x256x256xf32> to vector<256x256xf32>
      %swap3A_287 = vector.shape_cast %broadcast_in_dim3A_281 : vector<256x256xf32> to vector<1x256x256xf32>
      tpu.vector_store %arg3[%swap3A_282, %swap3A_283, %swap3A_284], %swap3A_287 {strides = array<i32>} : memref<1x512x2048xf32, #tpu.memory_space<vmem>>, vector<1x256x256xf32>,
    } else {
    }
    %sub3A_74 = arith.constant 1 : i32
    %sub3A_75 = arith.subi %add3A_40, %sub3A_74 : i32
    %gt3A_76 = arith.constant 3 : i32
    %gt3A_77 = arith.cmpi sgt, %sub3A_75, %gt3A_76 : i32
    %add3A_78 = arith.constant 1 : i32
    %add3A_79 = arith.addi %add3A_40, %add3A_78 : i32
    %lt3A_80 = arith.constant 3 : i32
    %lt3A_81 = arith.cmpi slt, %add3A_79, %lt3A_80 : i32
    %or3A_82 = arith.ori %gt3A_77, %lt3A_81 : i1
    %convert_element_type3A_83 = arith.extui %or3A_82 : i1 to i32
    %cond3A_84 = arith.constant 0 : i32
    %cond3A_85 = arith.cmpi ne, %convert_element_type3A_83, %cond3A_84 : i32
    scf.if %cond3A_85 {
      %gt3A_279 = arith.constant 3 : i32
      %gt3A_280 = arith.cmpi sgt, %add3A_40, %gt3A_279 : i32
      %select_n3A = arith.select %gt3A_280, %get3A_32, %get3A_38 : vector<1x1xf32>
      %broadcast_in_dim3A = vector.shape_cast %select_n3A : vector<1x1xf32> to vector<1x1xf32>
      %broadcast_in_dim3A_281 = vector.broadcast %broadcast_in_dim3A : vector<1x1xf32> to vector<256x256xf32>
      %swap3A_282 = arith.constant 0 : index
      %swap3A_283 = arith.constant 0 : index
      %swap3A_284 = arith.constant 768 : index
      %swap3A_285 = vector.load %arg3[%swap3A_282, %swap3A_283, %swap3A_284] : memref<1x512x2048xf32, #tpu.memory_space<vmem>>, vector<1x256x256xf32>
      %swap3A_286 = vector.shape_cast %swap3A_285 : vector<1x256x256xf32> to vector<256x256xf32>
      %swap3A_287 = vector.shape_cast %broadcast_in_dim3A_281 : vector<256x256xf32> to vector<1x256x256xf32>
      tpu.vector_store %arg3[%swap3A_282, %swap3A_283, %swap3A_284], %swap3A_287 {strides = array<i32>} : memref<1x512x2048xf32, #tpu.memory_space<vmem>>, vector<1x256x256xf32>,
    } else {
    }
    %sub3A_86 = arith.constant 1 : i32
    %sub3A_87 = arith.subi %add3A_40, %sub3A_86 : i32
    %gt3A_88 = arith.constant 4 : i32
    %gt3A_89 = arith.cmpi sgt, %sub3A_87, %gt3A_88 : i32
    %add3A_90 = arith.constant 1 : i32
    %add3A_91 = arith.addi %add3A_40, %add3A_90 : i32
    %lt3A_92 = arith.constant 4 : i32
    %lt3A_93 = arith.cmpi slt, %add3A_91, %lt3A_92 : i32
    %or3A_94 = arith.ori %gt3A_89, %lt3A_93 : i1
    %convert_element_type3A_95 = arith.extui %or3A_94 : i1 to i32
    %cond3A_96 = arith.constant 0 : i32
    %cond3A_97 = arith.cmpi ne, %convert_element_type3A_95, %cond3A_96 : i32
    scf.if %cond3A_97 {
      %gt3A_279 = arith.constant 4 : i32
      %gt3A_280 = arith.cmpi sgt, %add3A_40, %gt3A_279 : i32
      %select_n3A = arith.select %gt3A_280, %get3A_32, %get3A_38 : vector<1x1xf32>
      %broadcast_in_dim3A = vector.shape_cast %select_n3A : vector<1x1xf32> to vector<1x1xf32>
      %broadcast_in_dim3A_281 = vector.broadcast %broadcast_in_dim3A : vector<1x1xf32> to vector<256x256xf32>
      %swap3A_282 = arith.constant 0 : index
      %swap3A_283 = arith.constant 0 : index
      %swap3A_284 = arith.constant 1024 : index
      %swap3A_285 = vector.load %arg3[%swap3A_282, %swap3A_283, %swap3A_284] : memref<1x512x2048xf32, #tpu.memory_space<vmem>>, vector<1x256x256xf32>
      %swap3A_286 = vector.shape_cast %swap3A_285 : vector<1x256x256xf32> to vector<256x256xf32>
      %swap3A_287 = vector.shape_cast %broadcast_in_dim3A_281 : vector<256x256xf32> to vector<1x256x256xf32>
      tpu.vector_store %arg3[%swap3A_282, %swap3A_283, %swap3A_284], %swap3A_287 {strides = array<i32>} : memref<1x512x2048xf32, #tpu.memory_space<vmem>>, vector<1x256x256xf32>,
    } else {
    }
    %sub3A_98 = arith.constant 1 : i32
    %sub3A_99 = arith.subi %add3A_40, %sub3A_98 : i32
    %gt3A_100 = arith.constant 5 : i32
    %gt3A_101 = arith.cmpi sgt, %sub3A_99, %gt3A_100 : i32
    %add3A_102 = arith.constant 1 : i32
    %add3A_103 = arith.addi %add3A_40, %add3A_102 : i32
    %lt3A_104 = arith.constant 5 : i32
    %lt3A_105 = arith.cmpi slt, %add3A_103, %lt3A_104 : i32
    %or3A_106 = arith.ori %gt3A_101, %lt3A_105 : i1
    %convert_element_type3A_107 = arith.extui %or3A_106 : i1 to i32
    %cond3A_108 = arith.constant 0 : i32
    %cond3A_109 = arith.cmpi ne, %convert_element_type3A_107, %cond3A_108 : i32
    scf.if %cond3A_109 {
      %gt3A_279 = arith.constant 5 : i32
      %gt3A_280 = arith.cmpi sgt, %add3A_40, %gt3A_279 : i32
      %select_n3A = arith.select %gt3A_280, %get3A_32, %get3A_38 : vector<1x1xf32>
      %broadcast_in_dim3A = vector.shape_cast %select_n3A : vector<1x1xf32> to vector<1x1xf32>
      %broadcast_in_dim3A_281 = vector.broadcast %broadcast_in_dim3A : vector<1x1xf32> to vector<256x256xf32>
      %swap3A_282 = arith.constant 0 : index
      %swap3A_283 = arith.constant 0 : index
      %swap3A_284 = arith.constant 1280 : index
      %swap3A_285 = vector.load %arg3[%swap3A_282, %swap3A_283, %swap3A_284] : memref<1x512x2048xf32, #tpu.memory_space<vmem>>, vector<1x256x256xf32>
      %swap3A_286 = vector.shape_cast %swap3A_285 : vector<1x256x256xf32> to vector<256x256xf32>
      %swap3A_287 = vector.shape_cast %broadcast_in_dim3A_281 : vector<256x256xf32> to vector<1x256x256xf32>
      tpu.vector_store %arg3[%swap3A_282, %swap3A_283, %swap3A_284], %swap3A_287 {strides = array<i32>} : memref<1x512x2048xf32, #tpu.memory_space<vmem>>, vector<1x256x256xf32>,
    } else {
    }
    %sub3A_110 = arith.constant 1 : i32
    %sub3A_111 = arith.subi %add3A_40, %sub3A_110 : i32
    %gt3A_112 = arith.constant 6 : i32
    %gt3A_113 = arith.cmpi sgt, %sub3A_111, %gt3A_112 : i32
    %add3A_114 = arith.constant 1 : i32
    %add3A_115 = arith.addi %add3A_40, %add3A_114 : i32
    %lt3A_116 = arith.constant 6 : i32
    %lt3A_117 = arith.cmpi slt, %add3A_115, %lt3A_116 : i32
    %or3A_118 = arith.ori %gt3A_113, %lt3A_117 : i1
    %convert_element_type3A_119 = arith.extui %or3A_118 : i1 to i32
    %cond3A_120 = arith.constant 0 : i32
    %cond3A_121 = arith.cmpi ne, %convert_element_type3A_119, %cond3A_120 : i32
    scf.if %cond3A_121 {
      %gt3A_279 = arith.constant 6 : i32
      %gt3A_280 = arith.cmpi sgt, %add3A_40, %gt3A_279 : i32
      %select_n3A = arith.select %gt3A_280, %get3A_32, %get3A_38 : vector<1x1xf32>
      %broadcast_in_dim3A = vector.shape_cast %select_n3A : vector<1x1xf32> to vector<1x1xf32>
      %broadcast_in_dim3A_281 = vector.broadcast %broadcast_in_dim3A : vector<1x1xf32> to vector<256x256xf32>
      %swap3A_282 = arith.constant 0 : index
      %swap3A_283 = arith.constant 0 : index
      %swap3A_284 = arith.constant 1536 : index
      %swap3A_285 = vector.load %arg3[%swap3A_282, %swap3A_283, %swap3A_284] : memref<1x512x2048xf32, #tpu.memory_space<vmem>>, vector<1x256x256xf32>
      %swap3A_286 = vector.shape_cast %swap3A_285 : vector<1x256x256xf32> to vector<256x256xf32>
      %swap3A_287 = vector.shape_cast %broadcast_in_dim3A_281 : vector<256x256xf32> to vector<1x256x256xf32>
      tpu.vector_store %arg3[%swap3A_282, %swap3A_283, %swap3A_284], %swap3A_287 {strides = array<i32>} : memref<1x512x2048xf32, #tpu.memory_space<vmem>>, vector<1x256x256xf32>,
    } else {
    }
    %sub3A_122 = arith.constant 1 : i32
    %sub3A_123 = arith.subi %add3A_40, %sub3A_122 : i32
    %gt3A_124 = arith.constant 7 : i32
    %gt3A_125 = arith.cmpi sgt, %sub3A_123, %gt3A_124 : i32
    %add3A_126 = arith.constant 1 : i32
    %add3A_127 = arith.addi %add3A_40, %add3A_126 : i32
    %lt3A_128 = arith.constant 7 : i32
    %lt3A_129 = arith.cmpi slt, %add3A_127, %lt3A_128 : i32
    %or3A_130 = arith.ori %gt3A_125, %lt3A_129 : i1
    %convert_element_type3A_131 = arith.extui %or3A_130 : i1 to i32
    %cond3A_132 = arith.constant 0 : i32
    %cond3A_133 = arith.cmpi ne, %convert_element_type3A_131, %cond3A_132 : i32
    scf.if %cond3A_133 {
      %gt3A_279 = arith.constant 7 : i32
      %gt3A_280 = arith.cmpi sgt, %add3A_40, %gt3A_279 : i32
      %select_n3A = arith.select %gt3A_280, %get3A_32, %get3A_38 : vector<1x1xf32>
      %broadcast_in_dim3A = vector.shape_cast %select_n3A : vector<1x1xf32> to vector<1x1xf32>
      %broadcast_in_dim3A_281 = vector.broadcast %broadcast_in_dim3A : vector<1x1xf32> to vector<256x256xf32>
      %swap3A_282 = arith.constant 0 : index
      %swap3A_283 = arith.constant 0 : index
      %swap3A_284 = arith.constant 1792 : index
      %swap3A_285 = vector.load %arg3[%swap3A_282, %swap3A_283, %swap3A_284] : memref<1x512x2048xf32, #tpu.memory_space<vmem>>, vector<1x256x256xf32>
      %swap3A_286 = vector.shape_cast %swap3A_285 : vector<1x256x256xf32> to vector<256x256xf32>
      %swap3A_287 = vector.shape_cast %broadcast_in_dim3A_281 : vector<256x256xf32> to vector<1x256x256xf32>
      tpu.vector_store %arg3[%swap3A_282, %swap3A_283, %swap3A_284], %swap3A_287 {strides = array<i32>} : memref<1x512x2048xf32, #tpu.memory_space<vmem>>, vector<1x256x256xf32>,
    } else {
    }
    %ge3A = arith.constant 1 : i32
    %ge3A_134 = arith.cmpi sge, %add3A_40, %ge3A : i32
    %convert_element_type3A_135 = arith.extui %ge3A_134 : i1 to i32
    %cond3A_136 = arith.constant 0 : i32
    %cond3A_137 = arith.cmpi ne, %convert_element_type3A_135, %cond3A_136 : i32
    scf.if %cond3A_137 {
      %get3A_279 = arith.index_cast %rem3A_0 : i32 to index
      %get3A_280 = arith.constant 2 : index
      %get3A_281 = arith.constant 0 : index
      %get3A_282 = arith.constant 0 : index
      %get3A_283 = vector.load %arg4[%get3A_279, %get3A_280, %get3A_281, %get3A_282] : memref<2x3x256x256xf32, #tpu.memory_space<vmem>>, vector<1x1x256x256xf32>
      %get3A_284 = vector.shape_cast %get3A_283 : vector<1x1x256x256xf32> to vector<256x256xf32>
      %sub3A_285 = arith.constant 1 : i32
      %sub3A_286 = arith.subi %add3A_40, %sub3A_285 : i32
      %mul3A_287 = arith.constant 256 : i32
      %mul3A_288 = arith.muli %sub3A_286, %mul3A_287 : i32
      %swap3A_289 = arith.constant 0 : index
      %swap3A_290 = arith.constant 0 : index
      %swap3A_291 = arith.index_cast %mul3A_288 : i32 to index
      %swap3A_292 = vector.load %arg3[%swap3A_289, %swap3A_290, %swap3A_291] : memref<1x512x2048xf32, #tpu.memory_space<vmem>>, vector<1x256x256xf32>
      %swap3A_293 = vector.shape_cast %swap3A_292 : vector<1x256x256xf32> to vector<256x256xf32>
      %swap3A_294 = vector.shape_cast %get3A_284 : vector<256x256xf32> to vector<1x256x256xf32>
      tpu.vector_store %arg3[%swap3A_289, %swap3A_290, %swap3A_291], %swap3A_294 {strides = array<i32>} : memref<1x512x2048xf32, #tpu.memory_space<vmem>>, vector<1x256x256xf32>,
    } else {
    }
    %get3A_138 = arith.index_cast %rem3A_0 : i32 to index
    %get3A_139 = arith.constant 0 : index
    %get3A_140 = arith.constant 0 : index
    %get3A_141 = arith.constant 0 : index
    %get3A_142 = vector.load %arg4[%get3A_138, %get3A_139, %get3A_140, %get3A_141] : memref<2x3x256x256xf32, #tpu.memory_space<vmem>>, vector<1x1x256x256xf32>
    %get3A_143 = vector.shape_cast %get3A_142 : vector<1x1x256x256xf32> to vector<256x256xf32>
    %mul3A_144 = arith.constant 256 : i32
    %mul3A_145 = arith.muli %add3A_40, %mul3A_144 : i32
    %swap3A = arith.constant 0 : index
    %swap3A_146 = arith.constant 0 : index
    %swap3A_147 = arith.index_cast %mul3A_145 : i32 to index
    %swap3A_148 = vector.load %arg3[%swap3A, %swap3A_146, %swap3A_147] : memref<1x512x2048xf32, #tpu.memory_space<vmem>>, vector<1x256x256xf32>
    %swap3A_149 = vector.shape_cast %swap3A_148 : vector<1x256x256xf32> to vector<256x256xf32>
    %swap3A_150 = vector.shape_cast %get3A_143 : vector<256x256xf32> to vector<1x256x256xf32>
    tpu.vector_store %arg3[%swap3A, %swap3A_146, %swap3A_147], %swap3A_150 {strides = array<i32>} : memref<1x512x2048xf32, #tpu.memory_space<vmem>>, vector<1x256x256xf32>,
    %le3A = arith.constant 6 : i32
    %le3A_151 = arith.cmpi sle, %add3A_40, %le3A : i32
    %convert_element_type3A_152 = arith.extui %le3A_151 : i1 to i32
    %cond3A_153 = arith.constant 0 : i32
    %cond3A_154 = arith.cmpi ne, %convert_element_type3A_152, %cond3A_153 : i32
    scf.if %cond3A_154 {
      %get3A_279 = arith.index_cast %rem3A_0 : i32 to index
      %get3A_280 = arith.constant 1 : index
      %get3A_281 = arith.constant 0 : index
      %get3A_282 = arith.constant 0 : index
      %get3A_283 = vector.load %arg4[%get3A_279, %get3A_280, %get3A_281, %get3A_282] : memref<2x3x256x256xf32, #tpu.memory_space<vmem>>, vector<1x1x256x256xf32>
      %get3A_284 = vector.shape_cast %get3A_283 : vector<1x1x256x256xf32> to vector<256x256xf32>
      %add3A_285 = arith.constant 1 : i32
      %add3A_286 = arith.addi %add3A_40, %add3A_285 : i32
      %mul3A_287 = arith.constant 256 : i32
      %mul3A_288 = arith.muli %add3A_286, %mul3A_287 : i32
      %swap3A_289 = arith.constant 0 : index
      %swap3A_290 = arith.constant 0 : index
      %swap3A_291 = arith.index_cast %mul3A_288 : i32 to index
      %swap3A_292 = vector.load %arg3[%swap3A_289, %swap3A_290, %swap3A_291] : memref<1x512x2048xf32, #tpu.memory_space<vmem>>, vector<1x256x256xf32>
      %swap3A_293 = vector.shape_cast %swap3A_292 : vector<1x256x256xf32> to vector<256x256xf32>
      %swap3A_294 = vector.shape_cast %get3A_284 : vector<256x256xf32> to vector<1x256x256xf32>
      tpu.vector_store %arg3[%swap3A_289, %swap3A_290, %swap3A_291], %swap3A_294 {strides = array<i32>} : memref<1x512x2048xf32, #tpu.memory_space<vmem>>, vector<1x256x256xf32>,
    } else {
    }
    %mul3A_155 = arith.constant 2 : i32
    %mul3A_156 = arith.muli %mul3A_155, %arg1 : i32
    %add3A_157 = arith.constant 1 : i32
    %add3A_158 = arith.addi %mul3A_156, %add3A_157 : i32
    %sub3A_159 = arith.constant 1 : i32
    %sub3A_160 = arith.subi %add3A_158, %sub3A_159 : i32
    %gt3A_161 = arith.constant 0 : i32
    %gt3A_162 = arith.cmpi sgt, %sub3A_160, %gt3A_161 : i32
    %add3A_163 = arith.constant 1 : i32
    %add3A_164 = arith.addi %add3A_158, %add3A_163 : i32
    %lt3A_165 = arith.constant 0 : i32
    %lt3A_166 = arith.cmpi slt, %add3A_164, %lt3A_165 : i32
    %or3A_167 = arith.ori %gt3A_162, %lt3A_166 : i1
    %convert_element_type3A_168 = arith.extui %or3A_167 : i1 to i32
    %cond3A_169 = arith.constant 0 : i32
    %cond3A_170 = arith.cmpi ne, %convert_element_type3A_168, %cond3A_169 : i32
    scf.if %cond3A_170 {
      %gt3A_279 = arith.constant 0 : i32
      %gt3A_280 = arith.cmpi sgt, %add3A_158, %gt3A_279 : i32
      %select_n3A = arith.select %gt3A_280, %get3A_32, %get3A_38 : vector<1x1xf32>
      %broadcast_in_dim3A = vector.shape_cast %select_n3A : vector<1x1xf32> to vector<1x1xf32>
      %broadcast_in_dim3A_281 = vector.broadcast %broadcast_in_dim3A : vector<1x1xf32> to vector<256x256xf32>
      %swap3A_282 = arith.constant 0 : index
      %swap3A_283 = arith.constant 256 : index
      %swap3A_284 = arith.constant 0 : index
      %swap3A_285 = vector.load %arg3[%swap3A_282, %swap3A_283, %swap3A_284] : memref<1x512x2048xf32, #tpu.memory_space<vmem>>, vector<1x256x256xf32>
      %swap3A_286 = vector.shape_cast %swap3A_285 : vector<1x256x256xf32> to vector<256x256xf32>
      %swap3A_287 = vector.shape_cast %broadcast_in_dim3A_281 : vector<256x256xf32> to vector<1x256x256xf32>
      tpu.vector_store %arg3[%swap3A_282, %swap3A_283, %swap3A_284], %swap3A_287 {strides = array<i32>} : memref<1x512x2048xf32, #tpu.memory_space<vmem>>, vector<1x256x256xf32>,
    } else {
    }
    %sub3A_171 = arith.constant 1 : i32
    %sub3A_172 = arith.subi %add3A_158, %sub3A_171 : i32
    %gt3A_173 = arith.constant 1 : i32
    %gt3A_174 = arith.cmpi sgt, %sub3A_172, %gt3A_173 : i32
    %add3A_175 = arith.constant 1 : i32
    %add3A_176 = arith.addi %add3A_158, %add3A_175 : i32
    %lt3A_177 = arith.constant 1 : i32
    %lt3A_178 = arith.cmpi slt, %add3A_176, %lt3A_177 : i32
    %or3A_179 = arith.ori %gt3A_174, %lt3A_178 : i1
    %convert_element_type3A_180 = arith.extui %or3A_179 : i1 to i32
    %cond3A_181 = arith.constant 0 : i32
    %cond3A_182 = arith.cmpi ne, %convert_element_type3A_180, %cond3A_181 : i32
    scf.if %cond3A_182 {
      %gt3A_279 = arith.constant 1 : i32
      %gt3A_280 = arith.cmpi sgt, %add3A_158, %gt3A_279 : i32
      %select_n3A = arith.select %gt3A_280, %get3A_32, %get3A_38 : vector<1x1xf32>
      %broadcast_in_dim3A = vector.shape_cast %select_n3A : vector<1x1xf32> to vector<1x1xf32>
      %broadcast_in_dim3A_281 = vector.broadcast %broadcast_in_dim3A : vector<1x1xf32> to vector<256x256xf32>
      %swap3A_282 = arith.constant 0 : index
      %swap3A_283 = arith.constant 256 : index
      %swap3A_284 = arith.constant 256 : index
      %swap3A_285 = vector.load %arg3[%swap3A_282, %swap3A_283, %swap3A_284] : memref<1x512x2048xf32, #tpu.memory_space<vmem>>, vector<1x256x256xf32>
      %swap3A_286 = vector.shape_cast %swap3A_285 : vector<1x256x256xf32> to vector<256x256xf32>
      %swap3A_287 = vector.shape_cast %broadcast_in_dim3A_281 : vector<256x256xf32> to vector<1x256x256xf32>
      tpu.vector_store %arg3[%swap3A_282, %swap3A_283, %swap3A_284], %swap3A_287 {strides = array<i32>} : memref<1x512x2048xf32, #tpu.memory_space<vmem>>, vector<1x256x256xf32>,
    } else {
    }
    %sub3A_183 = arith.constant 1 : i32
    %sub3A_184 = arith.subi %add3A_158, %sub3A_183 : i32
    %gt3A_185 = arith.constant 2 : i32
    %gt3A_186 = arith.cmpi sgt, %sub3A_184, %gt3A_185 : i32
    %add3A_187 = arith.constant 1 : i32
    %add3A_188 = arith.addi %add3A_158, %add3A_187 : i32
    %lt3A_189 = arith.constant 2 : i32
    %lt3A_190 = arith.cmpi slt, %add3A_188, %lt3A_189 : i32
    %or3A_191 = arith.ori %gt3A_186, %lt3A_190 : i1
    %convert_element_type3A_192 = arith.extui %or3A_191 : i1 to i32
    %cond3A_193 = arith.constant 0 : i32
    %cond3A_194 = arith.cmpi ne, %convert_element_type3A_192, %cond3A_193 : i32
    scf.if %cond3A_194 {
      %gt3A_279 = arith.constant 2 : i32
      %gt3A_280 = arith.cmpi sgt, %add3A_158, %gt3A_279 : i32
      %select_n3A = arith.select %gt3A_280, %get3A_32, %get3A_38 : vector<1x1xf32>
      %broadcast_in_dim3A = vector.shape_cast %select_n3A : vector<1x1xf32> to vector<1x1xf32>
      %broadcast_in_dim3A_281 = vector.broadcast %broadcast_in_dim3A : vector<1x1xf32> to vector<256x256xf32>
      %swap3A_282 = arith.constant 0 : index
      %swap3A_283 = arith.constant 256 : index
      %swap3A_284 = arith.constant 512 : index
      %swap3A_285 = vector.load %arg3[%swap3A_282, %swap3A_283, %swap3A_284] : memref<1x512x2048xf32, #tpu.memory_space<vmem>>, vector<1x256x256xf32>
      %swap3A_286 = vector.shape_cast %swap3A_285 : vector<1x256x256xf32> to vector<256x256xf32>
      %swap3A_287 = vector.shape_cast %broadcast_in_dim3A_281 : vector<256x256xf32> to vector<1x256x256xf32>
      tpu.vector_store %arg3[%swap3A_282, %swap3A_283, %swap3A_284], %swap3A_287 {strides = array<i32>} : memref<1x512x2048xf32, #tpu.memory_space<vmem>>, vector<1x256x256xf32>,
    } else {
    }
    %sub3A_195 = arith.constant 1 : i32
    %sub3A_196 = arith.subi %add3A_158, %sub3A_195 : i32
    %gt3A_197 = arith.constant 3 : i32
    %gt3A_198 = arith.cmpi sgt, %sub3A_196, %gt3A_197 : i32
    %add3A_199 = arith.constant 1 : i32
    %add3A_200 = arith.addi %add3A_158, %add3A_199 : i32
    %lt3A_201 = arith.constant 3 : i32
    %lt3A_202 = arith.cmpi slt, %add3A_200, %lt3A_201 : i32
    %or3A_203 = arith.ori %gt3A_198, %lt3A_202 : i1
    %convert_element_type3A_204 = arith.extui %or3A_203 : i1 to i32
    %cond3A_205 = arith.constant 0 : i32
    %cond3A_206 = arith.cmpi ne, %convert_element_type3A_204, %cond3A_205 : i32
    scf.if %cond3A_206 {
      %gt3A_279 = arith.constant 3 : i32
      %gt3A_280 = arith.cmpi sgt, %add3A_158, %gt3A_279 : i32
      %select_n3A = arith.select %gt3A_280, %get3A_32, %get3A_38 : vector<1x1xf32>
      %broadcast_in_dim3A = vector.shape_cast %select_n3A : vector<1x1xf32> to vector<1x1xf32>
      %broadcast_in_dim3A_281 = vector.broadcast %broadcast_in_dim3A : vector<1x1xf32> to vector<256x256xf32>
      %swap3A_282 = arith.constant 0 : index
      %swap3A_283 = arith.constant 256 : index
      %swap3A_284 = arith.constant 768 : index
      %swap3A_285 = vector.load %arg3[%swap3A_282, %swap3A_283, %swap3A_284] : memref<1x512x2048xf32, #tpu.memory_space<vmem>>, vector<1x256x256xf32>
      %swap3A_286 = vector.shape_cast %swap3A_285 : vector<1x256x256xf32> to vector<256x256xf32>
      %swap3A_287 = vector.shape_cast %broadcast_in_dim3A_281 : vector<256x256xf32> to vector<1x256x256xf32>
      tpu.vector_store %arg3[%swap3A_282, %swap3A_283, %swap3A_284], %swap3A_287 {strides = array<i32>} : memref<1x512x2048xf32, #tpu.memory_space<vmem>>, vector<1x256x256xf32>,
    } else {
    }
    %sub3A_207 = arith.constant 1 : i32
    %sub3A_208 = arith.subi %add3A_158, %sub3A_207 : i32
    %gt3A_209 = arith.constant 4 : i32
    %gt3A_210 = arith.cmpi sgt, %sub3A_208, %gt3A_209 : i32
    %add3A_211 = arith.constant 1 : i32
    %add3A_212 = arith.addi %add3A_158, %add3A_211 : i32
    %lt3A_213 = arith.constant 4 : i32
    %lt3A_214 = arith.cmpi slt, %add3A_212, %lt3A_213 : i32
    %or3A_215 = arith.ori %gt3A_210, %lt3A_214 : i1
    %convert_element_type3A_216 = arith.extui %or3A_215 : i1 to i32
    %cond3A_217 = arith.constant 0 : i32
    %cond3A_218 = arith.cmpi ne, %convert_element_type3A_216, %cond3A_217 : i32
    scf.if %cond3A_218 {
      %gt3A_279 = arith.constant 4 : i32
      %gt3A_280 = arith.cmpi sgt, %add3A_158, %gt3A_279 : i32
      %select_n3A = arith.select %gt3A_280, %get3A_32, %get3A_38 : vector<1x1xf32>
      %broadcast_in_dim3A = vector.shape_cast %select_n3A : vector<1x1xf32> to vector<1x1xf32>
      %broadcast_in_dim3A_281 = vector.broadcast %broadcast_in_dim3A : vector<1x1xf32> to vector<256x256xf32>
      %swap3A_282 = arith.constant 0 : index
      %swap3A_283 = arith.constant 256 : index
      %swap3A_284 = arith.constant 1024 : index
      %swap3A_285 = vector.load %arg3[%swap3A_282, %swap3A_283, %swap3A_284] : memref<1x512x2048xf32, #tpu.memory_space<vmem>>, vector<1x256x256xf32>
      %swap3A_286 = vector.shape_cast %swap3A_285 : vector<1x256x256xf32> to vector<256x256xf32>
      %swap3A_287 = vector.shape_cast %broadcast_in_dim3A_281 : vector<256x256xf32> to vector<1x256x256xf32>
      tpu.vector_store %arg3[%swap3A_282, %swap3A_283, %swap3A_284], %swap3A_287 {strides = array<i32>} : memref<1x512x2048xf32, #tpu.memory_space<vmem>>, vector<1x256x256xf32>,
    } else {
    }
    %sub3A_219 = arith.constant 1 : i32
    %sub3A_220 = arith.subi %add3A_158, %sub3A_219 : i32
    %gt3A_221 = arith.constant 5 : i32
    %gt3A_222 = arith.cmpi sgt, %sub3A_220, %gt3A_221 : i32
    %add3A_223 = arith.constant 1 : i32
    %add3A_224 = arith.addi %add3A_158, %add3A_223 : i32
    %lt3A_225 = arith.constant 5 : i32
    %lt3A_226 = arith.cmpi slt, %add3A_224, %lt3A_225 : i32
    %or3A_227 = arith.ori %gt3A_222, %lt3A_226 : i1
    %convert_element_type3A_228 = arith.extui %or3A_227 : i1 to i32
    %cond3A_229 = arith.constant 0 : i32
    %cond3A_230 = arith.cmpi ne, %convert_element_type3A_228, %cond3A_229 : i32
    scf.if %cond3A_230 {
      %gt3A_279 = arith.constant 5 : i32
      %gt3A_280 = arith.cmpi sgt, %add3A_158, %gt3A_279 : i32
      %select_n3A = arith.select %gt3A_280, %get3A_32, %get3A_38 : vector<1x1xf32>
      %broadcast_in_dim3A = vector.shape_cast %select_n3A : vector<1x1xf32> to vector<1x1xf32>
      %broadcast_in_dim3A_281 = vector.broadcast %broadcast_in_dim3A : vector<1x1xf32> to vector<256x256xf32>
      %swap3A_282 = arith.constant 0 : index
      %swap3A_283 = arith.constant 256 : index
      %swap3A_284 = arith.constant 1280 : index
      %swap3A_285 = vector.load %arg3[%swap3A_282, %swap3A_283, %swap3A_284] : memref<1x512x2048xf32, #tpu.memory_space<vmem>>, vector<1x256x256xf32>
      %swap3A_286 = vector.shape_cast %swap3A_285 : vector<1x256x256xf32> to vector<256x256xf32>
      %swap3A_287 = vector.shape_cast %broadcast_in_dim3A_281 : vector<256x256xf32> to vector<1x256x256xf32>
      tpu.vector_store %arg3[%swap3A_282, %swap3A_283, %swap3A_284], %swap3A_287 {strides = array<i32>} : memref<1x512x2048xf32, #tpu.memory_space<vmem>>, vector<1x256x256xf32>,
    } else {
    }
    %sub3A_231 = arith.constant 1 : i32
    %sub3A_232 = arith.subi %add3A_158, %sub3A_231 : i32
    %gt3A_233 = arith.constant 6 : i32
    %gt3A_234 = arith.cmpi sgt, %sub3A_232, %gt3A_233 : i32
    %add3A_235 = arith.constant 1 : i32
    %add3A_236 = arith.addi %add3A_158, %add3A_235 : i32
    %lt3A_237 = arith.constant 6 : i32
    %lt3A_238 = arith.cmpi slt, %add3A_236, %lt3A_237 : i32
    %or3A_239 = arith.ori %gt3A_234, %lt3A_238 : i1
    %convert_element_type3A_240 = arith.extui %or3A_239 : i1 to i32
    %cond3A_241 = arith.constant 0 : i32
    %cond3A_242 = arith.cmpi ne, %convert_element_type3A_240, %cond3A_241 : i32
    scf.if %cond3A_242 {
      %gt3A_279 = arith.constant 6 : i32
      %gt3A_280 = arith.cmpi sgt, %add3A_158, %gt3A_279 : i32
      %select_n3A = arith.select %gt3A_280, %get3A_32, %get3A_38 : vector<1x1xf32>
      %broadcast_in_dim3A = vector.shape_cast %select_n3A : vector<1x1xf32> to vector<1x1xf32>
      %broadcast_in_dim3A_281 = vector.broadcast %broadcast_in_dim3A : vector<1x1xf32> to vector<256x256xf32>
      %swap3A_282 = arith.constant 0 : index
      %swap3A_283 = arith.constant 256 : index
      %swap3A_284 = arith.constant 1536 : index
      %swap3A_285 = vector.load %arg3[%swap3A_282, %swap3A_283, %swap3A_284] : memref<1x512x2048xf32, #tpu.memory_space<vmem>>, vector<1x256x256xf32>
      %swap3A_286 = vector.shape_cast %swap3A_285 : vector<1x256x256xf32> to vector<256x256xf32>
      %swap3A_287 = vector.shape_cast %broadcast_in_dim3A_281 : vector<256x256xf32> to vector<1x256x256xf32>
      tpu.vector_store %arg3[%swap3A_282, %swap3A_283, %swap3A_284], %swap3A_287 {strides = array<i32>} : memref<1x512x2048xf32, #tpu.memory_space<vmem>>, vector<1x256x256xf32>,
    } else {
    }
    %sub3A_243 = arith.constant 1 : i32
    %sub3A_244 = arith.subi %add3A_158, %sub3A_243 : i32
    %gt3A_245 = arith.constant 7 : i32
    %gt3A_246 = arith.cmpi sgt, %sub3A_244, %gt3A_245 : i32
    %add3A_247 = arith.constant 1 : i32
    %add3A_248 = arith.addi %add3A_158, %add3A_247 : i32
    %lt3A_249 = arith.constant 7 : i32
    %lt3A_250 = arith.cmpi slt, %add3A_248, %lt3A_249 : i32
    %or3A_251 = arith.ori %gt3A_246, %lt3A_250 : i1
    %convert_element_type3A_252 = arith.extui %or3A_251 : i1 to i32
    %cond3A_253 = arith.constant 0 : i32
    %cond3A_254 = arith.cmpi ne, %convert_element_type3A_252, %cond3A_253 : i32
    scf.if %cond3A_254 {
      %gt3A_279 = arith.constant 7 : i32
      %gt3A_280 = arith.cmpi sgt, %add3A_158, %gt3A_279 : i32
      %select_n3A = arith.select %gt3A_280, %get3A_32, %get3A_38 : vector<1x1xf32>
      %broadcast_in_dim3A = vector.shape_cast %select_n3A : vector<1x1xf32> to vector<1x1xf32>
      %broadcast_in_dim3A_281 = vector.broadcast %broadcast_in_dim3A : vector<1x1xf32> to vector<256x256xf32>
      %swap3A_282 = arith.constant 0 : index
      %swap3A_283 = arith.constant 256 : index
      %swap3A_284 = arith.constant 1792 : index
      %swap3A_285 = vector.load %arg3[%swap3A_282, %swap3A_283, %swap3A_284] : memref<1x512x2048xf32, #tpu.memory_space<vmem>>, vector<1x256x256xf32>
      %swap3A_286 = vector.shape_cast %swap3A_285 : vector<1x256x256xf32> to vector<256x256xf32>
      %swap3A_287 = vector.shape_cast %broadcast_in_dim3A_281 : vector<256x256xf32> to vector<1x256x256xf32>
      tpu.vector_store %arg3[%swap3A_282, %swap3A_283, %swap3A_284], %swap3A_287 {strides = array<i32>} : memref<1x512x2048xf32, #tpu.memory_space<vmem>>, vector<1x256x256xf32>,
    } else {
    }
    %ge3A_255 = arith.constant 1 : i32
    %ge3A_256 = arith.cmpi sge, %add3A_158, %ge3A_255 : i32
    %convert_element_type3A_257 = arith.extui %ge3A_256 : i1 to i32
    %cond3A_258 = arith.constant 0 : i32
    %cond3A_259 = arith.cmpi ne, %convert_element_type3A_257, %cond3A_258 : i32
    scf.if %cond3A_259 {
      %get3A_279 = arith.index_cast %rem3A_0 : i32 to index
      %get3A_280 = arith.constant 2 : index
      %get3A_281 = arith.constant 0 : index
      %get3A_282 = arith.constant 0 : index
      %get3A_283 = vector.load %arg4[%get3A_279, %get3A_280, %get3A_281, %get3A_282] : memref<2x3x256x256xf32, #tpu.memory_space<vmem>>, vector<1x1x256x256xf32>
      %get3A_284 = vector.shape_cast %get3A_283 : vector<1x1x256x256xf32> to vector<256x256xf32>
      %sub3A_285 = arith.constant 1 : i32
      %sub3A_286 = arith.subi %add3A_158, %sub3A_285 : i32
      %mul3A_287 = arith.constant 256 : i32
      %mul3A_288 = arith.muli %sub3A_286, %mul3A_287 : i32
      %swap3A_289 = arith.constant 0 : index
      %swap3A_290 = arith.constant 256 : index
      %swap3A_291 = arith.index_cast %mul3A_288 : i32 to index
      %swap3A_292 = vector.load %arg3[%swap3A_289, %swap3A_290, %swap3A_291] : memref<1x512x2048xf32, #tpu.memory_space<vmem>>, vector<1x256x256xf32>
      %swap3A_293 = vector.shape_cast %swap3A_292 : vector<1x256x256xf32> to vector<256x256xf32>
      %swap3A_294 = vector.shape_cast %get3A_284 : vector<256x256xf32> to vector<1x256x256xf32>
      tpu.vector_store %arg3[%swap3A_289, %swap3A_290, %swap3A_291], %swap3A_294 {strides = array<i32>} : memref<1x512x2048xf32, #tpu.memory_space<vmem>>, vector<1x256x256xf32>,
    } else {
    }
    %get3A_260 = arith.index_cast %rem3A_0 : i32 to index
    %get3A_261 = arith.constant 0 : index
    %get3A_262 = arith.constant 0 : index
    %get3A_263 = arith.constant 0 : index
    %get3A_264 = vector.load %arg4[%get3A_260, %get3A_261, %get3A_262, %get3A_263] : memref<2x3x256x256xf32, #tpu.memory_space<vmem>>, vector<1x1x256x256xf32>
    %get3A_265 = vector.shape_cast %get3A_264 : vector<1x1x256x256xf32> to vector<256x256xf32>
    %mul3A_266 = arith.constant 256 : i32
    %mul3A_267 = arith.muli %add3A_158, %mul3A_266 : i32
    %swap3A_268 = arith.constant 0 : index
    %swap3A_269 = arith.constant 256 : index
    %swap3A_270 = arith.index_cast %mul3A_267 : i32 to index
    %swap3A_271 = vector.load %arg3[%swap3A_268, %swap3A_269, %swap3A_270] : memref<1x512x2048xf32, #tpu.memory_space<vmem>>, vector<1x256x256xf32>
    %swap3A_272 = vector.shape_cast %swap3A_271 : vector<1x256x256xf32> to vector<256x256xf32>
    %swap3A_273 = vector.shape_cast %get3A_265 : vector<256x256xf32> to vector<1x256x256xf32>
    tpu.vector_store %arg3[%swap3A_268, %swap3A_269, %swap3A_270], %swap3A_273 {strides = array<i32>} : memref<1x512x2048xf32, #tpu.memory_space<vmem>>, vector<1x256x256xf32>,
    %le3A_274 = arith.constant 6 : i32
    %le3A_275 = arith.cmpi sle, %add3A_158, %le3A_274 : i32
    %convert_element_type3A_276 = arith.extui %le3A_275 : i1 to i32
    %cond3A_277 = arith.constant 0 : i32
    %cond3A_278 = arith.cmpi ne, %convert_element_type3A_276, %cond3A_277 : i32
    scf.if %cond3A_278 {
      %get3A_279 = arith.index_cast %rem3A_0 : i32 to index
      %get3A_280 = arith.constant 1 : index
      %get3A_281 = arith.constant 0 : index
      %get3A_282 = arith.constant 0 : index
      %get3A_283 = vector.load %arg4[%get3A_279, %get3A_280, %get3A_281, %get3A_282] : memref<2x3x256x256xf32, #tpu.memory_space<vmem>>, vector<1x1x256x256xf32>
      %get3A_284 = vector.shape_cast %get3A_283 : vector<1x1x256x256xf32> to vector<256x256xf32>
      %add3A_285 = arith.constant 1 : i32
      %add3A_286 = arith.addi %add3A_158, %add3A_285 : i32
      %mul3A_287 = arith.constant 256 : i32
      %mul3A_288 = arith.muli %add3A_286, %mul3A_287 : i32
      %swap3A_289 = arith.constant 0 : index
      %swap3A_290 = arith.constant 256 : index
      %swap3A_291 = arith.index_cast %mul3A_288 : i32 to index
      %swap3A_292 = vector.load %arg3[%swap3A_289, %swap3A_290, %swap3A_291] : memref<1x512x2048xf32, #tpu.memory_space<vmem>>, vector<1x256x256xf32>
      %swap3A_293 = vector.shape_cast %swap3A_292 : vector<1x256x256xf32> to vector<256x256xf32>
      %swap3A_294 = vector.shape_cast %get3A_284 : vector<256x256xf32> to vector<1x256x256xf32>
      tpu.vector_store %arg3[%swap3A_289, %swap3A_290, %swap3A_291], %swap3A_294 {strides = array<i32>} : memref<1x512x2048xf32, #tpu.memory_space<vmem>>, vector<1x256x256xf32>,
    } else {
    }
    return
  }
  func.func @transform_0(%arg0: i32, %arg1: i32) -> (i32, i32, i32) {
    %ge3A = arith.constant 1 : i32
    %ge3A_0 = arith.cmpi sge, %arg1, %ge3A : i32
    %convert_element_type3A = arith.extui %ge3A_0 : i1 to i32
    %add3A = arith.addi %arg0, %convert_element_type3A : i32
    %min3A = arith.constant 15 : i32
    %min3A_1 = arith.minsi %add3A, %min3A : i32
    %c0_i32 = arith.constant 0 : i32
    %c0_i32_2 = arith.constant 0 : i32
    %c0_i32_3 = arith.constant 0 : i32
    return %min3A_1, %c0_i32, %c0_i32_2 : i32, i32, i32
  }
  func.func @transform_1(%arg0: i32, %arg1: i32) -> (i32, i32, i32) {
    %c0_i32 = arith.constant 0 : i32
    %c0_i32_0 = arith.constant 0 : i32
    return %arg0, %arg1, %c0_i32 : i32, i32, i32
  }
}

</mosaic_0001>

<sc_bundles>
// kernel: kernel.4.cloned.1.call-start
scs
__scs_entry_jumppad:
0x0: {  	(pc) =	sbr.rel $0x88, $3  }
0x1: {  	(tag) =	ssettag $0x0;
	lr =	simm.s32 $0x1  }
0x2: {  	[smem:$0x3FA0] =	sst lr;
	_ =	strace $0xD0000000  }
0x3: {  	_ = 	snop  }
0x4: {  	_ = 	snop  }
0x5: {  	_ = 	snop  }
0x6: {  	_ = 	snop  }
0x7: {  	_ = 	snop  }
__scs_overlays_trampoline_lowered:
0x8: {  	[smem:$0x3FAF] =	sst s0  }
0x9: {  	[smem:$0x3FB0] =	sst s1  }
0xa: {  	[smem:$0x3FB1] =	sst s2  }
0xb: {  	[smem:$0x3FB2] =	sst s3  }
0xc: {  	[smem:$0x3FB3] =	sst s4  }
0xd: {  	[smem:$0x3FB4] =	sst s5  }
0xe: {  	[smem:$0x3FB5] =	sst s6  }
0xf: {  	[smem:$0x3FB6] =	sst s7  }
0x10: {  	[smem:$0x3FB7] =	sst s8  }
0x11: {  	[smem:$0x3FB8] =	sst s9;
	s0 =	simm.s32 @!p0 $0x0  }
0x12: {  	s1 =	sld [smem:$0x3F9E];
	s0 =	simm.s32 @p0 $0x1  }
0x13: {  	[smem:$0x3FB9] =	sst s0;
	s0 =	simm.s32 @!p1 $0x0  }
0x14: {  	s2 =	sld [smem:$0x3F9D];
	s0 =	simm.s32 @p1 $0x1  }
0x15: {  	[smem:$0x3FBA] =	sst s0;
	s0 =	simm.s32 @!p2 $0x0  }
0x16: {  	s3 =	sld [smem:$0x3FDB];
	s0 =	simm.s32 @p2 $0x1  }
0x17: {  	s4 =	simm.s32 $0x1BF5;
	[smem:$0x3FBC] =	sst s0  }
0x18: {  	s0 =	sld [smem:$0x3F9F];
	_ =	swait.ge [sflag:s4], $0x0  }
0x19: {  	s7 =	sld [smem:$0x3FA0]  }
0x1a: {  	s8 =	sadd.s32 $0xFFFFE003, lr  }
0x1b: {  	s9 =	sadd.s32 $0xFFFFFEF7, lr;
	s5 =	simm.s32 $0xFFFFFFFF;
	p2 =	slt.u32 s8, $0xFFFFF086  }
0x1c: {  	p1 =	slt.u32 s9, $0xF7A;
	s5 =	simm.s32 @!p2 $0x0  }
0x1d: {  	s5 =	simm.s32 @p1 $0x1;
	p0 =	seq.s32 s7, s2  }
0x1e: {  	s7 =	smul.u32 @!p0 $0xF7A, s2;
	p2 =	seq.s32 @!p0 s5, $0x0  }
0x1f: {  	s9 =	smul.u32 $0xF7A, s1;
	s8 =	simm.s32 @!p0 $0x1BF5;
	p2 =	por !p2, p0  }
0x20: {  	[sflag:s8] =	ssyncset.s32 @!p0 $0xFFFFF086;
	s6 =	sadd.s32 @!p0 s3, s7;
	s7 =	simm.s32 @!p0 $0x108  }
0x21: {  	s3 =	sadd.s32 s3, s9;
	s6 =	sadd.s32 @!p0 $0x88, s6;
	s7 =	simm.s32 @p2 $0x1082  }
0x22: {  	[simem:s7], [sflag:s8] =	dma.local @!p0 [hbm:s6], $0xF7A  }
0x23: {  	s9 =	sor.u32 $0xD0000000, s2;
	s6 =	simm.s32 $0x108;
	_ =	swait.ge @!p0 [sflag:s8], $0x0  }
0x24: {  	s3 =	sadd.s32 $0x88, s3;
	s6 =	simm.s32 @!p1 $0x1082;
	[sflag:s4] =	ssyncset.s32 $0xFFFFF086  }
0x25: {  	[simem:s6], [sflag:s4] =	dma.local [hbm:s3], $0xF7A  }
0x26: {  	[smem:$0x3FA0] =	sst s1;
	(tag) =	ssettag s2;
	_ =	strace s9  }
0x27: {  	s1 =	sld [smem:$0x3FB0]  }
0x28: {  	s2 =	sld [smem:$0x3FB1]  }
0x29: {  	s4 =	sld [smem:$0x3FB3]  }
0x2a: {  	p0 =	seq.s32 s5, $0x0;
	s5 =	sld [smem:$0x3FB4]  }
0x2b: {  	s6 =	sld [smem:$0x3FB5]  }
0x2c: {  	s7 =	sld [smem:$0x3FB6]  }
0x2d: {  	s3 =	simm.s32 $0x108;
	s8 =	sld [smem:$0x3FB7]  }
0x2e: {  	s3 =	simm.s32 @!p0 $0x1082;
	s9 =	sld [smem:$0x3FB8]  }
0x2f: {  	lr =	sadd.s32 s0, s3;
	s0 =	sld [smem:$0x3FAF]  }
0x30: {  	s3 =	sld [smem:$0x3FB2]  }
0x31: {  	[smem:$0x3FBB] =	sst s10  }
0x32: {  	s10 =	sld [smem:$0x3FB9];
	_ =	sdelay $0x3  }
0x33: {  	p0 =	seq.s32 s10, $0x1;
	s10 =	sld [smem:$0x3FBB];
	_ =	sdelay $0x3  }
0x34: {  	[smem:$0x3FBB] =	sst s10  }
0x35: {  	s10 =	sld [smem:$0x3FBA];
	_ =	sdelay $0x3  }
0x36: {  	p1 =	seq.s32 s10, $0x1;
	s10 =	sld [smem:$0x3FBB];
	_ =	sdelay $0x3  }
0x37: {  	[smem:$0x3FBB] =	sst s10  }
0x38: {  	s10 =	sld [smem:$0x3FBC]  }
0x39: {  	_ = 	snop;
	(pc) =	sbr.ind lr, $3  }
0x3a: {  	_ = 	snop  }
0x3b: {  	_ = 	snop  }
0x3c: {  	p2 =	seq.s32 s10, $0x1;
	s10 =	sld [smem:$0x3FBB]  }
0x3d: {  	_ =	shalt  }
0x3e: {  	_ =	shalt  }
0x3f: {  	_ =	shalt  }
0x40: {  	_ =	shalt  }
0x41: {  	_ =	shalt  }
0x42: {  	_ =	shalt  }
0x43: {  	_ =	shalt  }
0x44: {  	_ =	shalt  }
0x45: {  	_ =	shalt  }
0x46: {  	_ =	shalt  }
0x47: {  	_ =	shalt  }
0x48: {  	_ =	shalt  }
0x49: {  	_ =	shalt  }
0x4a: {  	_ =	shalt  }
0x4b: {  	_ =	shalt  }
0x4c: {  	_ =	shalt  }
0x4d: {  	_ =	shalt  }
0x4e: {  	_ =	shalt  }
0x4f: {  	_ =	shalt  }
0x50: {  	_ =	shalt  }
0x51: {  	_ =	shalt  }
0x52: {  	_ =	shalt  }
0x53: {  	_ =	shalt  }
0x54: {  	_ =	shalt  }
0x55: {  	_ =	shalt  }
0x56: {  	_ =	shalt  }
0x57: {  	_ =	shalt  }
0x58: {  	_ =	shalt  }
0x59: {  	_ =	shalt  }
0x5a: {  	_ =	shalt  }
0x5b: {  	_ =	shalt  }
0x5c: {  	_ =	shalt  }
0x5d: {  	_ =	shalt  }
0x5e: {  	_ =	shalt  }
0x5f: {  	_ =	shalt  }
0x60: {  	_ =	shalt  }
0x61: {  	_ =	shalt  }
0x62: {  	_ =	shalt  }
0x63: {  	_ =	shalt  }
0x64: {  	_ =	shalt  }
0x65: {  	_ =	shalt  }
0x66: {  	_ =	shalt  }
0x67: {  	_ =	shalt  }
0x68: {  	_ =	shalt  }
0x69: {  	_ =	shalt  }
0x6a: {  	_ =	shalt  }
0x6b: {  	_ =	shalt  }
0x6c: {  	_ =	shalt  }
0x6d: {  	_ =	shalt  }
0x6e: {  	_ =	shalt  }
0x6f: {  	_ =	shalt  }
0x70: {  	_ =	shalt  }
0x71: {  	_ =	shalt  }
0x72: {  	_ =	shalt  }
0x73: {  	_ =	shalt  }
0x74: {  	_ =	shalt  }
0x75: {  	_ =	shalt  }
0x76: {  	_ =	shalt  }
0x77: {  	_ =	shalt  }
0x78: {  	_ =	shalt  }
0x79: {  	_ =	shalt  }
0x7a: {  	_ =	shalt  }
0x7b: {  	_ =	shalt  }
0x7c: {  	_ =	shalt  }
0x7d: {  	_ =	shalt  }
0x7e: {  	_ =	shalt  }
0x7f: {  	_ =	shalt  }
0x80: {  	_ =	shalt  }
0x81: {  	_ =	shalt  }
0x82: {  	_ =	shalt  }
0x83: {  	_ =	shalt  }
0x84: {  	_ =	shalt  }
0x85: {  	_ =	shalt  }
0x86: {  	_ =	shalt  }
0x87: {  	_ =	shalt  }
.Lfunc_end0:
.L_simem_size_0:
called_computation_lowered:
.L_overlay_start_0:
0x88: {  	s2 =	sld [smem:$0x3FD9]  }
0x89: {  	s3 =	sld [smem:$0x3FFE];
	_ =	sdelay $0x1  }
0x8a: {  	s1 =	srdreg.scid  }
0x8b: {  	s0 =	sand.u32 $0x1, s1  }
0x8c: {  	s17 =	sshll.u32 s0, $0xA;
	s2 =	sadd.s32 s3, s2  }
0x8d: {  	s2 =	sadd.s32 s2, s17  }
0x8e: {  	[smem:$0x3FC7] =	sst s2  }
0x8f: {  	_ = 	snop  }
0x90: {  	s2 =	sld [smem:$0x3FD0];
	(tm) =	ssettm $0x1  }
0x91: {  	s18 =	sld [smem:$0x3FFB];
	_ =	sdelay $0x3  }
0x92: {  	_ =	strace s18  }
0x93: {  	s3 =	sld [smem:$0x3FFC];
	_ =	sdelay $0x3  }
0x94: {  	_ =	strace s3  }
0x95: {  	s3 =	sld [smem:$0x3FFD];
	_ =	sdelay $0x3  }
0x96: {  	_ =	strace s3  }
0x97: {  	_ =	strace $0x8FFFFFFF  }
0x98: {  	s19 =	sld [smem:$0x3FDB];
	_ =	sdelay $0x1  }
0x99: {  	s4 =	simm.s32 $_scs_section_size  }
0x9a: {  	s5 =	simm.s32 $_size__tile_overlayer_lowered;
	s6 =	simm.s32 $_tile_overlayer_lowered  }
0x9b: {  	s22 =	simm.s32 $0x1BFF;
	s21 =	sshll.u32 s6, $0x1;
	s3 =	sadd.s32 s4, s19  }
0x9c: {  	s7 =	simm.s32 $0x0;
	s20 =	sshll.u32 s5, $0x1;
	s5 =	sadd.s32 s21, s3  }
0x9d: {  	[timem:s7], [sflag:s22] =	dma.local [hbm:s5], s20  }
0x9e: {  	_ =	swait.ge [sflag:s22], s20  }
0x9f: {  	s4 =	ssub.s32 $0x0, s20;
	[sflag:s22] =	ssyncset.done $0x0  }
0xa0: {  	[sflag:s22] =	ssyncadd.s32 s4;
	_ =	sdelay $0x1  }
0xa1: {  	s23 =	simm.s32 $0x1B8B  }
0xa2: {  	_ =	swait.ge [sflag:s23], $0x1  }
0xa3: {  	[sflag:s23] =	ssyncset.done $0x0  }
0xa4: {  	s25 =	simm.s32 $0x1B8E;
	s24 =	sld [smem:$0x3FFE];
	[sflag:s23] =	ssyncadd.s32 $0xFFFFFFFF  }
0xa5: {  	s26 =	simm.s32 $execute0_lowered;
	[smem:$0x3FD2] =	sst s25  }
0xa6: {  	s5 =	sshll.u32 s26, $0x1;
	_ =	strace $0x80000046;
	[dreg:$0x1] =	wrdreg $0xFFFFFFFF  }
0xa7: {  	s28 =	simm.s32 $_size_execute0_lowered;
	s3 =	sadd.s32 s3, s5;
	[dreg:$0x0] =	wrdreg $0x0  }
0xa8: {  	s5 =	sshll.u32 s28, $0x1;
	[dreg:$0x2] =	wrdreg s3  }
0xa9: {  	[dreg:$0x3] =	wrdreg s5  }
0xaa: {  	[dreg:$0x4] =	wrdreg $0xC0  }
0xab: {  	_ =	task [dreg:s7], $0x5FFFF  }
0xac: {  	[dreg:$0x1] =	wrdreg $0xFFFFFFFF  }
0xad: {  	[dreg:$0x0] =	wrdreg $0x60  }
0xae: {  	[dreg:$0x2] =	wrdreg s24  }
0xaf: {  	[dreg:$0x3] =	wrdreg s2  }
0xb0: {  	[dreg:$0x4] =	wrdreg $0x9  }
0xb1: {  	_ =	task.clear_ibuf [dreg:s7], $0x5FFFF;
	_ =	strace $0x90000046  }
0xb2: {  	s29 =	simm.s32 $0x9;
	_ =	strace $0x80000048  }
0xb3: {  	_ =	swait.ge [sflag:s29], $0x1  }
0xb4: {  	[sflag:s29] =	ssyncadd.s32 $0xFFFFFFFF  }
0xb5: {  	_ =	strace $0x90000048  }
0xb6: {  	_ =	sfence  }
0xb7: {  	s30 =	sld [smem:$0x0];
	_ =	sdelay $0x2  }
0xb8: {  	s31 =	sshll.u32 s1, $0xD;
	s1 =	sshrl.u32 s1, $0x2  }
0xb9: {  	s3 =	sand.u32 $0x4000, s31;
	s1 =	sadd.s32 s1, s30  }
0xba: {  	s0 =	sor.u32 s3, s0;
	s1 =	sshll.u32 s1, $0x11  }
0xbb: {  	s0 =	sor.u32 s1, s0  }
0xbc: {  	s0 =	sadd.s32 $0x8F2B, s0  }
0xbd: {  	[sflag:s0] =	ssyncadd.remote.s32 $0x1  }
0xbe: {  	_ =	sfence.sel $0xFFFF  }
0xbf: {  	[dreg:$0x0] =	wrdreg $0xFFFFFFFF;
	(pc) =	sbr.abs _section_cstart, $3  }
0xc0: {  	[dreg:$0x1] =	wrdreg $0xFFFFFFFF  }
0xc1: {  	_ =	task.clear_ibuf [dreg:s7], $0x2FFFF;
	_ =	strace $0x9FFFFFFF  }
0xc2: {  	(tm) =	ssettm $0x7FFFFFFF  }
0xc3: {  	_ =	shalt  }
tec
execute0_lowered:
.L_overlay_start_1:
0x0: {  	(tag) =	ssettag $0x1  }
0x1: {  	s4 =	rddreg [dreg:$0x0]  }
0x2: {  	s5 =	rddreg [dreg:$0x1]  }
0x3: {  	s0 =	rddreg [dreg:$0x2];
	s2 =	simm.s32 $0x0;
	s3 =	srdreg.scid  }
0x4: {  	s1 =	stileid.u32;
	s9 =	simm.s32 $0x280;
	s10 =	simm.s32 $0x100  }
0x5: {  	s11 =	simm.s32 $0x300;
	s12 =	simm.s32 $0x180;
	s13 =	simm.s32 $0x380  }
0x6: {  	s14 =	simm.s32 $0x1;
	s15 =	simm.s32 $0x2;
	s16 =	simm.s32 $0x0  }
0x7: {  	[smem:$0x7FF] =	sst s2;
	s3 =	sand.u32 $0x1, s3;
	s7 =	sshll.u32 s1, $0xA  }
0x8: {  	s4 =	sadd.s32 $0x600, s4;
	s6 =	ssub.s32 $0x2, s3;
	s3 =	sshll.u32 s3, $0x9  }
0x9: {  	v0 =	vmov s1;
	_ =	strace $0x80000047;
	s8 =	sshrl.u32 s6, $0x1;
	s7 =	sor.u32 s3, s7  }
0xa: {  	v1 =	vlaneseq.u32;
	v0 =	vor.u32 $0x800, v0;
	s6 =	ssub.s32 s6, s8;
	s7 =	sshrl.u32 s7, $0x3;
	s8 =	simm.s32 $0x200  }
0xb: {  	v1 =	vadd.s32 $0xFFFFFE01, v1;
	v0 =	vbroadcast v0, $0x0;
	s5 =	sadd.s32 s5, s7;
	s6 =	smax.u32 s6, $0x1;
	s7 =	simm.s32 $0x80  }
.LBB2_1:
0xc: {  	v2 =	vadd.s32 s3, v1  }
0xd: {  	vm0 =	vgt.s32 v2, $0xFFFFFF80  }
0xe: {  	v2 =	vnsel vm0, $0xFFFFFF80, v2  }
0xf: {  	vm0 =	vlt.s32 v2, $0x80  }
0x10: {  	v2 =	vnsel vm0, $0x80, v2  }
0x11: {  	s17 =	simm.s32 $0x40;
	s19 =	sadd.s32 $0x10, s3;
	s18 =	simm.s32 $0x0;
	v2 =	vshll.u32 v2, $0x4  }
.LBB2_2:
0x12: {  	p0 =	sne.s32 s17, $0x7C0  }
0x13: {  	v3 =	vadd.s32 s19, v1;
	v2 =	vadd.s32 v0, v2;
	s20 =	sshra.s32 s18, $0x2;
	s18 =	smov.u32 s17;
	s17 =	sadd.s32 $0x40, s17  }
.Ltmp0:
0x14: {  	vm0 =	vgt.s32 v3, $0xFFFFFF80;
	[tilespmem:s20+$0x0] =	vst v2;
	(pc) =	sbr.rel @p0 .LBB2_2-.Ltmp0, $4  }
0x15: {  	v2 =	vnsel vm0, $0xFFFFFF80, v3  }
0x16: {  	vm0 =	vlt.s32 v2, $0x80  }
0x17: {  	v2 =	vnsel vm0, $0x80, v2  }
0x18: {  	s19 =	sadd.s32 $0x10, s19;
	v2 =	vshll.u32 v2, $0x4  }
0x19: {  	v2 =	vadd.s32 v0, v2;
	s17 =	sshra.s32 s18, $0x2  }
0x1a: {  	[tilespmem:s17+$0x0] =	vst v2  }
0x1b: {  	[tilespmem:s8], [sflag:$0x1] =	stream.indirect.gather [hbm4b:s4+s7], $0x1, s2, s7, $0xb8;
	[tilespmem:$0x400] =	vst v63  }
0x1c: {  	_ = 	snop  }
0x1d: {  	[tilespmem:s9], [sflag:$0x1] =	stream.indirect.gather [hbm4b:s4+s7], $0x1, s7, s7, $0xb8;
	[tilespmem:$0x400] =	vst v63  }
0x1e: {  	_ = 	snop  }
0x1f: {  	[tilespmem:s11], [sflag:$0x1] =	stream.indirect.gather [hbm4b:s4+s7], $0x1, s10, s7, $0xb8;
	[tilespmem:$0x400] =	vst v63  }
0x20: {  	_ = 	snop  }
0x21: {  	[tilespmem:s13], [sflag:$0x1] =	stream.indirect.gather [hbm4b:s4+s7], $0x1, s12, s7, $0xb8;
	[tilespmem:$0x400] =	vst v63  }
0x22: {  	_ =	swait.ge [sflag:s14], $0x80  }
0x23: {  	[sflag:s14] =	ssyncset.done $0x0  }
0x24: {  	[sflag:s14] =	ssyncadd.s32 $0xFFFFFF80  }
0x25: {  	_ =	swait.ge [sflag:s14], $0x80  }
0x26: {  	[sflag:s14] =	ssyncset.done $0x0  }
0x27: {  	[sflag:s14] =	ssyncadd.s32 $0xFFFFFF80  }
0x28: {  	_ =	swait.ge [sflag:s14], $0x80  }
0x29: {  	[sflag:s14] =	ssyncset.done $0x0  }
0x2a: {  	[sflag:s14] =	ssyncadd.s32 $0xFFFFFF80  }
0x2b: {  	s16 =	sadd.s32 $0x1, s16;
	_ =	swait.ge [sflag:s14], $0x80  }
0x2c: {  	p0 =	sne.s32 s16, s6;
	[sflag:s14] =	ssyncset.done $0x0  }
.Ltmp1:
0x2d: {  	[sflag:s14] =	ssyncadd.s32 $0xFFFFFF80;
	(pc) =	sbr.rel @p0 .LBB2_1-.Ltmp1, $4  }
0x2e: {  	[hbm4b:s5+s2] =	stream.linear.scatter [tilespmem:s8], [sflag:$0x2], $0x200, $0x38;
	[tilespmem:$0x400] =	vst v63  }
0x2f: {  	_ =	swait.ge [sflag:s15], $0x200  }
0x30: {  	[sflag:s15] =	ssyncset.done $0x0  }
0x31: {  	[sflag:s15] =	ssyncadd.s32 $0xFFFFFE00  }
0x32: {  	_ =	sfence.sel $0x180000  }
0x33: {  	[bflag:$0x0] =	sbarrier.arrive $0xFFFF  }
0x34: {  	p0 =	sne.s32 s1, $0x0;
	_ =	strace $0x90000047  }
0x35: {  	s0 =	sadd.s32 @!p0 $0x100000, s0;
	[bflag:$0x2] =	sbarrier.arrive $0xFFFF  }
0x36: {  	[sflag:s0] =	ssyncadd.tile.s32 @!p0 $0x1;
	_ =	shalt  }
.Lfunc_end2:
_tile_overlayer_lowered:
.L_overlay_start_2:
0x37: {  	(tag) =	ssettag $0x2  }
0x38: {  	s0 =	rddreg [dreg:$0x0];
	s2 =	stileid.u32  }
0x39: {  	s1 =	rddreg [dreg:$0x1];
	p0 =	sne.s32 s2, $0x0  }
0x3a: {  	s3 =	rddreg [dreg:$0x2];
	[bflag:$0x3] =	sbarrier.arrive $0xFFFF;
	s2 =	simm.s32 @!p0 $0x1C02  }
0x3b: {  	[timem:s3], [sflag:s2] =	dma.local @!p0 [hbm:s0], s1  }
0x3c: {  	s0 =	simm.s32 @!p0 $0x2  }
0x3d: {  	_ =	swait.ge @!p0 [sflag:s0], s1  }
0x3e: {  	s1 =	ssub.s32 @!p0 $0x0, s1;
	[sflag:s0] =	ssyncset.done @!p0 $0x0  }
0x3f: {  	[sflag:s0] =	ssyncadd.s32 @!p0 s1  }
0x40: {  	[bflag:$0x3] =	sbarrier.arrive $0xFFFF  }
0x41: {  	_ =	shalt  }

</sc_bundles>
